<compile_context>
chip_gen: v7x
topology: tpu7x:2x2x1
jax: 0.10.2.dev20260603
libtpu: 0.0.44.dev20260713+nightly
codegen_flags: <defaults>
</compile_context>

<pallas_src>
import functools

import jax
import jax.numpy as jnp
from jax import lax
from jax.experimental import pallas as pl
from jax.experimental.pallas import tpu as pltpu
from jax.experimental.pallas import tpu_sc as plsc

N = 10000
D = 128
H = 128
C = 40
G = 64

NC = 2
NS = 16
K = 128
CHUNKS = 80
E_PAD = NC * NS * K * CHUNKS
ROWS_PER_CORE = NS * CHUNKS
NPAD = 10240
ZROWS = NPAD // NS

_mesh = plsc.VectorSubcoreMesh(core_axis_name="c", subcore_axis_name="s")


@functools.partial(
    pl.kernel,
    out_type=jax.ShapeDtypeStruct((NC, NPAD, 16), jnp.float32),
    mesh=_mesh,
    scratch_types=[
        [pltpu.VMEM((K,), jnp.int32) for _ in range(4)],
        pltpu.VMEM((K, 16), jnp.float32),
        pltpu.VMEM_SHARED((NPAD, 16), jnp.float32),
        [pltpu.SemaphoreType.DMA for _ in range(4)],
    ],
)
def _sc_degree(dst_ref, zeros_ref, out_ref, idx_v, ones_v, acc_sh, semi):
    c = lax.axis_index("c")
    s = lax.axis_index("s")

    def fill(i, _):
        ones_v[i] = jnp.ones((16,), jnp.float32)
        return 0

    lax.fori_loop(0, K, fill, 0)
    pltpu.sync_copy(zeros_ref.at[pl.ds(s * ZROWS, ZROWS)],
                    acc_sh.at[pl.ds(s * ZROWS, ZROWS)])
    plsc.subcore_barrier()

    base_e = (c * ROWS_PER_CORE + s * CHUNKS) * K

    def start_idx(j, sl):
        pltpu.async_copy(dst_ref.at[pl.ds(base_e + j * K, K)], idx_v[sl], semi[sl])

    def wait_idx(j, sl):
        pltpu.make_async_copy(dst_ref.at[pl.ds(base_e + j * K, K)], idx_v[sl],
                              semi[sl]).wait()

    NB = CHUNKS // 4
    for k in range(4):
        start_idx(k, k)

    def body(i, _):
        for k in range(4):
            wait_idx(4 * i + k, k)
            pltpu.sync_copy(ones_v, acc_sh.at[idx_v[k]], add=True)

            @pl.when(i < NB - 1)
            def _():
                start_idx(4 * i + 4 + k, k)

        return 0

    lax.fori_loop(0, NB, body, 0)
    plsc.subcore_barrier()
    pltpu.sync_copy(acc_sh.at[pl.ds(s * ZROWS, ZROWS)],
                    out_ref.at[c, pl.ds(s * ZROWS, ZROWS)])


@functools.partial(
    pl.kernel,
    out_type=jax.ShapeDtypeStruct((NC, NPAD, H), jnp.float32),
    mesh=_mesh,
    scratch_types=[
        [pltpu.VMEM((K,), jnp.int32) for _ in range(4)],
        [pltpu.VMEM((K,), jnp.int32) for _ in range(4)],
        [pltpu.VMEM((K, H), jnp.float32) for _ in range(2)],
        pltpu.VMEM_SHARED((NPAD, H), jnp.float32),
        [pltpu.SemaphoreType.DMA for _ in range(4)],
    ],
)
def _sc_scatter(y_ref, src_ref, dst_ref, zeros_ref, out_ref, idx_s, idx_d, rows,
                acc_sh, semi):
    c = lax.axis_index("c")
    s = lax.axis_index("s")

    pltpu.sync_copy(zeros_ref.at[pl.ds(s * ZROWS, ZROWS)],
                    acc_sh.at[pl.ds(s * ZROWS, ZROWS)])
    plsc.subcore_barrier()

    base_e = (c * ROWS_PER_CORE + s * CHUNKS) * K

    def start_idx(j, sl):
        pltpu.async_copy(src_ref.at[pl.ds(base_e + j * K, K)], idx_s[sl], semi[sl])
        pltpu.async_copy(dst_ref.at[pl.ds(base_e + j * K, K)], idx_d[sl], semi[sl])

    def wait_idx(j, sl):
        pltpu.make_async_copy(src_ref.at[pl.ds(base_e + j * K, K)], idx_s[sl],
                              semi[sl]).wait()
        pltpu.make_async_copy(dst_ref.at[pl.ds(base_e + j * K, K)], idx_d[sl],
                              semi[sl]).wait()

    def scatter(sl, r):
        pltpu.sync_copy(rows[r], acc_sh.at[idx_d[sl]], add=True)

    NB = CHUNKS // 4
    for k in range(4):
        start_idx(k, k)

    def body(i, _):
        for k in range(4):
            j = 4 * i + k
            wait_idx(j, k)
            pltpu.sync_copy(y_ref.at[idx_s[k]], rows[k % 2])
            p = (k + 3) % 4

            @pl.when((i > 0) | (k > 0))
            def _():
                scatter(p, (k + 1) % 2)
                pl.delay(3000)

            @pl.when(((i > 0) | (k > 0)) & (j + 3 < CHUNKS))
            def _():
                start_idx(j + 3, p)

        return 0

    lax.fori_loop(0, NB, body, 0)
    scatter(3, 1)
    pl.delay(20000)
    plsc.subcore_barrier()
    pltpu.sync_copy(acc_sh.at[pl.ds(s * ZROWS, ZROWS)],
                    out_ref.at[c, pl.ds(s * ZROWS, ZROWS)])


BM = 400
GRID = N // BM

_dot = functools.partial(lax.dot_general, precision=lax.Precision.HIGHEST,
                         preferred_element_type=jnp.float32)


def _mm(a, b):
    return _dot(a, b, dimension_numbers=(((1,), (0,)), ((), ())))


def _tc_matmul_scale_body(x_ref, w_ref, d_ref, y_ref):
    y_ref[...] = d_ref[...] * _mm(x_ref[...], w_ref[...])


def _tc_matmul_scale(x, w, dis_col):
    return pl.pallas_call(
        _tc_matmul_scale_body,
        grid=(GRID,),
        in_specs=[
            pl.BlockSpec((BM, D), lambda i: (i, 0)),
            pl.BlockSpec((D, H), lambda i: (0, 0)),
            pl.BlockSpec((BM, 1), lambda i: (i, 0)),
        ],
        out_specs=pl.BlockSpec((BM, H), lambda i: (i, 0)),
        out_shape=jax.ShapeDtypeStruct((N, H), jnp.float32),
    )(x, w, dis_col)


def _bn_consts(st_ref):
    n = jnp.float32(N)
    mu = st_ref[0:1, :] / n
    var = st_ref[1:2, :] / n - mu * mu
    inv = lax.rsqrt(var + 1e-5)
    return mu, inv


def _tc_post_body(p0_ref, p1_ref, y_ref, d_ref, b_ref, p_ref, st_ref):
    h = d_ref[...] * (p0_ref[0] + p1_ref[0] + y_ref[...]) + b_ref[...]
    pr = jnp.maximum(h, 0.0)
    p_ref[...] = pr

    @pl.when(pl.program_id(0) == 0)
    def _():
        st_ref[...] = jnp.zeros_like(st_ref)

    st_ref[0:1, :] += jnp.sum(pr, axis=0, keepdims=True)
    st_ref[1:2, :] += jnp.sum(pr * pr, axis=0, keepdims=True)


def _tc_post(parts, y, dis_col, b):
    return pl.pallas_call(
        _tc_post_body,
        grid=(GRID,),
        in_specs=[
            pl.BlockSpec((1, BM, H), lambda i: (0, i, 0)),
            pl.BlockSpec((1, BM, H), lambda i: (1, i, 0)),
            pl.BlockSpec((BM, H), lambda i: (i, 0)),
            pl.BlockSpec((BM, 1), lambda i: (i, 0)),
            pl.BlockSpec((1, H), lambda i: (0, 0)),
        ],
        out_specs=[
            pl.BlockSpec((BM, H), lambda i: (i, 0)),
            pl.BlockSpec((8, H), lambda i: (0, 0)),
        ],
        out_shape=[
            jax.ShapeDtypeStruct((N, H), jnp.float32),
            jax.ShapeDtypeStruct((8, H), jnp.float32),
        ],
    )(parts, parts, y, dis_col, b.reshape(1, H))


def _tc_norm_matmul_scale_body(p_ref, st_ref, g_ref, be_ref, w_ref, d_ref, y_ref):
    mu, inv = _bn_consts(st_ref)
    xn = (p_ref[...] - mu) * (inv * g_ref[...]) + be_ref[...]
    y_ref[...] = d_ref[...] * _mm(xn, w_ref[...])


def _tc_norm_matmul_scale(p, st, g, be, w, dis_col):
    return pl.pallas_call(
        _tc_norm_matmul_scale_body,
        grid=(GRID,),
        in_specs=[
            pl.BlockSpec((BM, H), lambda i: (i, 0)),
            pl.BlockSpec((8, H), lambda i: (0, 0)),
            pl.BlockSpec((1, H), lambda i: (0, 0)),
            pl.BlockSpec((1, H), lambda i: (0, 0)),
            pl.BlockSpec((H, H), lambda i: (0, 0)),
            pl.BlockSpec((BM, 1), lambda i: (i, 0)),
        ],
        out_specs=pl.BlockSpec((BM, H), lambda i: (i, 0)),
        out_shape=jax.ShapeDtypeStruct((N, H), jnp.float32),
    )(p, st, g.reshape(1, H), be.reshape(1, H), w, dis_col)


def _tc_pool_body(p_ref, st_ref, g_ref, be_ref, b_ref, sums_ref, cnts_ref):
    mu, inv = _bn_consts(st_ref)
    xn = (p_ref[...] - mu) * (inv * g_ref[...]) + be_ref[...]
    ids = lax.broadcasted_iota(jnp.int32, (BM, G), 1)
    sel = (b_ref[...] == ids).astype(jnp.float32)

    @pl.when(pl.program_id(0) == 0)
    def _():
        sums_ref[...] = jnp.zeros_like(sums_ref)
        cnts_ref[...] = jnp.zeros_like(cnts_ref)

    sums_ref[...] += _dot(sel, xn, dimension_numbers=(((0,), (0,)), ((), ())))
    cnts_ref[...] += jnp.broadcast_to(jnp.sum(sel, axis=0)[:, None], (G, H))


def _tc_pool(p, st, g, be, batch_col):
    return pl.pallas_call(
        _tc_pool_body,
        grid=(GRID,),
        in_specs=[
            pl.BlockSpec((BM, H), lambda i: (i, 0)),
            pl.BlockSpec((8, H), lambda i: (0, 0)),
            pl.BlockSpec((1, H), lambda i: (0, 0)),
            pl.BlockSpec((1, H), lambda i: (0, 0)),
            pl.BlockSpec((BM, 1), lambda i: (i, 0)),
        ],
        out_specs=[
            pl.BlockSpec((G, H), lambda i: (0, 0)),
            pl.BlockSpec((G, H), lambda i: (0, 0)),
        ],
        out_shape=[
            jax.ShapeDtypeStruct((G, H), jnp.float32),
            jax.ShapeDtypeStruct((G, H), jnp.float32),
        ],
    )(p, st, g.reshape(1, H), be.reshape(1, H), batch_col)


def _tc_final_body(s_ref, c_ref, w_ref, b_ref, o_ref):
    m = s_ref[...] / jnp.maximum(c_ref[...], 1.0)
    o_ref[...] = _mm(m, w_ref[...]) + b_ref[...]


def _tc_final(sums, cnts, wl, bl):
    return pl.pallas_call(
        _tc_final_body,
        out_shape=jax.ShapeDtypeStruct((G, C), jnp.float32),
    )(sums, cnts, wl, bl.reshape(1, C))


def kernel(x, edge_index, batch, W1, b1, g1, be1, W2, b2, g2, be2, Wl, bl):
    src = edge_index[0]
    dst = edge_index[1]
    pad = E_PAD - src.shape[0]
    ar = jnp.arange(pad, dtype=jnp.int32)
    src_p = jnp.concatenate([src, ar % N])
    dst_p = jnp.concatenate([dst, N + ar % (NPAD - N)])

    degp = _sc_degree(dst_p, jnp.zeros((NPAD, 16), jnp.float32))
    deg = degp[0, :N, 0:1] + degp[1, :N, 0:1] + 1.0
    dis_col = lax.rsqrt(deg)

    zeros_h = jnp.zeros((NPAD, H), jnp.float32)
    y1 = _tc_matmul_scale(x, W1, dis_col)
    parts1 = _sc_scatter(y1, src_p, dst_p, zeros_h)
    p1, st1 = _tc_post(parts1, y1, dis_col, b1)

    y2 = _tc_norm_matmul_scale(p1, st1, g1, be1, W2, dis_col)
    parts2 = _sc_scatter(y2, src_p, dst_p, zeros_h)
    p2, st2 = _tc_post(parts2, y2, dis_col, b2)

    sums, cnts = _tc_pool(p2, st2, g2, be2, batch.reshape(N, 1))
    return _tc_final(sums, cnts, Wl, bl)

# --- scband reference (transcript-rebuilt; emitter-appended) ---
"""Pipeline reference for scband-gcn-50276887167405 (READ-ONLY COPY).

The authoritative reference and input builder live on the scoring server;
editing this copy changes nothing except your own understanding.
"""

import jax, jax.numpy as jnp
import numpy as np

N = 10000
E = 320000
D = 128
H = 128
C = 40
G = 64

def setup_inputs(seed: int = 0) -> dict:
    key = jax.random.key(seed)
    ks = jax.random.split(key, 16)
    x = jax.random.normal(ks[0], (N, D), dtype=jnp.float32)
    edge_index = jax.random.randint(ks[1], (2, E), 0, N, dtype=jnp.int32)
    batch = jnp.sort(jax.random.randint(ks[2], (N,), 0, G, dtype=jnp.int32))
    W1 = jax.random.normal(ks[3], (D, H), dtype=jnp.float32) * (1.0 / np.sqrt(D))
    b1 = jnp.zeros((H,), dtype=jnp.float32)
    g1 = jnp.ones((H,), dtype=jnp.float32)
    be1 = jnp.zeros((H,), dtype=jnp.float32)
    W2 = jax.random.normal(ks[4], (H, H), dtype=jnp.float32) * (1.0 / np.sqrt(H))
    b2 = jnp.zeros((H,), dtype=jnp.float32)
    g2 = jnp.ones((H,), dtype=jnp.float32)
    be2 = jnp.zeros((H,), dtype=jnp.float32)
    Wl = jax.random.normal(ks[5], (H, C), dtype=jnp.float32) * (1.0 / np.sqrt(H))
    bl = jnp.zeros((C,), dtype=jnp.float32)
    return {"x": x, "edge_index": edge_index, "batch": batch,
            "W1": W1, "b1": b1, "g1": g1, "be1": be1,
            "W2": W2, "b2": b2, "g2": g2, "be2": be2,
            "Wl": Wl, "bl": bl}

def _gcn_conv(x, W, b, src, dst, n):
    # PyG GCNConv: x' = D^{-1/2} (A + I) D^{-1/2} X W + b
    xw = x @ W
    loop = jnp.arange(n, dtype=src.dtype)
    s = jnp.concatenate([src, loop])
    d = jnp.concatenate([dst, loop])
    deg = jnp.zeros((n,), xw.dtype).at[d].add(1.0)
    dis = jnp.where(deg > 0, deg ** -0.5, 0.0)
    norm = dis[s] * dis[d]
    msg = xw[s] * norm[:, None]
    out = jnp.zeros((n, xw.shape[1]), xw.dtype).at[d].add(msg)
    return out + b

def _batchnorm(x, gamma, beta, eps=1e-5):
    mu = jnp.mean(x, axis=0)
    var = jnp.var(x, axis=0)
    return (x - mu) / jnp.sqrt(var + eps) * gamma + beta

def reference(x, edge_index, batch, W1, b1, g1, be1, W2, b2, g2, be2, Wl, bl):
    src, dst = edge_index[0], edge_index[1]
    h = _gcn_conv(x, W1, b1, src, dst, N)
    h = _batchnorm(jax.nn.relu(h), g1, be1)
    h = _gcn_conv(h, W2, b2, src, dst, N)
    h = _batchnorm(jax.nn.relu(h), g2, be2)
    h = h @ Wl + bl
    # PowerMeanAggregation with default p=1.0 -> mean pooling per graph
    sums = jax.ops.segment_sum(h, batch, num_segments=G)
    cnts = jax.ops.segment_sum(jnp.ones((N, 1), h.dtype), batch, num_segments=G)
    return sums / jnp.maximum(cnts, 1.0)

if __name__ == "__main__":
    import jax
    _d = setup_inputs()
    print(jax.jit(kernel)(*tuple(_d.values())))

</pallas_src>

<mosaic_0001>
#map = affine_map<(d0, d1) -> (0)>
#map1 = affine_map<(d0, d1) -> (0, 0)>
#map2 = affine_map<(d0, d1) -> (0, 0, 0)>
module attributes {stable_mosaic.version = 14 : i64} {
  func.func @_sc_degree(%arg0: i32, %arg1: i32, %arg2: memref<327680xi32, #tpu.memory_space<hbm>>, %arg3: memref<10240x16xf32, #tpu.memory_space<hbm>>, %arg4: memref<2x10240x16xf32, #tpu.memory_space<hbm>>, %arg5: memref<128xi32, #tpu.memory_space<vmem>>, %arg6: memref<128xi32, #tpu.memory_space<vmem>>, %arg7: memref<128xi32, #tpu.memory_space<vmem>>, %arg8: memref<128xi32, #tpu.memory_space<vmem>>, %arg9: memref<128x16xf32, #tpu.memory_space<vmem>>, %arg10: memref<10240x16xf32, #tpu.memory_space<vmem_shared>>, %arg11: memref<!tpu.dma_semaphore, #tpu.memory_space<semaphore_mem>>, %arg12: memref<!tpu.dma_semaphore, #tpu.memory_space<semaphore_mem>>, %arg13: memref<!tpu.dma_semaphore, #tpu.memory_space<semaphore_mem>>, %arg14: memref<!tpu.dma_semaphore, #tpu.memory_space<semaphore_mem>>) attributes {dimension_semantics = [#tpu.dimension_semantics<core_parallel>, #tpu.dimension_semantics<subcore_parallel>], iteration_bounds = array<i64: 2, 16>, scalar_prefetch = 0 : i64, scratch_operands = 10 : i64, tpu.core_type = #tpu.core_type<sc_vector_subcore>, window_params = [{transform_indices = #map}, {transform_indices = #map1}, {transform_indices = #map2}]} {
    %scan3A = arith.constant 0 : i32
    %scan3A_0 = arith.constant 0 : i32
    %scan3A_1 = arith.constant 128 : i32
    %scan3A_2 = arith.addi %scan3A_0, %scan3A_1 : i32
    %scan3A_3 = arith.constant 1 : i32
    %scan3A_4 = scf.for %scan3A_42 = %scan3A_0 to %scan3A_2 step %scan3A_3 iter_args(%scan3A_43 = %scan3A) -> (i32)  : i32 {
      %broadcast_in_dim3A = arith.constant 1.000000e+00 : f32
      %broadcast_in_dim3A_44 = vector.broadcast %broadcast_in_dim3A : f32 to vector<16xf32>
      %swap3A = arith.index_cast %scan3A_42 : i32 to index
      %swap3A_45 = arith.constant 0 : index
      %swap3A_46 = tpu.vector_load %arg9[%swap3A, %swap3A_45] {strides = array<i32>} : memref<128x16xf32, #tpu.memory_space<vmem>>, vector<1x16xf32>,
      %swap3A_47 = vector.shape_cast %swap3A_46 : vector<1x16xf32> to vector<16xf32>
      %swap3A_48 = vector.shape_cast %broadcast_in_dim3A_44 : vector<16xf32> to vector<1x16xf32>
      tpu.vector_store %arg9[%swap3A, %swap3A_45], %swap3A_48 {strides = array<i32>} : memref<128x16xf32, #tpu.memory_space<vmem>>, vector<1x16xf32>,
      %scan3A_49 = arith.constant 0 : i32
      scf.yield %scan3A_49 : i32
    }
    %scan3A_5 = arith.constant 128 : i32
    %mul3A = arith.constant 640 : i32
    %mul3A_6 = arith.muli %arg1, %mul3A : i32
    %mul3A_7 = arith.constant 640 : i32
    %mul3A_8 = arith.muli %arg1, %mul3A_7 : i32
    "tpu.region"() ({
      %run_scoped3A = tpu.sem_alloc : memref<!tpu.dma_semaphore, #tpu.memory_space<semaphore_mem>>
      %dma_start3A_42 = arith.constant 0 : i32
      %dma_start3A_43 = tpu.memref_slice %arg10[%mul3A_8, %dma_start3A_42] : memref<10240x16xf32, #tpu.memory_space<vmem_shared>> -> memref<640x16xf32, #tpu.memory_space<vmem_shared>>
      %dma_start3A_44 = arith.constant 0 : i32
      %dma_start3A_45 = tpu.memref_slice %arg3[%mul3A_6, %dma_start3A_44] : memref<10240x16xf32, #tpu.memory_space<hbm>> -> memref<640x16xf32, #tpu.memory_space<hbm>>
      tpu.enqueue_dma source(%dma_start3A_45 : memref<640x16xf32, #tpu.memory_space<hbm>>) target(%dma_start3A_43 : memref<640x16xf32, #tpu.memory_space<vmem_shared>>) target_semaphore(%run_scoped3A : memref<!tpu.dma_semaphore, #tpu.memory_space<semaphore_mem>>)
      %dma_wait3A = arith.constant 0 : i32
      %dma_wait3A_46 = tpu.memref_slice %arg10[%mul3A_8, %dma_wait3A] : memref<10240x16xf32, #tpu.memory_space<vmem_shared>> -> memref<640x16xf32, #tpu.memory_space<vmem_shared>>
      %dma_wait3A_47 = arith.constant 0 : i32
      %dma_wait3A_48 = tpu.memref_slice %arg3[%mul3A_6, %dma_wait3A_47] : memref<10240x16xf32, #tpu.memory_space<hbm>> -> memref<640x16xf32, #tpu.memory_space<hbm>>
      tpu.wait_dma2 semaphore(%run_scoped3A : memref<!tpu.dma_semaphore, #tpu.memory_space<semaphore_mem>>) src(%dma_wait3A_48 : memref<640x16xf32, #tpu.memory_space<hbm>>) dst(%dma_wait3A_46 : memref<640x16xf32, #tpu.memory_space<vmem_shared>>)
      tpu.yield
    }) : () -> ()
    %barrier3A = arith.constant 0 : index
    tpu.barrier barrier_id(%barrier3A)
    %mul3A_9 = arith.constant 1280 : i32
    %mul3A_10 = arith.muli %arg0, %mul3A_9 : i32
    %mul3A_11 = arith.constant 80 : i32
    %mul3A_12 = arith.muli %arg1, %mul3A_11 : i32
    %add3A = arith.addi %mul3A_10, %mul3A_12 : i32
    %mul3A_13 = arith.constant 128 : i32
    %mul3A_14 = arith.muli %add3A, %mul3A_13 : i32
    %add3A_15 = arith.constant 0 : i32
    %add3A_16 = arith.addi %mul3A_14, %add3A_15 : i32
    %dma_start3A = tpu.memref_slice %arg2[%add3A_16] : memref<327680xi32, #tpu.memory_space<hbm>> -> memref<128xi32, #tpu.memory_space<hbm>>
    %dma_start3A_17 = tpu.memref_slice %arg2[%add3A_16] : memref<327680xi32, #tpu.memory_space<hbm>> -> memref<128xi32, #tpu.memory_space<hbm>>
    tpu.enqueue_dma source(%dma_start3A_17 : memref<128xi32, #tpu.memory_space<hbm>>) target(%arg5 : memref<128xi32, #tpu.memory_space<vmem>>) target_semaphore(%arg11 : memref<!tpu.dma_semaphore, #tpu.memory_space<semaphore_mem>>)
    %add3A_18 = arith.constant 128 : i32
    %add3A_19 = arith.addi %mul3A_14, %add3A_18 : i32
    %dma_start3A_20 = tpu.memref_slice %arg2[%add3A_19] : memref<327680xi32, #tpu.memory_space<hbm>> -> memref<128xi32, #tpu.memory_space<hbm>>
    %dma_start3A_21 = tpu.memref_slice %arg2[%add3A_19] : memref<327680xi32, #tpu.memory_space<hbm>> -> memref<128xi32, #tpu.memory_space<hbm>>
    tpu.enqueue_dma source(%dma_start3A_21 : memref<128xi32, #tpu.memory_space<hbm>>) target(%arg6 : memref<128xi32, #tpu.memory_space<vmem>>) target_semaphore(%arg12 : memref<!tpu.dma_semaphore, #tpu.memory_space<semaphore_mem>>)
    %add3A_22 = arith.constant 256 : i32
    %add3A_23 = arith.addi %mul3A_14, %add3A_22 : i32
    %dma_start3A_24 = tpu.memref_slice %arg2[%add3A_23] : memref<327680xi32, #tpu.memory_space<hbm>> -> memref<128xi32, #tpu.memory_space<hbm>>
    %dma_start3A_25 = tpu.memref_slice %arg2[%add3A_23] : memref<327680xi32, #tpu.memory_space<hbm>> -> memref<128xi32, #tpu.memory_space<hbm>>
    tpu.enqueue_dma source(%dma_start3A_25 : memref<128xi32, #tpu.memory_space<hbm>>) target(%arg7 : memref<128xi32, #tpu.memory_space<vmem>>) target_semaphore(%arg13 : memref<!tpu.dma_semaphore, #tpu.memory_space<semaphore_mem>>)
    %add3A_26 = arith.constant 384 : i32
    %add3A_27 = arith.addi %mul3A_14, %add3A_26 : i32
    %dma_start3A_28 = tpu.memref_slice %arg2[%add3A_27] : memref<327680xi32, #tpu.memory_space<hbm>> -> memref<128xi32, #tpu.memory_space<hbm>>
    %dma_start3A_29 = tpu.memref_slice %arg2[%add3A_27] : memref<327680xi32, #tpu.memory_space<hbm>> -> memref<128xi32, #tpu.memory_space<hbm>>
    tpu.enqueue_dma source(%dma_start3A_29 : memref<128xi32, #tpu.memory_space<hbm>>) target(%arg8 : memref<128xi32, #tpu.memory_space<vmem>>) target_semaphore(%arg14 : memref<!tpu.dma_semaphore, #tpu.memory_space<semaphore_mem>>)
    %scan3A_30 = arith.constant 0 : i32
    %scan3A_31 = arith.constant 0 : i32
    %scan3A_32 = arith.constant 20 : i32
    %scan3A_33 = arith.addi %scan3A_31, %scan3A_32 : i32
    %scan3A_34 = arith.constant 1 : i32
    %scan3A_35 = scf.for %scan3A_42 = %scan3A_31 to %scan3A_33 step %scan3A_34 iter_args(%scan3A_43 = %scan3A_30) -> (i32)  : i32 {
      %mul3A_44 = arith.constant 4 : i32
      %mul3A_45 = arith.muli %mul3A_44, %scan3A_42 : i32
      %add3A_46 = arith.constant 0 : i32
      %add3A_47 = arith.addi %mul3A_45, %add3A_46 : i32
      %mul3A_48 = arith.constant 128 : i32
      %mul3A_49 = arith.muli %add3A_47, %mul3A_48 : i32
      %add3A_50 = arith.addi %mul3A_14, %mul3A_49 : i32
      %dma_wait3A = tpu.memref_slice %arg2[%add3A_50] : memref<327680xi32, #tpu.memory_space<hbm>> -> memref<128xi32, #tpu.memory_space<hbm>>
      %dma_wait3A_51 = tpu.memref_slice %arg2[%add3A_50] : memref<327680xi32, #tpu.memory_space<hbm>> -> memref<128xi32, #tpu.memory_space<hbm>>
      tpu.wait_dma2 semaphore(%arg11 : memref<!tpu.dma_semaphore, #tpu.memory_space<semaphore_mem>>) src(%dma_wait3A_51 : memref<128xi32, #tpu.memory_space<hbm>>) dst(%arg5 : memref<128xi32, #tpu.memory_space<vmem>>)
      "tpu.region"() ({
        %run_scoped3A = tpu.sem_alloc : memref<!tpu.dma_semaphore, #tpu.memory_space<semaphore_mem>>
        %dma_start3A_97 = arith.constant 0 : i32
        %dma_start3A_98 = arith.constant 0 : i32
        %dma_start3A_99 = tpu.memref_slice %arg10[%dma_start3A_97, %dma_start3A_98] : memref<10240x16xf32, #tpu.memory_space<vmem_shared>> -> memref<10240x16xf32, #tpu.memory_space<vmem_shared>>
        tpu.enqueue_indirect_dma source(%arg9 : memref<128x16xf32, #tpu.memory_space<vmem>>) target(%dma_start3A_99 : memref<10240x16xf32, #tpu.memory_space<vmem_shared>>) offsets(%arg5 : memref<128xi32, #tpu.memory_space<vmem>>) semaphore(%run_scoped3A : memref<!tpu.dma_semaphore, #tpu.memory_space<semaphore_mem>>) {add = true}
        %dma_wait3A_100 = arith.constant 0 : i32
        %dma_wait3A_101 = arith.constant 0 : i32
        %dma_wait3A_102 = tpu.memref_slice %arg10[%dma_wait3A_100, %dma_wait3A_101] : memref<10240x16xf32, #tpu.memory_space<vmem_shared>> -> memref<10240x16xf32, #tpu.memory_space<vmem_shared>>
        tpu.wait_indirect_dma semaphore(%run_scoped3A : memref<!tpu.dma_semaphore, #tpu.memory_space<semaphore_mem>>) src(%arg9 : memref<128x16xf32, #tpu.memory_space<vmem>>) dst(%dma_wait3A_102 : memref<10240x16xf32, #tpu.memory_space<vmem_shared>>)
        tpu.yield
      }) : () -> ()
      %lt3A = arith.constant 19 : i32
      %lt3A_52 = arith.cmpi slt, %scan3A_42, %lt3A : i32
      %convert_element_type3A = arith.extui %lt3A_52 : i1 to i32
      %cond3A = arith.constant 0 : i32
      %cond3A_53 = arith.cmpi ne, %convert_element_type3A, %cond3A : i32
      scf.if %cond3A_53 {
        %mul3A_97 = arith.constant 4 : i32
        %mul3A_98 = arith.muli %mul3A_97, %scan3A_42 : i32
        %add3A_99 = arith.constant 4 : i32
        %add3A_100 = arith.addi %mul3A_98, %add3A_99 : i32
        %add3A_101 = arith.constant 0 : i32
        %add3A_102 = arith.addi %add3A_100, %add3A_101 : i32
        %mul3A_103 = arith.constant 128 : i32
        %mul3A_104 = arith.muli %add3A_102, %mul3A_103 : i32
        %add3A_105 = arith.addi %mul3A_14, %mul3A_104 : i32
        %dma_start3A_106 = tpu.memref_slice %arg2[%add3A_105] : memref<327680xi32, #tpu.memory_space<hbm>> -> memref<128xi32, #tpu.memory_space<hbm>>
        %dma_start3A_107 = tpu.memref_slice %arg2[%add3A_105] : memref<327680xi32, #tpu.memory_space<hbm>> -> memref<128xi32, #tpu.memory_space<hbm>>
        tpu.enqueue_dma source(%dma_start3A_107 : memref<128xi32, #tpu.memory_space<hbm>>) target(%arg5 : memref<128xi32, #tpu.memory_space<vmem>>) target_semaphore(%arg11 : memref<!tpu.dma_semaphore, #tpu.memory_space<semaphore_mem>>)
      } else {
      }
      %mul3A_54 = arith.constant 4 : i32
      %mul3A_55 = arith.muli %mul3A_54, %scan3A_42 : i32
      %add3A_56 = arith.constant 1 : i32
      %add3A_57 = arith.addi %mul3A_55, %add3A_56 : i32
      %mul3A_58 = arith.constant 128 : i32
      %mul3A_59 = arith.muli %add3A_57, %mul3A_58 : i32
      %add3A_60 = arith.addi %mul3A_14, %mul3A_59 : i32
      %dma_wait3A_61 = tpu.memref_slice %arg2[%add3A_60] : memref<327680xi32, #tpu.memory_space<hbm>> -> memref<128xi32, #tpu.memory_space<hbm>>
      %dma_wait3A_62 = tpu.memref_slice %arg2[%add3A_60] : memref<327680xi32, #tpu.memory_space<hbm>> -> memref<128xi32, #tpu.memory_space<hbm>>
      tpu.wait_dma2 semaphore(%arg12 : memref<!tpu.dma_semaphore, #tpu.memory_space<semaphore_mem>>) src(%dma_wait3A_62 : memref<128xi32, #tpu.memory_space<hbm>>) dst(%arg6 : memref<128xi32, #tpu.memory_space<vmem>>)
      "tpu.region"() ({
        %run_scoped3A = tpu.sem_alloc : memref<!tpu.dma_semaphore, #tpu.memory_space<semaphore_mem>>
        %dma_start3A_97 = arith.constant 0 : i32
        %dma_start3A_98 = arith.constant 0 : i32
        %dma_start3A_99 = tpu.memref_slice %arg10[%dma_start3A_97, %dma_start3A_98] : memref<10240x16xf32, #tpu.memory_space<vmem_shared>> -> memref<10240x16xf32, #tpu.memory_space<vmem_shared>>
        tpu.enqueue_indirect_dma source(%arg9 : memref<128x16xf32, #tpu.memory_space<vmem>>) target(%dma_start3A_99 : memref<10240x16xf32, #tpu.memory_space<vmem_shared>>) offsets(%arg6 : memref<128xi32, #tpu.memory_space<vmem>>) semaphore(%run_scoped3A : memref<!tpu.dma_semaphore, #tpu.memory_space<semaphore_mem>>) {add = true}
        %dma_wait3A_100 = arith.constant 0 : i32
        %dma_wait3A_101 = arith.constant 0 : i32
        %dma_wait3A_102 = tpu.memref_slice %arg10[%dma_wait3A_100, %dma_wait3A_101] : memref<10240x16xf32, #tpu.memory_space<vmem_shared>> -> memref<10240x16xf32, #tpu.memory_space<vmem_shared>>
        tpu.wait_indirect_dma semaphore(%run_scoped3A : memref<!tpu.dma_semaphore, #tpu.memory_space<semaphore_mem>>) src(%arg9 : memref<128x16xf32, #tpu.memory_space<vmem>>) dst(%dma_wait3A_102 : memref<10240x16xf32, #tpu.memory_space<vmem_shared>>)
        tpu.yield
      }) : () -> ()
      %lt3A_63 = arith.constant 19 : i32
      %lt3A_64 = arith.cmpi slt, %scan3A_42, %lt3A_63 : i32
      %convert_element_type3A_65 = arith.extui %lt3A_64 : i1 to i32
      %cond3A_66 = arith.constant 0 : i32
      %cond3A_67 = arith.cmpi ne, %convert_element_type3A_65, %cond3A_66 : i32
      scf.if %cond3A_67 {
        %mul3A_97 = arith.constant 4 : i32
        %mul3A_98 = arith.muli %mul3A_97, %scan3A_42 : i32
        %add3A_99 = arith.constant 4 : i32
        %add3A_100 = arith.addi %mul3A_98, %add3A_99 : i32
        %add3A_101 = arith.constant 1 : i32
        %add3A_102 = arith.addi %add3A_100, %add3A_101 : i32
        %mul3A_103 = arith.constant 128 : i32
        %mul3A_104 = arith.muli %add3A_102, %mul3A_103 : i32
        %add3A_105 = arith.addi %mul3A_14, %mul3A_104 : i32
        %dma_start3A_106 = tpu.memref_slice %arg2[%add3A_105] : memref<327680xi32, #tpu.memory_space<hbm>> -> memref<128xi32, #tpu.memory_space<hbm>>
        %dma_start3A_107 = tpu.memref_slice %arg2[%add3A_105] : memref<327680xi32, #tpu.memory_space<hbm>> -> memref<128xi32, #tpu.memory_space<hbm>>
        tpu.enqueue_dma source(%dma_start3A_107 : memref<128xi32, #tpu.memory_space<hbm>>) target(%arg6 : memref<128xi32, #tpu.memory_space<vmem>>) target_semaphore(%arg12 : memref<!tpu.dma_semaphore, #tpu.memory_space<semaphore_mem>>)
      } else {
      }
      %mul3A_68 = arith.constant 4 : i32
      %mul3A_69 = arith.muli %mul3A_68, %scan3A_42 : i32
      %add3A_70 = arith.constant 2 : i32
      %add3A_71 = arith.addi %mul3A_69, %add3A_70 : i32
      %mul3A_72 = arith.constant 128 : i32
      %mul3A_73 = arith.muli %add3A_71, %mul3A_72 : i32
      %add3A_74 = arith.addi %mul3A_14, %mul3A_73 : i32
      %dma_wait3A_75 = tpu.memref_slice %arg2[%add3A_74] : memref<327680xi32, #tpu.memory_space<hbm>> -> memref<128xi32, #tpu.memory_space<hbm>>
      %dma_wait3A_76 = tpu.memref_slice %arg2[%add3A_74] : memref<327680xi32, #tpu.memory_space<hbm>> -> memref<128xi32, #tpu.memory_space<hbm>>
      tpu.wait_dma2 semaphore(%arg13 : memref<!tpu.dma_semaphore, #tpu.memory_space<semaphore_mem>>) src(%dma_wait3A_76 : memref<128xi32, #tpu.memory_space<hbm>>) dst(%arg7 : memref<128xi32, #tpu.memory_space<vmem>>)
      "tpu.region"() ({
        %run_scoped3A = tpu.sem_alloc : memref<!tpu.dma_semaphore, #tpu.memory_space<semaphore_mem>>
        %dma_start3A_97 = arith.constant 0 : i32
        %dma_start3A_98 = arith.constant 0 : i32
        %dma_start3A_99 = tpu.memref_slice %arg10[%dma_start3A_97, %dma_start3A_98] : memref<10240x16xf32, #tpu.memory_space<vmem_shared>> -> memref<10240x16xf32, #tpu.memory_space<vmem_shared>>
        tpu.enqueue_indirect_dma source(%arg9 : memref<128x16xf32, #tpu.memory_space<vmem>>) target(%dma_start3A_99 : memref<10240x16xf32, #tpu.memory_space<vmem_shared>>) offsets(%arg7 : memref<128xi32, #tpu.memory_space<vmem>>) semaphore(%run_scoped3A : memref<!tpu.dma_semaphore, #tpu.memory_space<semaphore_mem>>) {add = true}
        %dma_wait3A_100 = arith.constant 0 : i32
        %dma_wait3A_101 = arith.constant 0 : i32
        %dma_wait3A_102 = tpu.memref_slice %arg10[%dma_wait3A_100, %dma_wait3A_101] : memref<10240x16xf32, #tpu.memory_space<vmem_shared>> -> memref<10240x16xf32, #tpu.memory_space<vmem_shared>>
        tpu.wait_indirect_dma semaphore(%run_scoped3A : memref<!tpu.dma_semaphore, #tpu.memory_space<semaphore_mem>>) src(%arg9 : memref<128x16xf32, #tpu.memory_space<vmem>>) dst(%dma_wait3A_102 : memref<10240x16xf32, #tpu.memory_space<vmem_shared>>)
        tpu.yield
      }) : () -> ()
      %lt3A_77 = arith.constant 19 : i32
      %lt3A_78 = arith.cmpi slt, %scan3A_42, %lt3A_77 : i32
      %convert_element_type3A_79 = arith.extui %lt3A_78 : i1 to i32
      %cond3A_80 = arith.constant 0 : i32
      %cond3A_81 = arith.cmpi ne, %convert_element_type3A_79, %cond3A_80 : i32
      scf.if %cond3A_81 {
        %mul3A_97 = arith.constant 4 : i32
        %mul3A_98 = arith.muli %mul3A_97, %scan3A_42 : i32
        %add3A_99 = arith.constant 4 : i32
        %add3A_100 = arith.addi %mul3A_98, %add3A_99 : i32
        %add3A_101 = arith.constant 2 : i32
        %add3A_102 = arith.addi %add3A_100, %add3A_101 : i32
        %mul3A_103 = arith.constant 128 : i32
        %mul3A_104 = arith.muli %add3A_102, %mul3A_103 : i32
        %add3A_105 = arith.addi %mul3A_14, %mul3A_104 : i32
        %dma_start3A_106 = tpu.memref_slice %arg2[%add3A_105] : memref<327680xi32, #tpu.memory_space<hbm>> -> memref<128xi32, #tpu.memory_space<hbm>>
        %dma_start3A_107 = tpu.memref_slice %arg2[%add3A_105] : memref<327680xi32, #tpu.memory_space<hbm>> -> memref<128xi32, #tpu.memory_space<hbm>>
        tpu.enqueue_dma source(%dma_start3A_107 : memref<128xi32, #tpu.memory_space<hbm>>) target(%arg7 : memref<128xi32, #tpu.memory_space<vmem>>) target_semaphore(%arg13 : memref<!tpu.dma_semaphore, #tpu.memory_space<semaphore_mem>>)
      } else {
      }
      %mul3A_82 = arith.constant 4 : i32
      %mul3A_83 = arith.muli %mul3A_82, %scan3A_42 : i32
      %add3A_84 = arith.constant 3 : i32
      %add3A_85 = arith.addi %mul3A_83, %add3A_84 : i32
      %mul3A_86 = arith.constant 128 : i32
      %mul3A_87 = arith.muli %add3A_85, %mul3A_86 : i32
      %add3A_88 = arith.addi %mul3A_14, %mul3A_87 : i32
      %dma_wait3A_89 = tpu.memref_slice %arg2[%add3A_88] : memref<327680xi32, #tpu.memory_space<hbm>> -> memref<128xi32, #tpu.memory_space<hbm>>
      %dma_wait3A_90 = tpu.memref_slice %arg2[%add3A_88] : memref<327680xi32, #tpu.memory_space<hbm>> -> memref<128xi32, #tpu.memory_space<hbm>>
      tpu.wait_dma2 semaphore(%arg14 : memref<!tpu.dma_semaphore, #tpu.memory_space<semaphore_mem>>) src(%dma_wait3A_90 : memref<128xi32, #tpu.memory_space<hbm>>) dst(%arg8 : memref<128xi32, #tpu.memory_space<vmem>>)
      "tpu.region"() ({
        %run_scoped3A = tpu.sem_alloc : memref<!tpu.dma_semaphore, #tpu.memory_space<semaphore_mem>>
        %dma_start3A_97 = arith.constant 0 : i32
        %dma_start3A_98 = arith.constant 0 : i32
        %dma_start3A_99 = tpu.memref_slice %arg10[%dma_start3A_97, %dma_start3A_98] : memref<10240x16xf32, #tpu.memory_space<vmem_shared>> -> memref<10240x16xf32, #tpu.memory_space<vmem_shared>>
        tpu.enqueue_indirect_dma source(%arg9 : memref<128x16xf32, #tpu.memory_space<vmem>>) target(%dma_start3A_99 : memref<10240x16xf32, #tpu.memory_space<vmem_shared>>) offsets(%arg8 : memref<128xi32, #tpu.memory_space<vmem>>) semaphore(%run_scoped3A : memref<!tpu.dma_semaphore, #tpu.memory_space<semaphore_mem>>) {add = true}
        %dma_wait3A_100 = arith.constant 0 : i32
        %dma_wait3A_101 = arith.constant 0 : i32
        %dma_wait3A_102 = tpu.memref_slice %arg10[%dma_wait3A_100, %dma_wait3A_101] : memref<10240x16xf32, #tpu.memory_space<vmem_shared>> -> memref<10240x16xf32, #tpu.memory_space<vmem_shared>>
        tpu.wait_indirect_dma semaphore(%run_scoped3A : memref<!tpu.dma_semaphore, #tpu.memory_space<semaphore_mem>>) src(%arg9 : memref<128x16xf32, #tpu.memory_space<vmem>>) dst(%dma_wait3A_102 : memref<10240x16xf32, #tpu.memory_space<vmem_shared>>)
        tpu.yield
      }) : () -> ()
      %lt3A_91 = arith.constant 19 : i32
      %lt3A_92 = arith.cmpi slt, %scan3A_42, %lt3A_91 : i32
      %convert_element_type3A_93 = arith.extui %lt3A_92 : i1 to i32
      %cond3A_94 = arith.constant 0 : i32
      %cond3A_95 = arith.cmpi ne, %convert_element_type3A_93, %cond3A_94 : i32
      scf.if %cond3A_95 {
        %mul3A_97 = arith.constant 4 : i32
        %mul3A_98 = arith.muli %mul3A_97, %scan3A_42 : i32
        %add3A_99 = arith.constant 4 : i32
        %add3A_100 = arith.addi %mul3A_98, %add3A_99 : i32
        %add3A_101 = arith.constant 3 : i32
        %add3A_102 = arith.addi %add3A_100, %add3A_101 : i32
        %mul3A_103 = arith.constant 128 : i32
        %mul3A_104 = arith.muli %add3A_102, %mul3A_103 : i32
        %add3A_105 = arith.addi %mul3A_14, %mul3A_104 : i32
        %dma_start3A_106 = tpu.memref_slice %arg2[%add3A_105] : memref<327680xi32, #tpu.memory_space<hbm>> -> memref<128xi32, #tpu.memory_space<hbm>>
        %dma_start3A_107 = tpu.memref_slice %arg2[%add3A_105] : memref<327680xi32, #tpu.memory_space<hbm>> -> memref<128xi32, #tpu.memory_space<hbm>>
        tpu.enqueue_dma source(%dma_start3A_107 : memref<128xi32, #tpu.memory_space<hbm>>) target(%arg8 : memref<128xi32, #tpu.memory_space<vmem>>) target_semaphore(%arg14 : memref<!tpu.dma_semaphore, #tpu.memory_space<semaphore_mem>>)
      } else {
      }
      %scan3A_96 = arith.constant 0 : i32
      scf.yield %scan3A_96 : i32
    }
    %scan3A_36 = arith.constant 20 : i32
    %barrier3A_37 = arith.constant 0 : index
    tpu.barrier barrier_id(%barrier3A_37)
    %mul3A_38 = arith.constant 640 : i32
    %mul3A_39 = arith.muli %arg1, %mul3A_38 : i32
    %mul3A_40 = arith.constant 640 : i32
    %mul3A_41 = arith.muli %arg1, %mul3A_40 : i32
    "tpu.region"() ({
      %run_scoped3A = tpu.sem_alloc : memref<!tpu.dma_semaphore, #tpu.memory_space<semaphore_mem>>
      %dma_start3A_42 = arith.constant 0 : i32
      %dma_start3A_43 = tpu.memref_slice %arg4[%arg0, %mul3A_41, %dma_start3A_42] : memref<2x10240x16xf32, #tpu.memory_space<hbm>> -> memref<1x640x16xf32, #tpu.memory_space<hbm>>
      %dma_start3A_44 = tpu.memref_squeeze %dma_start3A_43 : memref<1x640x16xf32, #tpu.memory_space<hbm>> -> memref<640x16xf32, #tpu.memory_space<hbm>>
      %dma_start3A_45 = arith.constant 0 : i32
      %dma_start3A_46 = tpu.memref_slice %arg10[%mul3A_39, %dma_start3A_45] : memref<10240x16xf32, #tpu.memory_space<vmem_shared>> -> memref<640x16xf32, #tpu.memory_space<vmem_shared>>
      tpu.enqueue_dma source(%dma_start3A_46 : memref<640x16xf32, #tpu.memory_space<vmem_shared>>) target(%dma_start3A_44 : memref<640x16xf32, #tpu.memory_space<hbm>>) target_semaphore(%run_scoped3A : memref<!tpu.dma_semaphore, #tpu.memory_space<semaphore_mem>>)
      %dma_wait3A = arith.constant 0 : i32
      %dma_wait3A_47 = tpu.memref_slice %arg4[%arg0, %mul3A_41, %dma_wait3A] : memref<2x10240x16xf32, #tpu.memory_space<hbm>> -> memref<1x640x16xf32, #tpu.memory_space<hbm>>
      %dma_wait3A_48 = tpu.memref_squeeze %dma_wait3A_47 : memref<1x640x16xf32, #tpu.memory_space<hbm>> -> memref<640x16xf32, #tpu.memory_space<hbm>>
      %dma_wait3A_49 = arith.constant 0 : i32
      %dma_wait3A_50 = tpu.memref_slice %arg10[%mul3A_39, %dma_wait3A_49] : memref<10240x16xf32, #tpu.memory_space<vmem_shared>> -> memref<640x16xf32, #tpu.memory_space<vmem_shared>>
      tpu.wait_dma2 semaphore(%run_scoped3A : memref<!tpu.dma_semaphore, #tpu.memory_space<semaphore_mem>>) src(%dma_wait3A_50 : memref<640x16xf32, #tpu.memory_space<vmem_shared>>) dst(%dma_wait3A_48 : memref<640x16xf32, #tpu.memory_space<hbm>>)
      tpu.yield
    }) : () -> ()
    return
  }
}

#map = affine_map<(d0, d1) -> (0, 0)>
#map1 = affine_map<(d0, d1) -> (0)>
#map2 = affine_map<(d0, d1) -> (0, 0, 0)>
module attributes {stable_mosaic.version = 14 : i64} {
  func.func @_sc_scatter(%arg0: i32, %arg1: i32, %arg2: memref<10000x128xf32, #tpu.memory_space<hbm>>, %arg3: memref<327680xi32, #tpu.memory_space<hbm>>, %arg4: memref<327680xi32, #tpu.memory_space<hbm>>, %arg5: memref<10240x128xf32, #tpu.memory_space<hbm>>, %arg6: memref<2x10240x128xf32, #tpu.memory_space<hbm>>, %arg7: memref<128xi32, #tpu.memory_space<vmem>>, %arg8: memref<128xi32, #tpu.memory_space<vmem>>, %arg9: memref<128xi32, #tpu.memory_space<vmem>>, %arg10: memref<128xi32, #tpu.memory_space<vmem>>, %arg11: memref<128xi32, #tpu.memory_space<vmem>>, %arg12: memref<128xi32, #tpu.memory_space<vmem>>, %arg13: memref<128xi32, #tpu.memory_space<vmem>>, %arg14: memref<128xi32, #tpu.memory_space<vmem>>, %arg15: memref<128x128xf32, #tpu.memory_space<vmem>>, %arg16: memref<128x128xf32, #tpu.memory_space<vmem>>, %arg17: memref<10240x128xf32, #tpu.memory_space<vmem_shared>>, %arg18: memref<!tpu.dma_semaphore, #tpu.memory_space<semaphore_mem>>, %arg19: memref<!tpu.dma_semaphore, #tpu.memory_space<semaphore_mem>>, %arg20: memref<!tpu.dma_semaphore, #tpu.memory_space<semaphore_mem>>, %arg21: memref<!tpu.dma_semaphore, #tpu.memory_space<semaphore_mem>>) attributes {dimension_semantics = [#tpu.dimension_semantics<core_parallel>, #tpu.dimension_semantics<subcore_parallel>], iteration_bounds = array<i64: 2, 16>, scalar_prefetch = 0 : i64, scratch_operands = 15 : i64, tpu.core_type = #tpu.core_type<sc_vector_subcore>, window_params = [{transform_indices = #map}, {transform_indices = #map1}, {transform_indices = #map1}, {transform_indices = #map}, {transform_indices = #map2}]} {
    %mul3A = arith.constant 640 : i32
    %mul3A_0 = arith.muli %arg1, %mul3A : i32
    %mul3A_1 = arith.constant 640 : i32
    %mul3A_2 = arith.muli %arg1, %mul3A_1 : i32
    "tpu.region"() ({
      %run_scoped3A = tpu.sem_alloc : memref<!tpu.dma_semaphore, #tpu.memory_space<semaphore_mem>>
      %dma_start3A_51 = arith.constant 0 : i32
      %dma_start3A_52 = tpu.memref_slice %arg17[%mul3A_2, %dma_start3A_51] : memref<10240x128xf32, #tpu.memory_space<vmem_shared>> -> memref<640x128xf32, #tpu.memory_space<vmem_shared>>
      %dma_start3A_53 = arith.constant 0 : i32
      %dma_start3A_54 = tpu.memref_slice %arg5[%mul3A_0, %dma_start3A_53] : memref<10240x128xf32, #tpu.memory_space<hbm>> -> memref<640x128xf32, #tpu.memory_space<hbm>>
      tpu.enqueue_dma source(%dma_start3A_54 : memref<640x128xf32, #tpu.memory_space<hbm>>) target(%dma_start3A_52 : memref<640x128xf32, #tpu.memory_space<vmem_shared>>) target_semaphore(%run_scoped3A : memref<!tpu.dma_semaphore, #tpu.memory_space<semaphore_mem>>)
      %dma_wait3A = arith.constant 0 : i32
      %dma_wait3A_55 = tpu.memref_slice %arg17[%mul3A_2, %dma_wait3A] : memref<10240x128xf32, #tpu.memory_space<vmem_shared>> -> memref<640x128xf32, #tpu.memory_space<vmem_shared>>
      %dma_wait3A_56 = arith.constant 0 : i32
      %dma_wait3A_57 = tpu.memref_slice %arg5[%mul3A_0, %dma_wait3A_56] : memref<10240x128xf32, #tpu.memory_space<hbm>> -> memref<640x128xf32, #tpu.memory_space<hbm>>
      tpu.wait_dma2 semaphore(%run_scoped3A : memref<!tpu.dma_semaphore, #tpu.memory_space<semaphore_mem>>) src(%dma_wait3A_57 : memref<640x128xf32, #tpu.memory_space<hbm>>) dst(%dma_wait3A_55 : memref<640x128xf32, #tpu.memory_space<vmem_shared>>)
      tpu.yield
    }) : () -> ()
    %barrier3A = arith.constant 0 : index
    tpu.barrier barrier_id(%barrier3A)
    %mul3A_3 = arith.constant 1280 : i32
    %mul3A_4 = arith.muli %arg0, %mul3A_3 : i32
    %mul3A_5 = arith.constant 80 : i32
    %mul3A_6 = arith.muli %arg1, %mul3A_5 : i32
    %add3A = arith.addi %mul3A_4, %mul3A_6 : i32
    %mul3A_7 = arith.constant 128 : i32
    %mul3A_8 = arith.muli %add3A, %mul3A_7 : i32
    %add3A_9 = arith.constant 0 : i32
    %add3A_10 = arith.addi %mul3A_8, %add3A_9 : i32
    %dma_start3A = tpu.memref_slice %arg3[%add3A_10] : memref<327680xi32, #tpu.memory_space<hbm>> -> memref<128xi32, #tpu.memory_space<hbm>>
    %dma_start3A_11 = tpu.memref_slice %arg3[%add3A_10] : memref<327680xi32, #tpu.memory_space<hbm>> -> memref<128xi32, #tpu.memory_space<hbm>>
    tpu.enqueue_dma source(%dma_start3A_11 : memref<128xi32, #tpu.memory_space<hbm>>) target(%arg7 : memref<128xi32, #tpu.memory_space<vmem>>) target_semaphore(%arg18 : memref<!tpu.dma_semaphore, #tpu.memory_space<semaphore_mem>>)
    %add3A_12 = arith.constant 0 : i32
    %add3A_13 = arith.addi %mul3A_8, %add3A_12 : i32
    %dma_start3A_14 = tpu.memref_slice %arg4[%add3A_13] : memref<327680xi32, #tpu.memory_space<hbm>> -> memref<128xi32, #tpu.memory_space<hbm>>
    %dma_start3A_15 = tpu.memref_slice %arg4[%add3A_13] : memref<327680xi32, #tpu.memory_space<hbm>> -> memref<128xi32, #tpu.memory_space<hbm>>
    tpu.enqueue_dma source(%dma_start3A_15 : memref<128xi32, #tpu.memory_space<hbm>>) target(%arg11 : memref<128xi32, #tpu.memory_space<vmem>>) target_semaphore(%arg18 : memref<!tpu.dma_semaphore, #tpu.memory_space<semaphore_mem>>)
    %add3A_16 = arith.constant 128 : i32
    %add3A_17 = arith.addi %mul3A_8, %add3A_16 : i32
    %dma_start3A_18 = tpu.memref_slice %arg3[%add3A_17] : memref<327680xi32, #tpu.memory_space<hbm>> -> memref<128xi32, #tpu.memory_space<hbm>>
    %dma_start3A_19 = tpu.memref_slice %arg3[%add3A_17] : memref<327680xi32, #tpu.memory_space<hbm>> -> memref<128xi32, #tpu.memory_space<hbm>>
    tpu.enqueue_dma source(%dma_start3A_19 : memref<128xi32, #tpu.memory_space<hbm>>) target(%arg8 : memref<128xi32, #tpu.memory_space<vmem>>) target_semaphore(%arg19 : memref<!tpu.dma_semaphore, #tpu.memory_space<semaphore_mem>>)
    %add3A_20 = arith.constant 128 : i32
    %add3A_21 = arith.addi %mul3A_8, %add3A_20 : i32
    %dma_start3A_22 = tpu.memref_slice %arg4[%add3A_21] : memref<327680xi32, #tpu.memory_space<hbm>> -> memref<128xi32, #tpu.memory_space<hbm>>
    %dma_start3A_23 = tpu.memref_slice %arg4[%add3A_21] : memref<327680xi32, #tpu.memory_space<hbm>> -> memref<128xi32, #tpu.memory_space<hbm>>
    tpu.enqueue_dma source(%dma_start3A_23 : memref<128xi32, #tpu.memory_space<hbm>>) target(%arg12 : memref<128xi32, #tpu.memory_space<vmem>>) target_semaphore(%arg19 : memref<!tpu.dma_semaphore, #tpu.memory_space<semaphore_mem>>)
    %add3A_24 = arith.constant 256 : i32
    %add3A_25 = arith.addi %mul3A_8, %add3A_24 : i32
    %dma_start3A_26 = tpu.memref_slice %arg3[%add3A_25] : memref<327680xi32, #tpu.memory_space<hbm>> -> memref<128xi32, #tpu.memory_space<hbm>>
    %dma_start3A_27 = tpu.memref_slice %arg3[%add3A_25] : memref<327680xi32, #tpu.memory_space<hbm>> -> memref<128xi32, #tpu.memory_space<hbm>>
    tpu.enqueue_dma source(%dma_start3A_27 : memref<128xi32, #tpu.memory_space<hbm>>) target(%arg9 : memref<128xi32, #tpu.memory_space<vmem>>) target_semaphore(%arg20 : memref<!tpu.dma_semaphore, #tpu.memory_space<semaphore_mem>>)
    %add3A_28 = arith.constant 256 : i32
    %add3A_29 = arith.addi %mul3A_8, %add3A_28 : i32
    %dma_start3A_30 = tpu.memref_slice %arg4[%add3A_29] : memref<327680xi32, #tpu.memory_space<hbm>> -> memref<128xi32, #tpu.memory_space<hbm>>
    %dma_start3A_31 = tpu.memref_slice %arg4[%add3A_29] : memref<327680xi32, #tpu.memory_space<hbm>> -> memref<128xi32, #tpu.memory_space<hbm>>
    tpu.enqueue_dma source(%dma_start3A_31 : memref<128xi32, #tpu.memory_space<hbm>>) target(%arg13 : memref<128xi32, #tpu.memory_space<vmem>>) target_semaphore(%arg20 : memref<!tpu.dma_semaphore, #tpu.memory_space<semaphore_mem>>)
    %add3A_32 = arith.constant 384 : i32
    %add3A_33 = arith.addi %mul3A_8, %add3A_32 : i32
    %dma_start3A_34 = tpu.memref_slice %arg3[%add3A_33] : memref<327680xi32, #tpu.memory_space<hbm>> -> memref<128xi32, #tpu.memory_space<hbm>>
    %dma_start3A_35 = tpu.memref_slice %arg3[%add3A_33] : memref<327680xi32, #tpu.memory_space<hbm>> -> memref<128xi32, #tpu.memory_space<hbm>>
    tpu.enqueue_dma source(%dma_start3A_35 : memref<128xi32, #tpu.memory_space<hbm>>) target(%arg10 : memref<128xi32, #tpu.memory_space<vmem>>) target_semaphore(%arg21 : memref<!tpu.dma_semaphore, #tpu.memory_space<semaphore_mem>>)
    %add3A_36 = arith.constant 384 : i32
    %add3A_37 = arith.addi %mul3A_8, %add3A_36 : i32
    %dma_start3A_38 = tpu.memref_slice %arg4[%add3A_37] : memref<327680xi32, #tpu.memory_space<hbm>> -> memref<128xi32, #tpu.memory_space<hbm>>
    %dma_start3A_39 = tpu.memref_slice %arg4[%add3A_37] : memref<327680xi32, #tpu.memory_space<hbm>> -> memref<128xi32, #tpu.memory_space<hbm>>
    tpu.enqueue_dma source(%dma_start3A_39 : memref<128xi32, #tpu.memory_space<hbm>>) target(%arg14 : memref<128xi32, #tpu.memory_space<vmem>>) target_semaphore(%arg21 : memref<!tpu.dma_semaphore, #tpu.memory_space<semaphore_mem>>)
    %scan3A = arith.constant 0 : i32
    %scan3A_40 = arith.constant 0 : i32
    %scan3A_41 = arith.constant 20 : i32
    %scan3A_42 = arith.addi %scan3A_40, %scan3A_41 : i32
    %scan3A_43 = arith.constant 1 : i32
    %scan3A_44 = scf.for %scan3A_51 = %scan3A_40 to %scan3A_42 step %scan3A_43 iter_args(%scan3A_52 = %scan3A) -> (i32)  : i32 {
      %mul3A_53 = arith.constant 4 : i32
      %mul3A_54 = arith.muli %mul3A_53, %scan3A_51 : i32
      %add3A_55 = arith.constant 0 : i32
      %add3A_56 = arith.addi %mul3A_54, %add3A_55 : i32
      %mul3A_57 = arith.constant 128 : i32
      %mul3A_58 = arith.muli %add3A_56, %mul3A_57 : i32
      %add3A_59 = arith.addi %mul3A_8, %mul3A_58 : i32
      %dma_wait3A = tpu.memref_slice %arg3[%add3A_59] : memref<327680xi32, #tpu.memory_space<hbm>> -> memref<128xi32, #tpu.memory_space<hbm>>
      %dma_wait3A_60 = tpu.memref_slice %arg3[%add3A_59] : memref<327680xi32, #tpu.memory_space<hbm>> -> memref<128xi32, #tpu.memory_space<hbm>>
      tpu.wait_dma2 semaphore(%arg18 : memref<!tpu.dma_semaphore, #tpu.memory_space<semaphore_mem>>) src(%dma_wait3A_60 : memref<128xi32, #tpu.memory_space<hbm>>) dst(%arg7 : memref<128xi32, #tpu.memory_space<vmem>>)
      %mul3A_61 = arith.constant 128 : i32
      %mul3A_62 = arith.muli %add3A_56, %mul3A_61 : i32
      %add3A_63 = arith.addi %mul3A_8, %mul3A_62 : i32
      %dma_wait3A_64 = tpu.memref_slice %arg4[%add3A_63] : memref<327680xi32, #tpu.memory_space<hbm>> -> memref<128xi32, #tpu.memory_space<hbm>>
      %dma_wait3A_65 = tpu.memref_slice %arg4[%add3A_63] : memref<327680xi32, #tpu.memory_space<hbm>> -> memref<128xi32, #tpu.memory_space<hbm>>
      tpu.wait_dma2 semaphore(%arg18 : memref<!tpu.dma_semaphore, #tpu.memory_space<semaphore_mem>>) src(%dma_wait3A_65 : memref<128xi32, #tpu.memory_space<hbm>>) dst(%arg11 : memref<128xi32, #tpu.memory_space<vmem>>)
      "tpu.region"() ({
        %run_scoped3A = tpu.sem_alloc : memref<!tpu.dma_semaphore, #tpu.memory_space<semaphore_mem>>
        %dma_start3A_179 = arith.constant 0 : i32
        %dma_start3A_180 = arith.constant 0 : i32
        %dma_start3A_181 = tpu.memref_slice %arg2[%dma_start3A_179, %dma_start3A_180] : memref<10000x128xf32, #tpu.memory_space<hbm>> -> memref<10000x128xf32, #tpu.memory_space<hbm>>
        tpu.enqueue_indirect_dma source(%dma_start3A_181 : memref<10000x128xf32, #tpu.memory_space<hbm>>) target(%arg15 : memref<128x128xf32, #tpu.memory_space<vmem>>) offsets(%arg7 : memref<128xi32, #tpu.memory_space<vmem>>) semaphore(%run_scoped3A : memref<!tpu.dma_semaphore, #tpu.memory_space<semaphore_mem>>)
        %dma_wait3A_182 = arith.constant 0 : i32
        %dma_wait3A_183 = arith.constant 0 : i32
        %dma_wait3A_184 = tpu.memref_slice %arg2[%dma_wait3A_182, %dma_wait3A_183] : memref<10000x128xf32, #tpu.memory_space<hbm>> -> memref<10000x128xf32, #tpu.memory_space<hbm>>
        tpu.wait_indirect_dma semaphore(%run_scoped3A : memref<!tpu.dma_semaphore, #tpu.memory_space<semaphore_mem>>) src(%dma_wait3A_184 : memref<10000x128xf32, #tpu.memory_space<hbm>>) dst(%arg15 : memref<128x128xf32, #tpu.memory_space<vmem>>)
        tpu.yield
      }) : () -> ()
      %gt3A = arith.constant 0 : i32
      %gt3A_66 = arith.cmpi sgt, %scan3A_51, %gt3A : i32
      %or3A = arith.constant false
      %or3A_67 = arith.ori %gt3A_66, %or3A : i1
      %convert_element_type3A = arith.extui %or3A_67 : i1 to i32
      %cond3A = arith.constant 0 : i32
      %cond3A_68 = arith.cmpi ne, %convert_element_type3A, %cond3A : i32
      scf.if %cond3A_68 {
        "tpu.region"() ({
          %run_scoped3A = tpu.sem_alloc : memref<!tpu.dma_semaphore, #tpu.memory_space<semaphore_mem>>
          %dma_start3A_180 = arith.constant 0 : i32
          %dma_start3A_181 = arith.constant 0 : i32
          %dma_start3A_182 = tpu.memref_slice %arg17[%dma_start3A_180, %dma_start3A_181] : memref<10240x128xf32, #tpu.memory_space<vmem_shared>> -> memref<10240x128xf32, #tpu.memory_space<vmem_shared>>
          tpu.enqueue_indirect_dma source(%arg16 : memref<128x128xf32, #tpu.memory_space<vmem>>) target(%dma_start3A_182 : memref<10240x128xf32, #tpu.memory_space<vmem_shared>>) offsets(%arg14 : memref<128xi32, #tpu.memory_space<vmem>>) semaphore(%run_scoped3A : memref<!tpu.dma_semaphore, #tpu.memory_space<semaphore_mem>>) {add = true}
          %dma_wait3A_183 = arith.constant 0 : i32
          %dma_wait3A_184 = arith.constant 0 : i32
          %dma_wait3A_185 = tpu.memref_slice %arg17[%dma_wait3A_183, %dma_wait3A_184] : memref<10240x128xf32, #tpu.memory_space<vmem_shared>> -> memref<10240x128xf32, #tpu.memory_space<vmem_shared>>
          tpu.wait_indirect_dma semaphore(%run_scoped3A : memref<!tpu.dma_semaphore, #tpu.memory_space<semaphore_mem>>) src(%arg16 : memref<128x128xf32, #tpu.memory_space<vmem>>) dst(%dma_wait3A_185 : memref<10240x128xf32, #tpu.memory_space<vmem_shared>>)
          tpu.yield
        }) : () -> ()
        %delay3A_179 = arith.constant 3000 : i32
        tpu.delay %delay3A_179
      } else {
      }
      %gt3A_69 = arith.constant 0 : i32
      %gt3A_70 = arith.cmpi sgt, %scan3A_51, %gt3A_69 : i32
      %or3A_71 = arith.constant false
      %or3A_72 = arith.ori %gt3A_70, %or3A_71 : i1
      %add3A_73 = arith.constant 3 : i32
      %add3A_74 = arith.addi %add3A_56, %add3A_73 : i32
      %lt3A = arith.constant 80 : i32
      %lt3A_75 = arith.cmpi slt, %add3A_74, %lt3A : i32
      %and3A = arith.andi %or3A_72, %lt3A_75 : i1
      %convert_element_type3A_76 = arith.extui %and3A : i1 to i32
      %cond3A_77 = arith.constant 0 : i32
      %cond3A_78 = arith.cmpi ne, %convert_element_type3A_76, %cond3A_77 : i32
      scf.if %cond3A_78 {
        %add3A_179 = arith.constant 3 : i32
        %add3A_180 = arith.addi %add3A_56, %add3A_179 : i32
        %mul3A_181 = arith.constant 128 : i32
        %mul3A_182 = arith.muli %add3A_180, %mul3A_181 : i32
        %add3A_183 = arith.addi %mul3A_8, %mul3A_182 : i32
        %dma_start3A_184 = tpu.memref_slice %arg3[%add3A_183] : memref<327680xi32, #tpu.memory_space<hbm>> -> memref<128xi32, #tpu.memory_space<hbm>>
        %dma_start3A_185 = tpu.memref_slice %arg3[%add3A_183] : memref<327680xi32, #tpu.memory_space<hbm>> -> memref<128xi32, #tpu.memory_space<hbm>>
        tpu.enqueue_dma source(%dma_start3A_185 : memref<128xi32, #tpu.memory_space<hbm>>) target(%arg10 : memref<128xi32, #tpu.memory_space<vmem>>) target_semaphore(%arg21 : memref<!tpu.dma_semaphore, #tpu.memory_space<semaphore_mem>>)
        %mul3A_186 = arith.constant 128 : i32
        %mul3A_187 = arith.muli %add3A_180, %mul3A_186 : i32
        %add3A_188 = arith.addi %mul3A_8, %mul3A_187 : i32
        %dma_start3A_189 = tpu.memref_slice %arg4[%add3A_188] : memref<327680xi32, #tpu.memory_space<hbm>> -> memref<128xi32, #tpu.memory_space<hbm>>
        %dma_start3A_190 = tpu.memref_slice %arg4[%add3A_188] : memref<327680xi32, #tpu.memory_space<hbm>> -> memref<128xi32, #tpu.memory_space<hbm>>
        tpu.enqueue_dma source(%dma_start3A_190 : memref<128xi32, #tpu.memory_space<hbm>>) target(%arg14 : memref<128xi32, #tpu.memory_space<vmem>>) target_semaphore(%arg21 : memref<!tpu.dma_semaphore, #tpu.memory_space<semaphore_mem>>)
      } else {
      }
      %mul3A_79 = arith.constant 4 : i32
      %mul3A_80 = arith.muli %mul3A_79, %scan3A_51 : i32
      %add3A_81 = arith.constant 1 : i32
      %add3A_82 = arith.addi %mul3A_80, %add3A_81 : i32
      %mul3A_83 = arith.constant 128 : i32
      %mul3A_84 = arith.muli %add3A_82, %mul3A_83 : i32
      %add3A_85 = arith.addi %mul3A_8, %mul3A_84 : i32
      %dma_wait3A_86 = tpu.memref_slice %arg3[%add3A_85] : memref<327680xi32, #tpu.memory_space<hbm>> -> memref<128xi32, #tpu.memory_space<hbm>>
      %dma_wait3A_87 = tpu.memref_slice %arg3[%add3A_85] : memref<327680xi32, #tpu.memory_space<hbm>> -> memref<128xi32, #tpu.memory_space<hbm>>
      tpu.wait_dma2 semaphore(%arg19 : memref<!tpu.dma_semaphore, #tpu.memory_space<semaphore_mem>>) src(%dma_wait3A_87 : memref<128xi32, #tpu.memory_space<hbm>>) dst(%arg8 : memref<128xi32, #tpu.memory_space<vmem>>)
      %mul3A_88 = arith.constant 128 : i32
      %mul3A_89 = arith.muli %add3A_82, %mul3A_88 : i32
      %add3A_90 = arith.addi %mul3A_8, %mul3A_89 : i32
      %dma_wait3A_91 = tpu.memref_slice %arg4[%add3A_90] : memref<327680xi32, #tpu.memory_space<hbm>> -> memref<128xi32, #tpu.memory_space<hbm>>
      %dma_wait3A_92 = tpu.memref_slice %arg4[%add3A_90] : memref<327680xi32, #tpu.memory_space<hbm>> -> memref<128xi32, #tpu.memory_space<hbm>>
      tpu.wait_dma2 semaphore(%arg19 : memref<!tpu.dma_semaphore, #tpu.memory_space<semaphore_mem>>) src(%dma_wait3A_92 : memref<128xi32, #tpu.memory_space<hbm>>) dst(%arg12 : memref<128xi32, #tpu.memory_space<vmem>>)
      "tpu.region"() ({
        %run_scoped3A = tpu.sem_alloc : memref<!tpu.dma_semaphore, #tpu.memory_space<semaphore_mem>>
        %dma_start3A_179 = arith.constant 0 : i32
        %dma_start3A_180 = arith.constant 0 : i32
        %dma_start3A_181 = tpu.memref_slice %arg2[%dma_start3A_179, %dma_start3A_180] : memref<10000x128xf32, #tpu.memory_space<hbm>> -> memref<10000x128xf32, #tpu.memory_space<hbm>>
        tpu.enqueue_indirect_dma source(%dma_start3A_181 : memref<10000x128xf32, #tpu.memory_space<hbm>>) target(%arg16 : memref<128x128xf32, #tpu.memory_space<vmem>>) offsets(%arg8 : memref<128xi32, #tpu.memory_space<vmem>>) semaphore(%run_scoped3A : memref<!tpu.dma_semaphore, #tpu.memory_space<semaphore_mem>>)
        %dma_wait3A_182 = arith.constant 0 : i32
        %dma_wait3A_183 = arith.constant 0 : i32
        %dma_wait3A_184 = tpu.memref_slice %arg2[%dma_wait3A_182, %dma_wait3A_183] : memref<10000x128xf32, #tpu.memory_space<hbm>> -> memref<10000x128xf32, #tpu.memory_space<hbm>>
        tpu.wait_indirect_dma semaphore(%run_scoped3A : memref<!tpu.dma_semaphore, #tpu.memory_space<semaphore_mem>>) src(%dma_wait3A_184 : memref<10000x128xf32, #tpu.memory_space<hbm>>) dst(%arg16 : memref<128x128xf32, #tpu.memory_space<vmem>>)
        tpu.yield
      }) : () -> ()
      %gt3A_93 = arith.constant 0 : i32
      %gt3A_94 = arith.cmpi sgt, %scan3A_51, %gt3A_93 : i32
      %or3A_95 = arith.constant true
      %or3A_96 = arith.ori %gt3A_94, %or3A_95 : i1
      %convert_element_type3A_97 = arith.extui %or3A_96 : i1 to i32
      %cond3A_98 = arith.constant 0 : i32
      %cond3A_99 = arith.cmpi ne, %convert_element_type3A_97, %cond3A_98 : i32
      scf.if %cond3A_99 {
        "tpu.region"() ({
          %run_scoped3A = tpu.sem_alloc : memref<!tpu.dma_semaphore, #tpu.memory_space<semaphore_mem>>
          %dma_start3A_180 = arith.constant 0 : i32
          %dma_start3A_181 = arith.constant 0 : i32
          %dma_start3A_182 = tpu.memref_slice %arg17[%dma_start3A_180, %dma_start3A_181] : memref<10240x128xf32, #tpu.memory_space<vmem_shared>> -> memref<10240x128xf32, #tpu.memory_space<vmem_shared>>
          tpu.enqueue_indirect_dma source(%arg15 : memref<128x128xf32, #tpu.memory_space<vmem>>) target(%dma_start3A_182 : memref<10240x128xf32, #tpu.memory_space<vmem_shared>>) offsets(%arg11 : memref<128xi32, #tpu.memory_space<vmem>>) semaphore(%run_scoped3A : memref<!tpu.dma_semaphore, #tpu.memory_space<semaphore_mem>>) {add = true}
          %dma_wait3A_183 = arith.constant 0 : i32
          %dma_wait3A_184 = arith.constant 0 : i32
          %dma_wait3A_185 = tpu.memref_slice %arg17[%dma_wait3A_183, %dma_wait3A_184] : memref<10240x128xf32, #tpu.memory_space<vmem_shared>> -> memref<10240x128xf32, #tpu.memory_space<vmem_shared>>
          tpu.wait_indirect_dma semaphore(%run_scoped3A : memref<!tpu.dma_semaphore, #tpu.memory_space<semaphore_mem>>) src(%arg15 : memref<128x128xf32, #tpu.memory_space<vmem>>) dst(%dma_wait3A_185 : memref<10240x128xf32, #tpu.memory_space<vmem_shared>>)
          tpu.yield
        }) : () -> ()
        %delay3A_179 = arith.constant 3000 : i32
        tpu.delay %delay3A_179
      } else {
      }
      %gt3A_100 = arith.constant 0 : i32
      %gt3A_101 = arith.cmpi sgt, %scan3A_51, %gt3A_100 : i32
      %or3A_102 = arith.constant true
      %or3A_103 = arith.ori %gt3A_101, %or3A_102 : i1
      %add3A_104 = arith.constant 3 : i32
      %add3A_105 = arith.addi %add3A_82, %add3A_104 : i32
      %lt3A_106 = arith.constant 80 : i32
      %lt3A_107 = arith.cmpi slt, %add3A_105, %lt3A_106 : i32
      %and3A_108 = arith.andi %or3A_103, %lt3A_107 : i1
      %convert_element_type3A_109 = arith.extui %and3A_108 : i1 to i32
      %cond3A_110 = arith.constant 0 : i32
      %cond3A_111 = arith.cmpi ne, %convert_element_type3A_109, %cond3A_110 : i32
      scf.if %cond3A_111 {
        %add3A_179 = arith.constant 3 : i32
        %add3A_180 = arith.addi %add3A_82, %add3A_179 : i32
        %mul3A_181 = arith.constant 128 : i32
        %mul3A_182 = arith.muli %add3A_180, %mul3A_181 : i32
        %add3A_183 = arith.addi %mul3A_8, %mul3A_182 : i32
        %dma_start3A_184 = tpu.memref_slice %arg3[%add3A_183] : memref<327680xi32, #tpu.memory_space<hbm>> -> memref<128xi32, #tpu.memory_space<hbm>>
        %dma_start3A_185 = tpu.memref_slice %arg3[%add3A_183] : memref<327680xi32, #tpu.memory_space<hbm>> -> memref<128xi32, #tpu.memory_space<hbm>>
        tpu.enqueue_dma source(%dma_start3A_185 : memref<128xi32, #tpu.memory_space<hbm>>) target(%arg7 : memref<128xi32, #tpu.memory_space<vmem>>) target_semaphore(%arg18 : memref<!tpu.dma_semaphore, #tpu.memory_space<semaphore_mem>>)
        %mul3A_186 = arith.constant 128 : i32
        %mul3A_187 = arith.muli %add3A_180, %mul3A_186 : i32
        %add3A_188 = arith.addi %mul3A_8, %mul3A_187 : i32
        %dma_start3A_189 = tpu.memref_slice %arg4[%add3A_188] : memref<327680xi32, #tpu.memory_space<hbm>> -> memref<128xi32, #tpu.memory_space<hbm>>
        %dma_start3A_190 = tpu.memref_slice %arg4[%add3A_188] : memref<327680xi32, #tpu.memory_space<hbm>> -> memref<128xi32, #tpu.memory_space<hbm>>
        tpu.enqueue_dma source(%dma_start3A_190 : memref<128xi32, #tpu.memory_space<hbm>>) target(%arg11 : memref<128xi32, #tpu.memory_space<vmem>>) target_semaphore(%arg18 : memref<!tpu.dma_semaphore, #tpu.memory_space<semaphore_mem>>)
      } else {
      }
      %mul3A_112 = arith.constant 4 : i32
      %mul3A_113 = arith.muli %mul3A_112, %scan3A_51 : i32
      %add3A_114 = arith.constant 2 : i32
      %add3A_115 = arith.addi %mul3A_113, %add3A_114 : i32
      %mul3A_116 = arith.constant 128 : i32
      %mul3A_117 = arith.muli %add3A_115, %mul3A_116 : i32
      %add3A_118 = arith.addi %mul3A_8, %mul3A_117 : i32
      %dma_wait3A_119 = tpu.memref_slice %arg3[%add3A_118] : memref<327680xi32, #tpu.memory_space<hbm>> -> memref<128xi32, #tpu.memory_space<hbm>>
      %dma_wait3A_120 = tpu.memref_slice %arg3[%add3A_118] : memref<327680xi32, #tpu.memory_space<hbm>> -> memref<128xi32, #tpu.memory_space<hbm>>
      tpu.wait_dma2 semaphore(%arg20 : memref<!tpu.dma_semaphore, #tpu.memory_space<semaphore_mem>>) src(%dma_wait3A_120 : memref<128xi32, #tpu.memory_space<hbm>>) dst(%arg9 : memref<128xi32, #tpu.memory_space<vmem>>)
      %mul3A_121 = arith.constant 128 : i32
      %mul3A_122 = arith.muli %add3A_115, %mul3A_121 : i32
      %add3A_123 = arith.addi %mul3A_8, %mul3A_122 : i32
      %dma_wait3A_124 = tpu.memref_slice %arg4[%add3A_123] : memref<327680xi32, #tpu.memory_space<hbm>> -> memref<128xi32, #tpu.memory_space<hbm>>
      %dma_wait3A_125 = tpu.memref_slice %arg4[%add3A_123] : memref<327680xi32, #tpu.memory_space<hbm>> -> memref<128xi32, #tpu.memory_space<hbm>>
      tpu.wait_dma2 semaphore(%arg20 : memref<!tpu.dma_semaphore, #tpu.memory_space<semaphore_mem>>) src(%dma_wait3A_125 : memref<128xi32, #tpu.memory_space<hbm>>) dst(%arg13 : memref<128xi32, #tpu.memory_space<vmem>>)
      "tpu.region"() ({
        %run_scoped3A = tpu.sem_alloc : memref<!tpu.dma_semaphore, #tpu.memory_space<semaphore_mem>>
        %dma_start3A_179 = arith.constant 0 : i32
        %dma_start3A_180 = arith.constant 0 : i32
        %dma_start3A_181 = tpu.memref_slice %arg2[%dma_start3A_179, %dma_start3A_180] : memref<10000x128xf32, #tpu.memory_space<hbm>> -> memref<10000x128xf32, #tpu.memory_space<hbm>>
        tpu.enqueue_indirect_dma source(%dma_start3A_181 : memref<10000x128xf32, #tpu.memory_space<hbm>>) target(%arg15 : memref<128x128xf32, #tpu.memory_space<vmem>>) offsets(%arg9 : memref<128xi32, #tpu.memory_space<vmem>>) semaphore(%run_scoped3A : memref<!tpu.dma_semaphore, #tpu.memory_space<semaphore_mem>>)
        %dma_wait3A_182 = arith.constant 0 : i32
        %dma_wait3A_183 = arith.constant 0 : i32
        %dma_wait3A_184 = tpu.memref_slice %arg2[%dma_wait3A_182, %dma_wait3A_183] : memref<10000x128xf32, #tpu.memory_space<hbm>> -> memref<10000x128xf32, #tpu.memory_space<hbm>>
        tpu.wait_indirect_dma semaphore(%run_scoped3A : memref<!tpu.dma_semaphore, #tpu.memory_space<semaphore_mem>>) src(%dma_wait3A_184 : memref<10000x128xf32, #tpu.memory_space<hbm>>) dst(%arg15 : memref<128x128xf32, #tpu.memory_space<vmem>>)
        tpu.yield
      }) : () -> ()
      %gt3A_126 = arith.constant 0 : i32
      %gt3A_127 = arith.cmpi sgt, %scan3A_51, %gt3A_126 : i32
      %or3A_128 = arith.constant true
      %or3A_129 = arith.ori %gt3A_127, %or3A_128 : i1
      %convert_element_type3A_130 = arith.extui %or3A_129 : i1 to i32
      %cond3A_131 = arith.constant 0 : i32
      %cond3A_132 = arith.cmpi ne, %convert_element_type3A_130, %cond3A_131 : i32
      scf.if %cond3A_132 {
        "tpu.region"() ({
          %run_scoped3A = tpu.sem_alloc : memref<!tpu.dma_semaphore, #tpu.memory_space<semaphore_mem>>
          %dma_start3A_180 = arith.constant 0 : i32
          %dma_start3A_181 = arith.constant 0 : i32
          %dma_start3A_182 = tpu.memref_slice %arg17[%dma_start3A_180, %dma_start3A_181] : memref<10240x128xf32, #tpu.memory_space<vmem_shared>> -> memref<10240x128xf32, #tpu.memory_space<vmem_shared>>
          tpu.enqueue_indirect_dma source(%arg16 : memref<128x128xf32, #tpu.memory_space<vmem>>) target(%dma_start3A_182 : memref<10240x128xf32, #tpu.memory_space<vmem_shared>>) offsets(%arg12 : memref<128xi32, #tpu.memory_space<vmem>>) semaphore(%run_scoped3A : memref<!tpu.dma_semaphore, #tpu.memory_space<semaphore_mem>>) {add = true}
          %dma_wait3A_183 = arith.constant 0 : i32
          %dma_wait3A_184 = arith.constant 0 : i32
          %dma_wait3A_185 = tpu.memref_slice %arg17[%dma_wait3A_183, %dma_wait3A_184] : memref<10240x128xf32, #tpu.memory_space<vmem_shared>> -> memref<10240x128xf32, #tpu.memory_space<vmem_shared>>
          tpu.wait_indirect_dma semaphore(%run_scoped3A : memref<!tpu.dma_semaphore, #tpu.memory_space<semaphore_mem>>) src(%arg16 : memref<128x128xf32, #tpu.memory_space<vmem>>) dst(%dma_wait3A_185 : memref<10240x128xf32, #tpu.memory_space<vmem_shared>>)
          tpu.yield
        }) : () -> ()
        %delay3A_179 = arith.constant 3000 : i32
        tpu.delay %delay3A_179
      } else {
      }
      %gt3A_133 = arith.constant 0 : i32
      %gt3A_134 = arith.cmpi sgt, %scan3A_51, %gt3A_133 : i32
      %or3A_135 = arith.constant true
      %or3A_136 = arith.ori %gt3A_134, %or3A_135 : i1
      %add3A_137 = arith.constant 3 : i32
      %add3A_138 = arith.addi %add3A_115, %add3A_137 : i32
      %lt3A_139 = arith.constant 80 : i32
      %lt3A_140 = arith.cmpi slt, %add3A_138, %lt3A_139 : i32
      %and3A_141 = arith.andi %or3A_136, %lt3A_140 : i1
      %convert_element_type3A_142 = arith.extui %and3A_141 : i1 to i32
      %cond3A_143 = arith.constant 0 : i32
      %cond3A_144 = arith.cmpi ne, %convert_element_type3A_142, %cond3A_143 : i32
      scf.if %cond3A_144 {
        %add3A_179 = arith.constant 3 : i32
        %add3A_180 = arith.addi %add3A_115, %add3A_179 : i32
        %mul3A_181 = arith.constant 128 : i32
        %mul3A_182 = arith.muli %add3A_180, %mul3A_181 : i32
        %add3A_183 = arith.addi %mul3A_8, %mul3A_182 : i32
        %dma_start3A_184 = tpu.memref_slice %arg3[%add3A_183] : memref<327680xi32, #tpu.memory_space<hbm>> -> memref<128xi32, #tpu.memory_space<hbm>>
        %dma_start3A_185 = tpu.memref_slice %arg3[%add3A_183] : memref<327680xi32, #tpu.memory_space<hbm>> -> memref<128xi32, #tpu.memory_space<hbm>>
        tpu.enqueue_dma source(%dma_start3A_185 : memref<128xi32, #tpu.memory_space<hbm>>) target(%arg8 : memref<128xi32, #tpu.memory_space<vmem>>) target_semaphore(%arg19 : memref<!tpu.dma_semaphore, #tpu.memory_space<semaphore_mem>>)
        %mul3A_186 = arith.constant 128 : i32
        %mul3A_187 = arith.muli %add3A_180, %mul3A_186 : i32
        %add3A_188 = arith.addi %mul3A_8, %mul3A_187 : i32
        %dma_start3A_189 = tpu.memref_slice %arg4[%add3A_188] : memref<327680xi32, #tpu.memory_space<hbm>> -> memref<128xi32, #tpu.memory_space<hbm>>
        %dma_start3A_190 = tpu.memref_slice %arg4[%add3A_188] : memref<327680xi32, #tpu.memory_space<hbm>> -> memref<128xi32, #tpu.memory_space<hbm>>
        tpu.enqueue_dma source(%dma_start3A_190 : memref<128xi32, #tpu.memory_space<hbm>>) target(%arg12 : memref<128xi32, #tpu.memory_space<vmem>>) target_semaphore(%arg19 : memref<!tpu.dma_semaphore, #tpu.memory_space<semaphore_mem>>)
      } else {
      }
      %mul3A_145 = arith.constant 4 : i32
      %mul3A_146 = arith.muli %mul3A_145, %scan3A_51 : i32
      %add3A_147 = arith.constant 3 : i32
      %add3A_148 = arith.addi %mul3A_146, %add3A_147 : i32
      %mul3A_149 = arith.constant 128 : i32
      %mul3A_150 = arith.muli %add3A_148, %mul3A_149 : i32
      %add3A_151 = arith.addi %mul3A_8, %mul3A_150 : i32
      %dma_wait3A_152 = tpu.memref_slice %arg3[%add3A_151] : memref<327680xi32, #tpu.memory_space<hbm>> -> memref<128xi32, #tpu.memory_space<hbm>>
      %dma_wait3A_153 = tpu.memref_slice %arg3[%add3A_151] : memref<327680xi32, #tpu.memory_space<hbm>> -> memref<128xi32, #tpu.memory_space<hbm>>
      tpu.wait_dma2 semaphore(%arg21 : memref<!tpu.dma_semaphore, #tpu.memory_space<semaphore_mem>>) src(%dma_wait3A_153 : memref<128xi32, #tpu.memory_space<hbm>>) dst(%arg10 : memref<128xi32, #tpu.memory_space<vmem>>)
      %mul3A_154 = arith.constant 128 : i32
      %mul3A_155 = arith.muli %add3A_148, %mul3A_154 : i32
      %add3A_156 = arith.addi %mul3A_8, %mul3A_155 : i32
      %dma_wait3A_157 = tpu.memref_slice %arg4[%add3A_156] : memref<327680xi32, #tpu.memory_space<hbm>> -> memref<128xi32, #tpu.memory_space<hbm>>
      %dma_wait3A_158 = tpu.memref_slice %arg4[%add3A_156] : memref<327680xi32, #tpu.memory_space<hbm>> -> memref<128xi32, #tpu.memory_space<hbm>>
      tpu.wait_dma2 semaphore(%arg21 : memref<!tpu.dma_semaphore, #tpu.memory_space<semaphore_mem>>) src(%dma_wait3A_158 : memref<128xi32, #tpu.memory_space<hbm>>) dst(%arg14 : memref<128xi32, #tpu.memory_space<vmem>>)
      "tpu.region"() ({
        %run_scoped3A = tpu.sem_alloc : memref<!tpu.dma_semaphore, #tpu.memory_space<semaphore_mem>>
        %dma_start3A_179 = arith.constant 0 : i32
        %dma_start3A_180 = arith.constant 0 : i32
        %dma_start3A_181 = tpu.memref_slice %arg2[%dma_start3A_179, %dma_start3A_180] : memref<10000x128xf32, #tpu.memory_space<hbm>> -> memref<10000x128xf32, #tpu.memory_space<hbm>>
        tpu.enqueue_indirect_dma source(%dma_start3A_181 : memref<10000x128xf32, #tpu.memory_space<hbm>>) target(%arg16 : memref<128x128xf32, #tpu.memory_space<vmem>>) offsets(%arg10 : memref<128xi32, #tpu.memory_space<vmem>>) semaphore(%run_scoped3A : memref<!tpu.dma_semaphore, #tpu.memory_space<semaphore_mem>>)
        %dma_wait3A_182 = arith.constant 0 : i32
        %dma_wait3A_183 = arith.constant 0 : i32
        %dma_wait3A_184 = tpu.memref_slice %arg2[%dma_wait3A_182, %dma_wait3A_183] : memref<10000x128xf32, #tpu.memory_space<hbm>> -> memref<10000x128xf32, #tpu.memory_space<hbm>>
        tpu.wait_indirect_dma semaphore(%run_scoped3A : memref<!tpu.dma_semaphore, #tpu.memory_space<semaphore_mem>>) src(%dma_wait3A_184 : memref<10000x128xf32, #tpu.memory_space<hbm>>) dst(%arg16 : memref<128x128xf32, #tpu.memory_space<vmem>>)
        tpu.yield
      }) : () -> ()
      %gt3A_159 = arith.constant 0 : i32
      %gt3A_160 = arith.cmpi sgt, %scan3A_51, %gt3A_159 : i32
      %or3A_161 = arith.constant true
      %or3A_162 = arith.ori %gt3A_160, %or3A_161 : i1
      %convert_element_type3A_163 = arith.extui %or3A_162 : i1 to i32
      %cond3A_164 = arith.constant 0 : i32
      %cond3A_165 = arith.cmpi ne, %convert_element_type3A_163, %cond3A_164 : i32
      scf.if %cond3A_165 {
        "tpu.region"() ({
          %run_scoped3A = tpu.sem_alloc : memref<!tpu.dma_semaphore, #tpu.memory_space<semaphore_mem>>
          %dma_start3A_180 = arith.constant 0 : i32
          %dma_start3A_181 = arith.constant 0 : i32
          %dma_start3A_182 = tpu.memref_slice %arg17[%dma_start3A_180, %dma_start3A_181] : memref<10240x128xf32, #tpu.memory_space<vmem_shared>> -> memref<10240x128xf32, #tpu.memory_space<vmem_shared>>
          tpu.enqueue_indirect_dma source(%arg15 : memref<128x128xf32, #tpu.memory_space<vmem>>) target(%dma_start3A_182 : memref<10240x128xf32, #tpu.memory_space<vmem_shared>>) offsets(%arg13 : memref<128xi32, #tpu.memory_space<vmem>>) semaphore(%run_scoped3A : memref<!tpu.dma_semaphore, #tpu.memory_space<semaphore_mem>>) {add = true}
          %dma_wait3A_183 = arith.constant 0 : i32
          %dma_wait3A_184 = arith.constant 0 : i32
          %dma_wait3A_185 = tpu.memref_slice %arg17[%dma_wait3A_183, %dma_wait3A_184] : memref<10240x128xf32, #tpu.memory_space<vmem_shared>> -> memref<10240x128xf32, #tpu.memory_space<vmem_shared>>
          tpu.wait_indirect_dma semaphore(%run_scoped3A : memref<!tpu.dma_semaphore, #tpu.memory_space<semaphore_mem>>) src(%arg15 : memref<128x128xf32, #tpu.memory_space<vmem>>) dst(%dma_wait3A_185 : memref<10240x128xf32, #tpu.memory_space<vmem_shared>>)
          tpu.yield
        }) : () -> ()
        %delay3A_179 = arith.constant 3000 : i32
        tpu.delay %delay3A_179
      } else {
      }
      %gt3A_166 = arith.constant 0 : i32
      %gt3A_167 = arith.cmpi sgt, %scan3A_51, %gt3A_166 : i32
      %or3A_168 = arith.constant true
      %or3A_169 = arith.ori %gt3A_167, %or3A_168 : i1
      %add3A_170 = arith.constant 3 : i32
      %add3A_171 = arith.addi %add3A_148, %add3A_170 : i32
      %lt3A_172 = arith.constant 80 : i32
      %lt3A_173 = arith.cmpi slt, %add3A_171, %lt3A_172 : i32
      %and3A_174 = arith.andi %or3A_169, %lt3A_173 : i1
      %convert_element_type3A_175 = arith.extui %and3A_174 : i1 to i32
      %cond3A_176 = arith.constant 0 : i32
      %cond3A_177 = arith.cmpi ne, %convert_element_type3A_175, %cond3A_176 : i32
      scf.if %cond3A_177 {
        %add3A_179 = arith.constant 3 : i32
        %add3A_180 = arith.addi %add3A_148, %add3A_179 : i32
        %mul3A_181 = arith.constant 128 : i32
        %mul3A_182 = arith.muli %add3A_180, %mul3A_181 : i32
        %add3A_183 = arith.addi %mul3A_8, %mul3A_182 : i32
        %dma_start3A_184 = tpu.memref_slice %arg3[%add3A_183] : memref<327680xi32, #tpu.memory_space<hbm>> -> memref<128xi32, #tpu.memory_space<hbm>>
        %dma_start3A_185 = tpu.memref_slice %arg3[%add3A_183] : memref<327680xi32, #tpu.memory_space<hbm>> -> memref<128xi32, #tpu.memory_space<hbm>>
        tpu.enqueue_dma source(%dma_start3A_185 : memref<128xi32, #tpu.memory_space<hbm>>) target(%arg9 : memref<128xi32, #tpu.memory_space<vmem>>) target_semaphore(%arg20 : memref<!tpu.dma_semaphore, #tpu.memory_space<semaphore_mem>>)
        %mul3A_186 = arith.constant 128 : i32
        %mul3A_187 = arith.muli %add3A_180, %mul3A_186 : i32
        %add3A_188 = arith.addi %mul3A_8, %mul3A_187 : i32
        %dma_start3A_189 = tpu.memref_slice %arg4[%add3A_188] : memref<327680xi32, #tpu.memory_space<hbm>> -> memref<128xi32, #tpu.memory_space<hbm>>
        %dma_start3A_190 = tpu.memref_slice %arg4[%add3A_188] : memref<327680xi32, #tpu.memory_space<hbm>> -> memref<128xi32, #tpu.memory_space<hbm>>
        tpu.enqueue_dma source(%dma_start3A_190 : memref<128xi32, #tpu.memory_space<hbm>>) target(%arg13 : memref<128xi32, #tpu.memory_space<vmem>>) target_semaphore(%arg20 : memref<!tpu.dma_semaphore, #tpu.memory_space<semaphore_mem>>)
      } else {
      }
      %scan3A_178 = arith.constant 0 : i32
      scf.yield %scan3A_178 : i32
    }
    %scan3A_45 = arith.constant 20 : i32
    "tpu.region"() ({
      %run_scoped3A = tpu.sem_alloc : memref<!tpu.dma_semaphore, #tpu.memory_space<semaphore_mem>>
      %dma_start3A_51 = arith.constant 0 : i32
      %dma_start3A_52 = arith.constant 0 : i32
      %dma_start3A_53 = tpu.memref_slice %arg17[%dma_start3A_51, %dma_start3A_52] : memref<10240x128xf32, #tpu.memory_space<vmem_shared>> -> memref<10240x128xf32, #tpu.memory_space<vmem_shared>>
      tpu.enqueue_indirect_dma source(%arg16 : memref<128x128xf32, #tpu.memory_space<vmem>>) target(%dma_start3A_53 : memref<10240x128xf32, #tpu.memory_space<vmem_shared>>) offsets(%arg14 : memref<128xi32, #tpu.memory_space<vmem>>) semaphore(%run_scoped3A : memref<!tpu.dma_semaphore, #tpu.memory_space<semaphore_mem>>) {add = true}
      %dma_wait3A = arith.constant 0 : i32
      %dma_wait3A_54 = arith.constant 0 : i32
      %dma_wait3A_55 = tpu.memref_slice %arg17[%dma_wait3A, %dma_wait3A_54] : memref<10240x128xf32, #tpu.memory_space<vmem_shared>> -> memref<10240x128xf32, #tpu.memory_space<vmem_shared>>
      tpu.wait_indirect_dma semaphore(%run_scoped3A : memref<!tpu.dma_semaphore, #tpu.memory_space<semaphore_mem>>) src(%arg16 : memref<128x128xf32, #tpu.memory_space<vmem>>) dst(%dma_wait3A_55 : memref<10240x128xf32, #tpu.memory_space<vmem_shared>>)
      tpu.yield
    }) : () -> ()
    %delay3A = arith.constant 20000 : i32
    tpu.delay %delay3A
    %barrier3A_46 = arith.constant 0 : index
    tpu.barrier barrier_id(%barrier3A_46)
    %mul3A_47 = arith.constant 640 : i32
    %mul3A_48 = arith.muli %arg1, %mul3A_47 : i32
    %mul3A_49 = arith.constant 640 : i32
    %mul3A_50 = arith.muli %arg1, %mul3A_49 : i32
    "tpu.region"() ({
      %run_scoped3A = tpu.sem_alloc : memref<!tpu.dma_semaphore, #tpu.memory_space<semaphore_mem>>
      %dma_start3A_51 = arith.constant 0 : i32
      %dma_start3A_52 = tpu.memref_slice %arg6[%arg0, %mul3A_50, %dma_start3A_51] : memref<2x10240x128xf32, #tpu.memory_space<hbm>> -> memref<1x640x128xf32, #tpu.memory_space<hbm>>
      %dma_start3A_53 = tpu.memref_squeeze %dma_start3A_52 : memref<1x640x128xf32, #tpu.memory_space<hbm>> -> memref<640x128xf32, #tpu.memory_space<hbm>>
      %dma_start3A_54 = arith.constant 0 : i32
      %dma_start3A_55 = tpu.memref_slice %arg17[%mul3A_48, %dma_start3A_54] : memref<10240x128xf32, #tpu.memory_space<vmem_shared>> -> memref<640x128xf32, #tpu.memory_space<vmem_shared>>
      tpu.enqueue_dma source(%dma_start3A_55 : memref<640x128xf32, #tpu.memory_space<vmem_shared>>) target(%dma_start3A_53 : memref<640x128xf32, #tpu.memory_space<hbm>>) target_semaphore(%run_scoped3A : memref<!tpu.dma_semaphore, #tpu.memory_space<semaphore_mem>>)
      %dma_wait3A = arith.constant 0 : i32
      %dma_wait3A_56 = tpu.memref_slice %arg6[%arg0, %mul3A_50, %dma_wait3A] : memref<2x10240x128xf32, #tpu.memory_space<hbm>> -> memref<1x640x128xf32, #tpu.memory_space<hbm>>
      %dma_wait3A_57 = tpu.memref_squeeze %dma_wait3A_56 : memref<1x640x128xf32, #tpu.memory_space<hbm>> -> memref<640x128xf32, #tpu.memory_space<hbm>>
      %dma_wait3A_58 = arith.constant 0 : i32
      %dma_wait3A_59 = tpu.memref_slice %arg17[%mul3A_48, %dma_wait3A_58] : memref<10240x128xf32, #tpu.memory_space<vmem_shared>> -> memref<640x128xf32, #tpu.memory_space<vmem_shared>>
      tpu.wait_dma2 semaphore(%run_scoped3A : memref<!tpu.dma_semaphore, #tpu.memory_space<semaphore_mem>>) src(%dma_wait3A_59 : memref<640x128xf32, #tpu.memory_space<vmem_shared>>) dst(%dma_wait3A_57 : memref<640x128xf32, #tpu.memory_space<hbm>>)
      tpu.yield
    }) : () -> ()
    return
  }
}

#map = affine_map<(d0, d1) -> (0, 0)>
#map1 = affine_map<(d0, d1) -> (0)>
#map2 = affine_map<(d0, d1) -> (0, 0, 0)>
module attributes {stable_mosaic.version = 14 : i64} {
  func.func @_sc_scatter(%arg0: i32, %arg1: i32, %arg2: memref<10000x128xf32, #tpu.memory_space<hbm>>, %arg3: memref<327680xi32, #tpu.memory_space<hbm>>, %arg4: memref<327680xi32, #tpu.memory_space<hbm>>, %arg5: memref<10240x128xf32, #tpu.memory_space<hbm>>, %arg6: memref<2x10240x128xf32, #tpu.memory_space<hbm>>, %arg7: memref<128xi32, #tpu.memory_space<vmem>>, %arg8: memref<128xi32, #tpu.memory_space<vmem>>, %arg9: memref<128xi32, #tpu.memory_space<vmem>>, %arg10: memref<128xi32, #tpu.memory_space<vmem>>, %arg11: memref<128xi32, #tpu.memory_space<vmem>>, %arg12: memref<128xi32, #tpu.memory_space<vmem>>, %arg13: memref<128xi32, #tpu.memory_space<vmem>>, %arg14: memref<128xi32, #tpu.memory_space<vmem>>, %arg15: memref<128x128xf32, #tpu.memory_space<vmem>>, %arg16: memref<128x128xf32, #tpu.memory_space<vmem>>, %arg17: memref<10240x128xf32, #tpu.memory_space<vmem_shared>>, %arg18: memref<!tpu.dma_semaphore, #tpu.memory_space<semaphore_mem>>, %arg19: memref<!tpu.dma_semaphore, #tpu.memory_space<semaphore_mem>>, %arg20: memref<!tpu.dma_semaphore, #tpu.memory_space<semaphore_mem>>, %arg21: memref<!tpu.dma_semaphore, #tpu.memory_space<semaphore_mem>>) attributes {dimension_semantics = [#tpu.dimension_semantics<core_parallel>, #tpu.dimension_semantics<subcore_parallel>], iteration_bounds = array<i64: 2, 16>, scalar_prefetch = 0 : i64, scratch_operands = 15 : i64, tpu.core_type = #tpu.core_type<sc_vector_subcore>, window_params = [{transform_indices = #map}, {transform_indices = #map1}, {transform_indices = #map1}, {transform_indices = #map}, {transform_indices = #map2}]} {
    %mul3A = arith.constant 640 : i32
    %mul3A_0 = arith.muli %arg1, %mul3A : i32
    %mul3A_1 = arith.constant 640 : i32
    %mul3A_2 = arith.muli %arg1, %mul3A_1 : i32
    "tpu.region"() ({
      %run_scoped3A = tpu.sem_alloc : memref<!tpu.dma_semaphore, #tpu.memory_space<semaphore_mem>>
      %dma_start3A_51 = arith.constant 0 : i32
      %dma_start3A_52 = tpu.memref_slice %arg17[%mul3A_2, %dma_start3A_51] : memref<10240x128xf32, #tpu.memory_space<vmem_shared>> -> memref<640x128xf32, #tpu.memory_space<vmem_shared>>
      %dma_start3A_53 = arith.constant 0 : i32
      %dma_start3A_54 = tpu.memref_slice %arg5[%mul3A_0, %dma_start3A_53] : memref<10240x128xf32, #tpu.memory_space<hbm>> -> memref<640x128xf32, #tpu.memory_space<hbm>>
      tpu.enqueue_dma source(%dma_start3A_54 : memref<640x128xf32, #tpu.memory_space<hbm>>) target(%dma_start3A_52 : memref<640x128xf32, #tpu.memory_space<vmem_shared>>) target_semaphore(%run_scoped3A : memref<!tpu.dma_semaphore, #tpu.memory_space<semaphore_mem>>)
      %dma_wait3A = arith.constant 0 : i32
      %dma_wait3A_55 = tpu.memref_slice %arg17[%mul3A_2, %dma_wait3A] : memref<10240x128xf32, #tpu.memory_space<vmem_shared>> -> memref<640x128xf32, #tpu.memory_space<vmem_shared>>
      %dma_wait3A_56 = arith.constant 0 : i32
      %dma_wait3A_57 = tpu.memref_slice %arg5[%mul3A_0, %dma_wait3A_56] : memref<10240x128xf32, #tpu.memory_space<hbm>> -> memref<640x128xf32, #tpu.memory_space<hbm>>
      tpu.wait_dma2 semaphore(%run_scoped3A : memref<!tpu.dma_semaphore, #tpu.memory_space<semaphore_mem>>) src(%dma_wait3A_57 : memref<640x128xf32, #tpu.memory_space<hbm>>) dst(%dma_wait3A_55 : memref<640x128xf32, #tpu.memory_space<vmem_shared>>)
      tpu.yield
    }) : () -> ()
    %barrier3A = arith.constant 0 : index
    tpu.barrier barrier_id(%barrier3A)
    %mul3A_3 = arith.constant 1280 : i32
    %mul3A_4 = arith.muli %arg0, %mul3A_3 : i32
    %mul3A_5 = arith.constant 80 : i32
    %mul3A_6 = arith.muli %arg1, %mul3A_5 : i32
    %add3A = arith.addi %mul3A_4, %mul3A_6 : i32
    %mul3A_7 = arith.constant 128 : i32
    %mul3A_8 = arith.muli %add3A, %mul3A_7 : i32
    %add3A_9 = arith.constant 0 : i32
    %add3A_10 = arith.addi %mul3A_8, %add3A_9 : i32
    %dma_start3A = tpu.memref_slice %arg3[%add3A_10] : memref<327680xi32, #tpu.memory_space<hbm>> -> memref<128xi32, #tpu.memory_space<hbm>>
    %dma_start3A_11 = tpu.memref_slice %arg3[%add3A_10] : memref<327680xi32, #tpu.memory_space<hbm>> -> memref<128xi32, #tpu.memory_space<hbm>>
    tpu.enqueue_dma source(%dma_start3A_11 : memref<128xi32, #tpu.memory_space<hbm>>) target(%arg7 : memref<128xi32, #tpu.memory_space<vmem>>) target_semaphore(%arg18 : memref<!tpu.dma_semaphore, #tpu.memory_space<semaphore_mem>>)
    %add3A_12 = arith.constant 0 : i32
    %add3A_13 = arith.addi %mul3A_8, %add3A_12 : i32
    %dma_start3A_14 = tpu.memref_slice %arg4[%add3A_13] : memref<327680xi32, #tpu.memory_space<hbm>> -> memref<128xi32, #tpu.memory_space<hbm>>
    %dma_start3A_15 = tpu.memref_slice %arg4[%add3A_13] : memref<327680xi32, #tpu.memory_space<hbm>> -> memref<128xi32, #tpu.memory_space<hbm>>
    tpu.enqueue_dma source(%dma_start3A_15 : memref<128xi32, #tpu.memory_space<hbm>>) target(%arg11 : memref<128xi32, #tpu.memory_space<vmem>>) target_semaphore(%arg18 : memref<!tpu.dma_semaphore, #tpu.memory_space<semaphore_mem>>)
    %add3A_16 = arith.constant 128 : i32
    %add3A_17 = arith.addi %mul3A_8, %add3A_16 : i32
    %dma_start3A_18 = tpu.memref_slice %arg3[%add3A_17] : memref<327680xi32, #tpu.memory_space<hbm>> -> memref<128xi32, #tpu.memory_space<hbm>>
    %dma_start3A_19 = tpu.memref_slice %arg3[%add3A_17] : memref<327680xi32, #tpu.memory_space<hbm>> -> memref<128xi32, #tpu.memory_space<hbm>>
    tpu.enqueue_dma source(%dma_start3A_19 : memref<128xi32, #tpu.memory_space<hbm>>) target(%arg8 : memref<128xi32, #tpu.memory_space<vmem>>) target_semaphore(%arg19 : memref<!tpu.dma_semaphore, #tpu.memory_space<semaphore_mem>>)
    %add3A_20 = arith.constant 128 : i32
    %add3A_21 = arith.addi %mul3A_8, %add3A_20 : i32
    %dma_start3A_22 = tpu.memref_slice %arg4[%add3A_21] : memref<327680xi32, #tpu.memory_space<hbm>> -> memref<128xi32, #tpu.memory_space<hbm>>
    %dma_start3A_23 = tpu.memref_slice %arg4[%add3A_21] : memref<327680xi32, #tpu.memory_space<hbm>> -> memref<128xi32, #tpu.memory_space<hbm>>
    tpu.enqueue_dma source(%dma_start3A_23 : memref<128xi32, #tpu.memory_space<hbm>>) target(%arg12 : memref<128xi32, #tpu.memory_space<vmem>>) target_semaphore(%arg19 : memref<!tpu.dma_semaphore, #tpu.memory_space<semaphore_mem>>)
    %add3A_24 = arith.constant 256 : i32
    %add3A_25 = arith.addi %mul3A_8, %add3A_24 : i32
    %dma_start3A_26 = tpu.memref_slice %arg3[%add3A_25] : memref<327680xi32, #tpu.memory_space<hbm>> -> memref<128xi32, #tpu.memory_space<hbm>>
    %dma_start3A_27 = tpu.memref_slice %arg3[%add3A_25] : memref<327680xi32, #tpu.memory_space<hbm>> -> memref<128xi32, #tpu.memory_space<hbm>>
    tpu.enqueue_dma source(%dma_start3A_27 : memref<128xi32, #tpu.memory_space<hbm>>) target(%arg9 : memref<128xi32, #tpu.memory_space<vmem>>) target_semaphore(%arg20 : memref<!tpu.dma_semaphore, #tpu.memory_space<semaphore_mem>>)
    %add3A_28 = arith.constant 256 : i32
    %add3A_29 = arith.addi %mul3A_8, %add3A_28 : i32
    %dma_start3A_30 = tpu.memref_slice %arg4[%add3A_29] : memref<327680xi32, #tpu.memory_space<hbm>> -> memref<128xi32, #tpu.memory_space<hbm>>
    %dma_start3A_31 = tpu.memref_slice %arg4[%add3A_29] : memref<327680xi32, #tpu.memory_space<hbm>> -> memref<128xi32, #tpu.memory_space<hbm>>
    tpu.enqueue_dma source(%dma_start3A_31 : memref<128xi32, #tpu.memory_space<hbm>>) target(%arg13 : memref<128xi32, #tpu.memory_space<vmem>>) target_semaphore(%arg20 : memref<!tpu.dma_semaphore, #tpu.memory_space<semaphore_mem>>)
    %add3A_32 = arith.constant 384 : i32
    %add3A_33 = arith.addi %mul3A_8, %add3A_32 : i32
    %dma_start3A_34 = tpu.memref_slice %arg3[%add3A_33] : memref<327680xi32, #tpu.memory_space<hbm>> -> memref<128xi32, #tpu.memory_space<hbm>>
    %dma_start3A_35 = tpu.memref_slice %arg3[%add3A_33] : memref<327680xi32, #tpu.memory_space<hbm>> -> memref<128xi32, #tpu.memory_space<hbm>>
    tpu.enqueue_dma source(%dma_start3A_35 : memref<128xi32, #tpu.memory_space<hbm>>) target(%arg10 : memref<128xi32, #tpu.memory_space<vmem>>) target_semaphore(%arg21 : memref<!tpu.dma_semaphore, #tpu.memory_space<semaphore_mem>>)
    %add3A_36 = arith.constant 384 : i32
    %add3A_37 = arith.addi %mul3A_8, %add3A_36 : i32
    %dma_start3A_38 = tpu.memref_slice %arg4[%add3A_37] : memref<327680xi32, #tpu.memory_space<hbm>> -> memref<128xi32, #tpu.memory_space<hbm>>
    %dma_start3A_39 = tpu.memref_slice %arg4[%add3A_37] : memref<327680xi32, #tpu.memory_space<hbm>> -> memref<128xi32, #tpu.memory_space<hbm>>
    tpu.enqueue_dma source(%dma_start3A_39 : memref<128xi32, #tpu.memory_space<hbm>>) target(%arg14 : memref<128xi32, #tpu.memory_space<vmem>>) target_semaphore(%arg21 : memref<!tpu.dma_semaphore, #tpu.memory_space<semaphore_mem>>)
    %scan3A = arith.constant 0 : i32
    %scan3A_40 = arith.constant 0 : i32
    %scan3A_41 = arith.constant 20 : i32
    %scan3A_42 = arith.addi %scan3A_40, %scan3A_41 : i32
    %scan3A_43 = arith.constant 1 : i32
    %scan3A_44 = scf.for %scan3A_51 = %scan3A_40 to %scan3A_42 step %scan3A_43 iter_args(%scan3A_52 = %scan3A) -> (i32)  : i32 {
      %mul3A_53 = arith.constant 4 : i32
      %mul3A_54 = arith.muli %mul3A_53, %scan3A_51 : i32
      %add3A_55 = arith.constant 0 : i32
      %add3A_56 = arith.addi %mul3A_54, %add3A_55 : i32
      %mul3A_57 = arith.constant 128 : i32
      %mul3A_58 = arith.muli %add3A_56, %mul3A_57 : i32
      %add3A_59 = arith.addi %mul3A_8, %mul3A_58 : i32
      %dma_wait3A = tpu.memref_slice %arg3[%add3A_59] : memref<327680xi32, #tpu.memory_space<hbm>> -> memref<128xi32, #tpu.memory_space<hbm>>
      %dma_wait3A_60 = tpu.memref_slice %arg3[%add3A_59] : memref<327680xi32, #tpu.memory_space<hbm>> -> memref<128xi32, #tpu.memory_space<hbm>>
      tpu.wait_dma2 semaphore(%arg18 : memref<!tpu.dma_semaphore, #tpu.memory_space<semaphore_mem>>) src(%dma_wait3A_60 : memref<128xi32, #tpu.memory_space<hbm>>) dst(%arg7 : memref<128xi32, #tpu.memory_space<vmem>>)
      %mul3A_61 = arith.constant 128 : i32
      %mul3A_62 = arith.muli %add3A_56, %mul3A_61 : i32
      %add3A_63 = arith.addi %mul3A_8, %mul3A_62 : i32
      %dma_wait3A_64 = tpu.memref_slice %arg4[%add3A_63] : memref<327680xi32, #tpu.memory_space<hbm>> -> memref<128xi32, #tpu.memory_space<hbm>>
      %dma_wait3A_65 = tpu.memref_slice %arg4[%add3A_63] : memref<327680xi32, #tpu.memory_space<hbm>> -> memref<128xi32, #tpu.memory_space<hbm>>
      tpu.wait_dma2 semaphore(%arg18 : memref<!tpu.dma_semaphore, #tpu.memory_space<semaphore_mem>>) src(%dma_wait3A_65 : memref<128xi32, #tpu.memory_space<hbm>>) dst(%arg11 : memref<128xi32, #tpu.memory_space<vmem>>)
      "tpu.region"() ({
        %run_scoped3A = tpu.sem_alloc : memref<!tpu.dma_semaphore, #tpu.memory_space<semaphore_mem>>
        %dma_start3A_179 = arith.constant 0 : i32
        %dma_start3A_180 = arith.constant 0 : i32
        %dma_start3A_181 = tpu.memref_slice %arg2[%dma_start3A_179, %dma_start3A_180] : memref<10000x128xf32, #tpu.memory_space<hbm>> -> memref<10000x128xf32, #tpu.memory_space<hbm>>
        tpu.enqueue_indirect_dma source(%dma_start3A_181 : memref<10000x128xf32, #tpu.memory_space<hbm>>) target(%arg15 : memref<128x128xf32, #tpu.memory_space<vmem>>) offsets(%arg7 : memref<128xi32, #tpu.memory_space<vmem>>) semaphore(%run_scoped3A : memref<!tpu.dma_semaphore, #tpu.memory_space<semaphore_mem>>)
        %dma_wait3A_182 = arith.constant 0 : i32
        %dma_wait3A_183 = arith.constant 0 : i32
        %dma_wait3A_184 = tpu.memref_slice %arg2[%dma_wait3A_182, %dma_wait3A_183] : memref<10000x128xf32, #tpu.memory_space<hbm>> -> memref<10000x128xf32, #tpu.memory_space<hbm>>
        tpu.wait_indirect_dma semaphore(%run_scoped3A : memref<!tpu.dma_semaphore, #tpu.memory_space<semaphore_mem>>) src(%dma_wait3A_184 : memref<10000x128xf32, #tpu.memory_space<hbm>>) dst(%arg15 : memref<128x128xf32, #tpu.memory_space<vmem>>)
        tpu.yield
      }) : () -> ()
      %gt3A = arith.constant 0 : i32
      %gt3A_66 = arith.cmpi sgt, %scan3A_51, %gt3A : i32
      %or3A = arith.constant false
      %or3A_67 = arith.ori %gt3A_66, %or3A : i1
      %convert_element_type3A = arith.extui %or3A_67 : i1 to i32
      %cond3A = arith.constant 0 : i32
      %cond3A_68 = arith.cmpi ne, %convert_element_type3A, %cond3A : i32
      scf.if %cond3A_68 {
        "tpu.region"() ({
          %run_scoped3A = tpu.sem_alloc : memref<!tpu.dma_semaphore, #tpu.memory_space<semaphore_mem>>
          %dma_start3A_180 = arith.constant 0 : i32
          %dma_start3A_181 = arith.constant 0 : i32
          %dma_start3A_182 = tpu.memref_slice %arg17[%dma_start3A_180, %dma_start3A_181] : memref<10240x128xf32, #tpu.memory_space<vmem_shared>> -> memref<10240x128xf32, #tpu.memory_space<vmem_shared>>
          tpu.enqueue_indirect_dma source(%arg16 : memref<128x128xf32, #tpu.memory_space<vmem>>) target(%dma_start3A_182 : memref<10240x128xf32, #tpu.memory_space<vmem_shared>>) offsets(%arg14 : memref<128xi32, #tpu.memory_space<vmem>>) semaphore(%run_scoped3A : memref<!tpu.dma_semaphore, #tpu.memory_space<semaphore_mem>>) {add = true}
          %dma_wait3A_183 = arith.constant 0 : i32
          %dma_wait3A_184 = arith.constant 0 : i32
          %dma_wait3A_185 = tpu.memref_slice %arg17[%dma_wait3A_183, %dma_wait3A_184] : memref<10240x128xf32, #tpu.memory_space<vmem_shared>> -> memref<10240x128xf32, #tpu.memory_space<vmem_shared>>
          tpu.wait_indirect_dma semaphore(%run_scoped3A : memref<!tpu.dma_semaphore, #tpu.memory_space<semaphore_mem>>) src(%arg16 : memref<128x128xf32, #tpu.memory_space<vmem>>) dst(%dma_wait3A_185 : memref<10240x128xf32, #tpu.memory_space<vmem_shared>>)
          tpu.yield
        }) : () -> ()
        %delay3A_179 = arith.constant 3000 : i32
        tpu.delay %delay3A_179
      } else {
      }
      %gt3A_69 = arith.constant 0 : i32
      %gt3A_70 = arith.cmpi sgt, %scan3A_51, %gt3A_69 : i32
      %or3A_71 = arith.constant false
      %or3A_72 = arith.ori %gt3A_70, %or3A_71 : i1
      %add3A_73 = arith.constant 3 : i32
      %add3A_74 = arith.addi %add3A_56, %add3A_73 : i32
      %lt3A = arith.constant 80 : i32
      %lt3A_75 = arith.cmpi slt, %add3A_74, %lt3A : i32
      %and3A = arith.andi %or3A_72, %lt3A_75 : i1
      %convert_element_type3A_76 = arith.extui %and3A : i1 to i32
      %cond3A_77 = arith.constant 0 : i32
      %cond3A_78 = arith.cmpi ne, %convert_element_type3A_76, %cond3A_77 : i32
      scf.if %cond3A_78 {
        %add3A_179 = arith.constant 3 : i32
        %add3A_180 = arith.addi %add3A_56, %add3A_179 : i32
        %mul3A_181 = arith.constant 128 : i32
        %mul3A_182 = arith.muli %add3A_180, %mul3A_181 : i32
        %add3A_183 = arith.addi %mul3A_8, %mul3A_182 : i32
        %dma_start3A_184 = tpu.memref_slice %arg3[%add3A_183] : memref<327680xi32, #tpu.memory_space<hbm>> -> memref<128xi32, #tpu.memory_space<hbm>>
        %dma_start3A_185 = tpu.memref_slice %arg3[%add3A_183] : memref<327680xi32, #tpu.memory_space<hbm>> -> memref<128xi32, #tpu.memory_space<hbm>>
        tpu.enqueue_dma source(%dma_start3A_185 : memref<128xi32, #tpu.memory_space<hbm>>) target(%arg10 : memref<128xi32, #tpu.memory_space<vmem>>) target_semaphore(%arg21 : memref<!tpu.dma_semaphore, #tpu.memory_space<semaphore_mem>>)
        %mul3A_186 = arith.constant 128 : i32
        %mul3A_187 = arith.muli %add3A_180, %mul3A_186 : i32
        %add3A_188 = arith.addi %mul3A_8, %mul3A_187 : i32
        %dma_start3A_189 = tpu.memref_slice %arg4[%add3A_188] : memref<327680xi32, #tpu.memory_space<hbm>> -> memref<128xi32, #tpu.memory_space<hbm>>
        %dma_start3A_190 = tpu.memref_slice %arg4[%add3A_188] : memref<327680xi32, #tpu.memory_space<hbm>> -> memref<128xi32, #tpu.memory_space<hbm>>
        tpu.enqueue_dma source(%dma_start3A_190 : memref<128xi32, #tpu.memory_space<hbm>>) target(%arg14 : memref<128xi32, #tpu.memory_space<vmem>>) target_semaphore(%arg21 : memref<!tpu.dma_semaphore, #tpu.memory_space<semaphore_mem>>)
      } else {
      }
      %mul3A_79 = arith.constant 4 : i32
      %mul3A_80 = arith.muli %mul3A_79, %scan3A_51 : i32
      %add3A_81 = arith.constant 1 : i32
      %add3A_82 = arith.addi %mul3A_80, %add3A_81 : i32
      %mul3A_83 = arith.constant 128 : i32
      %mul3A_84 = arith.muli %add3A_82, %mul3A_83 : i32
      %add3A_85 = arith.addi %mul3A_8, %mul3A_84 : i32
      %dma_wait3A_86 = tpu.memref_slice %arg3[%add3A_85] : memref<327680xi32, #tpu.memory_space<hbm>> -> memref<128xi32, #tpu.memory_space<hbm>>
      %dma_wait3A_87 = tpu.memref_slice %arg3[%add3A_85] : memref<327680xi32, #tpu.memory_space<hbm>> -> memref<128xi32, #tpu.memory_space<hbm>>
      tpu.wait_dma2 semaphore(%arg19 : memref<!tpu.dma_semaphore, #tpu.memory_space<semaphore_mem>>) src(%dma_wait3A_87 : memref<128xi32, #tpu.memory_space<hbm>>) dst(%arg8 : memref<128xi32, #tpu.memory_space<vmem>>)
      %mul3A_88 = arith.constant 128 : i32
      %mul3A_89 = arith.muli %add3A_82, %mul3A_88 : i32
      %add3A_90 = arith.addi %mul3A_8, %mul3A_89 : i32
      %dma_wait3A_91 = tpu.memref_slice %arg4[%add3A_90] : memref<327680xi32, #tpu.memory_space<hbm>> -> memref<128xi32, #tpu.memory_space<hbm>>
      %dma_wait3A_92 = tpu.memref_slice %arg4[%add3A_90] : memref<327680xi32, #tpu.memory_space<hbm>> -> memref<128xi32, #tpu.memory_space<hbm>>
      tpu.wait_dma2 semaphore(%arg19 : memref<!tpu.dma_semaphore, #tpu.memory_space<semaphore_mem>>) src(%dma_wait3A_92 : memref<128xi32, #tpu.memory_space<hbm>>) dst(%arg12 : memref<128xi32, #tpu.memory_space<vmem>>)
      "tpu.region"() ({
        %run_scoped3A = tpu.sem_alloc : memref<!tpu.dma_semaphore, #tpu.memory_space<semaphore_mem>>
        %dma_start3A_179 = arith.constant 0 : i32
        %dma_start3A_180 = arith.constant 0 : i32
        %dma_start3A_181 = tpu.memref_slice %arg2[%dma_start3A_179, %dma_start3A_180] : memref<10000x128xf32, #tpu.memory_space<hbm>> -> memref<10000x128xf32, #tpu.memory_space<hbm>>
        tpu.enqueue_indirect_dma source(%dma_start3A_181 : memref<10000x128xf32, #tpu.memory_space<hbm>>) target(%arg16 : memref<128x128xf32, #tpu.memory_space<vmem>>) offsets(%arg8 : memref<128xi32, #tpu.memory_space<vmem>>) semaphore(%run_scoped3A : memref<!tpu.dma_semaphore, #tpu.memory_space<semaphore_mem>>)
        %dma_wait3A_182 = arith.constant 0 : i32
        %dma_wait3A_183 = arith.constant 0 : i32
        %dma_wait3A_184 = tpu.memref_slice %arg2[%dma_wait3A_182, %dma_wait3A_183] : memref<10000x128xf32, #tpu.memory_space<hbm>> -> memref<10000x128xf32, #tpu.memory_space<hbm>>
        tpu.wait_indirect_dma semaphore(%run_scoped3A : memref<!tpu.dma_semaphore, #tpu.memory_space<semaphore_mem>>) src(%dma_wait3A_184 : memref<10000x128xf32, #tpu.memory_space<hbm>>) dst(%arg16 : memref<128x128xf32, #tpu.memory_space<vmem>>)
        tpu.yield
      }) : () -> ()
      %gt3A_93 = arith.constant 0 : i32
      %gt3A_94 = arith.cmpi sgt, %scan3A_51, %gt3A_93 : i32
      %or3A_95 = arith.constant true
      %or3A_96 = arith.ori %gt3A_94, %or3A_95 : i1
      %convert_element_type3A_97 = arith.extui %or3A_96 : i1 to i32
      %cond3A_98 = arith.constant 0 : i32
      %cond3A_99 = arith.cmpi ne, %convert_element_type3A_97, %cond3A_98 : i32
      scf.if %cond3A_99 {
        "tpu.region"() ({
          %run_scoped3A = tpu.sem_alloc : memref<!tpu.dma_semaphore, #tpu.memory_space<semaphore_mem>>
          %dma_start3A_180 = arith.constant 0 : i32
          %dma_start3A_181 = arith.constant 0 : i32
          %dma_start3A_182 = tpu.memref_slice %arg17[%dma_start3A_180, %dma_start3A_181] : memref<10240x128xf32, #tpu.memory_space<vmem_shared>> -> memref<10240x128xf32, #tpu.memory_space<vmem_shared>>
          tpu.enqueue_indirect_dma source(%arg15 : memref<128x128xf32, #tpu.memory_space<vmem>>) target(%dma_start3A_182 : memref<10240x128xf32, #tpu.memory_space<vmem_shared>>) offsets(%arg11 : memref<128xi32, #tpu.memory_space<vmem>>) semaphore(%run_scoped3A : memref<!tpu.dma_semaphore, #tpu.memory_space<semaphore_mem>>) {add = true}
          %dma_wait3A_183 = arith.constant 0 : i32
          %dma_wait3A_184 = arith.constant 0 : i32
          %dma_wait3A_185 = tpu.memref_slice %arg17[%dma_wait3A_183, %dma_wait3A_184] : memref<10240x128xf32, #tpu.memory_space<vmem_shared>> -> memref<10240x128xf32, #tpu.memory_space<vmem_shared>>
          tpu.wait_indirect_dma semaphore(%run_scoped3A : memref<!tpu.dma_semaphore, #tpu.memory_space<semaphore_mem>>) src(%arg15 : memref<128x128xf32, #tpu.memory_space<vmem>>) dst(%dma_wait3A_185 : memref<10240x128xf32, #tpu.memory_space<vmem_shared>>)
          tpu.yield
        }) : () -> ()
        %delay3A_179 = arith.constant 3000 : i32
        tpu.delay %delay3A_179
      } else {
      }
      %gt3A_100 = arith.constant 0 : i32
      %gt3A_101 = arith.cmpi sgt, %scan3A_51, %gt3A_100 : i32
      %or3A_102 = arith.constant true
      %or3A_103 = arith.ori %gt3A_101, %or3A_102 : i1
      %add3A_104 = arith.constant 3 : i32
      %add3A_105 = arith.addi %add3A_82, %add3A_104 : i32
      %lt3A_106 = arith.constant 80 : i32
      %lt3A_107 = arith.cmpi slt, %add3A_105, %lt3A_106 : i32
      %and3A_108 = arith.andi %or3A_103, %lt3A_107 : i1
      %convert_element_type3A_109 = arith.extui %and3A_108 : i1 to i32
      %cond3A_110 = arith.constant 0 : i32
      %cond3A_111 = arith.cmpi ne, %convert_element_type3A_109, %cond3A_110 : i32
      scf.if %cond3A_111 {
        %add3A_179 = arith.constant 3 : i32
        %add3A_180 = arith.addi %add3A_82, %add3A_179 : i32
        %mul3A_181 = arith.constant 128 : i32
        %mul3A_182 = arith.muli %add3A_180, %mul3A_181 : i32
        %add3A_183 = arith.addi %mul3A_8, %mul3A_182 : i32
        %dma_start3A_184 = tpu.memref_slice %arg3[%add3A_183] : memref<327680xi32, #tpu.memory_space<hbm>> -> memref<128xi32, #tpu.memory_space<hbm>>
        %dma_start3A_185 = tpu.memref_slice %arg3[%add3A_183] : memref<327680xi32, #tpu.memory_space<hbm>> -> memref<128xi32, #tpu.memory_space<hbm>>
        tpu.enqueue_dma source(%dma_start3A_185 : memref<128xi32, #tpu.memory_space<hbm>>) target(%arg7 : memref<128xi32, #tpu.memory_space<vmem>>) target_semaphore(%arg18 : memref<!tpu.dma_semaphore, #tpu.memory_space<semaphore_mem>>)
        %mul3A_186 = arith.constant 128 : i32
        %mul3A_187 = arith.muli %add3A_180, %mul3A_186 : i32
        %add3A_188 = arith.addi %mul3A_8, %mul3A_187 : i32
        %dma_start3A_189 = tpu.memref_slice %arg4[%add3A_188] : memref<327680xi32, #tpu.memory_space<hbm>> -> memref<128xi32, #tpu.memory_space<hbm>>
        %dma_start3A_190 = tpu.memref_slice %arg4[%add3A_188] : memref<327680xi32, #tpu.memory_space<hbm>> -> memref<128xi32, #tpu.memory_space<hbm>>
        tpu.enqueue_dma source(%dma_start3A_190 : memref<128xi32, #tpu.memory_space<hbm>>) target(%arg11 : memref<128xi32, #tpu.memory_space<vmem>>) target_semaphore(%arg18 : memref<!tpu.dma_semaphore, #tpu.memory_space<semaphore_mem>>)
      } else {
      }
      %mul3A_112 = arith.constant 4 : i32
      %mul3A_113 = arith.muli %mul3A_112, %scan3A_51 : i32
      %add3A_114 = arith.constant 2 : i32
      %add3A_115 = arith.addi %mul3A_113, %add3A_114 : i32
      %mul3A_116 = arith.constant 128 : i32
      %mul3A_117 = arith.muli %add3A_115, %mul3A_116 : i32
      %add3A_118 = arith.addi %mul3A_8, %mul3A_117 : i32
      %dma_wait3A_119 = tpu.memref_slice %arg3[%add3A_118] : memref<327680xi32, #tpu.memory_space<hbm>> -> memref<128xi32, #tpu.memory_space<hbm>>
      %dma_wait3A_120 = tpu.memref_slice %arg3[%add3A_118] : memref<327680xi32, #tpu.memory_space<hbm>> -> memref<128xi32, #tpu.memory_space<hbm>>
      tpu.wait_dma2 semaphore(%arg20 : memref<!tpu.dma_semaphore, #tpu.memory_space<semaphore_mem>>) src(%dma_wait3A_120 : memref<128xi32, #tpu.memory_space<hbm>>) dst(%arg9 : memref<128xi32, #tpu.memory_space<vmem>>)
      %mul3A_121 = arith.constant 128 : i32
      %mul3A_122 = arith.muli %add3A_115, %mul3A_121 : i32
      %add3A_123 = arith.addi %mul3A_8, %mul3A_122 : i32
      %dma_wait3A_124 = tpu.memref_slice %arg4[%add3A_123] : memref<327680xi32, #tpu.memory_space<hbm>> -> memref<128xi32, #tpu.memory_space<hbm>>
      %dma_wait3A_125 = tpu.memref_slice %arg4[%add3A_123] : memref<327680xi32, #tpu.memory_space<hbm>> -> memref<128xi32, #tpu.memory_space<hbm>>
      tpu.wait_dma2 semaphore(%arg20 : memref<!tpu.dma_semaphore, #tpu.memory_space<semaphore_mem>>) src(%dma_wait3A_125 : memref<128xi32, #tpu.memory_space<hbm>>) dst(%arg13 : memref<128xi32, #tpu.memory_space<vmem>>)
      "tpu.region"() ({
        %run_scoped3A = tpu.sem_alloc : memref<!tpu.dma_semaphore, #tpu.memory_space<semaphore_mem>>
        %dma_start3A_179 = arith.constant 0 : i32
        %dma_start3A_180 = arith.constant 0 : i32
        %dma_start3A_181 = tpu.memref_slice %arg2[%dma_start3A_179, %dma_start3A_180] : memref<10000x128xf32, #tpu.memory_space<hbm>> -> memref<10000x128xf32, #tpu.memory_space<hbm>>
        tpu.enqueue_indirect_dma source(%dma_start3A_181 : memref<10000x128xf32, #tpu.memory_space<hbm>>) target(%arg15 : memref<128x128xf32, #tpu.memory_space<vmem>>) offsets(%arg9 : memref<128xi32, #tpu.memory_space<vmem>>) semaphore(%run_scoped3A : memref<!tpu.dma_semaphore, #tpu.memory_space<semaphore_mem>>)
        %dma_wait3A_182 = arith.constant 0 : i32
        %dma_wait3A_183 = arith.constant 0 : i32
        %dma_wait3A_184 = tpu.memref_slice %arg2[%dma_wait3A_182, %dma_wait3A_183] : memref<10000x128xf32, #tpu.memory_space<hbm>> -> memref<10000x128xf32, #tpu.memory_space<hbm>>
        tpu.wait_indirect_dma semaphore(%run_scoped3A : memref<!tpu.dma_semaphore, #tpu.memory_space<semaphore_mem>>) src(%dma_wait3A_184 : memref<10000x128xf32, #tpu.memory_space<hbm>>) dst(%arg15 : memref<128x128xf32, #tpu.memory_space<vmem>>)
        tpu.yield
      }) : () -> ()
      %gt3A_126 = arith.constant 0 : i32
      %gt3A_127 = arith.cmpi sgt, %scan3A_51, %gt3A_126 : i32
      %or3A_128 = arith.constant true
      %or3A_129 = arith.ori %gt3A_127, %or3A_128 : i1
      %convert_element_type3A_130 = arith.extui %or3A_129 : i1 to i32
      %cond3A_131 = arith.constant 0 : i32
      %cond3A_132 = arith.cmpi ne, %convert_element_type3A_130, %cond3A_131 : i32
      scf.if %cond3A_132 {
        "tpu.region"() ({
          %run_scoped3A = tpu.sem_alloc : memref<!tpu.dma_semaphore, #tpu.memory_space<semaphore_mem>>
          %dma_start3A_180 = arith.constant 0 : i32
          %dma_start3A_181 = arith.constant 0 : i32
          %dma_start3A_182 = tpu.memref_slice %arg17[%dma_start3A_180, %dma_start3A_181] : memref<10240x128xf32, #tpu.memory_space<vmem_shared>> -> memref<10240x128xf32, #tpu.memory_space<vmem_shared>>
          tpu.enqueue_indirect_dma source(%arg16 : memref<128x128xf32, #tpu.memory_space<vmem>>) target(%dma_start3A_182 : memref<10240x128xf32, #tpu.memory_space<vmem_shared>>) offsets(%arg12 : memref<128xi32, #tpu.memory_space<vmem>>) semaphore(%run_scoped3A : memref<!tpu.dma_semaphore, #tpu.memory_space<semaphore_mem>>) {add = true}
          %dma_wait3A_183 = arith.constant 0 : i32
          %dma_wait3A_184 = arith.constant 0 : i32
          %dma_wait3A_185 = tpu.memref_slice %arg17[%dma_wait3A_183, %dma_wait3A_184] : memref<10240x128xf32, #tpu.memory_space<vmem_shared>> -> memref<10240x128xf32, #tpu.memory_space<vmem_shared>>
          tpu.wait_indirect_dma semaphore(%run_scoped3A : memref<!tpu.dma_semaphore, #tpu.memory_space<semaphore_mem>>) src(%arg16 : memref<128x128xf32, #tpu.memory_space<vmem>>) dst(%dma_wait3A_185 : memref<10240x128xf32, #tpu.memory_space<vmem_shared>>)
          tpu.yield
        }) : () -> ()
        %delay3A_179 = arith.constant 3000 : i32
        tpu.delay %delay3A_179
      } else {
      }
      %gt3A_133 = arith.constant 0 : i32
      %gt3A_134 = arith.cmpi sgt, %scan3A_51, %gt3A_133 : i32
      %or3A_135 = arith.constant true
      %or3A_136 = arith.ori %gt3A_134, %or3A_135 : i1
      %add3A_137 = arith.constant 3 : i32
      %add3A_138 = arith.addi %add3A_115, %add3A_137 : i32
      %lt3A_139 = arith.constant 80 : i32
      %lt3A_140 = arith.cmpi slt, %add3A_138, %lt3A_139 : i32
      %and3A_141 = arith.andi %or3A_136, %lt3A_140 : i1
      %convert_element_type3A_142 = arith.extui %and3A_141 : i1 to i32
      %cond3A_143 = arith.constant 0 : i32
      %cond3A_144 = arith.cmpi ne, %convert_element_type3A_142, %cond3A_143 : i32
      scf.if %cond3A_144 {
        %add3A_179 = arith.constant 3 : i32
        %add3A_180 = arith.addi %add3A_115, %add3A_179 : i32
        %mul3A_181 = arith.constant 128 : i32
        %mul3A_182 = arith.muli %add3A_180, %mul3A_181 : i32
        %add3A_183 = arith.addi %mul3A_8, %mul3A_182 : i32
        %dma_start3A_184 = tpu.memref_slice %arg3[%add3A_183] : memref<327680xi32, #tpu.memory_space<hbm>> -> memref<128xi32, #tpu.memory_space<hbm>>
        %dma_start3A_185 = tpu.memref_slice %arg3[%add3A_183] : memref<327680xi32, #tpu.memory_space<hbm>> -> memref<128xi32, #tpu.memory_space<hbm>>
        tpu.enqueue_dma source(%dma_start3A_185 : memref<128xi32, #tpu.memory_space<hbm>>) target(%arg8 : memref<128xi32, #tpu.memory_space<vmem>>) target_semaphore(%arg19 : memref<!tpu.dma_semaphore, #tpu.memory_space<semaphore_mem>>)
        %mul3A_186 = arith.constant 128 : i32
        %mul3A_187 = arith.muli %add3A_180, %mul3A_186 : i32
        %add3A_188 = arith.addi %mul3A_8, %mul3A_187 : i32
        %dma_start3A_189 = tpu.memref_slice %arg4[%add3A_188] : memref<327680xi32, #tpu.memory_space<hbm>> -> memref<128xi32, #tpu.memory_space<hbm>>
        %dma_start3A_190 = tpu.memref_slice %arg4[%add3A_188] : memref<327680xi32, #tpu.memory_space<hbm>> -> memref<128xi32, #tpu.memory_space<hbm>>
        tpu.enqueue_dma source(%dma_start3A_190 : memref<128xi32, #tpu.memory_space<hbm>>) target(%arg12 : memref<128xi32, #tpu.memory_space<vmem>>) target_semaphore(%arg19 : memref<!tpu.dma_semaphore, #tpu.memory_space<semaphore_mem>>)
      } else {
      }
      %mul3A_145 = arith.constant 4 : i32
      %mul3A_146 = arith.muli %mul3A_145, %scan3A_51 : i32
      %add3A_147 = arith.constant 3 : i32
      %add3A_148 = arith.addi %mul3A_146, %add3A_147 : i32
      %mul3A_149 = arith.constant 128 : i32
      %mul3A_150 = arith.muli %add3A_148, %mul3A_149 : i32
      %add3A_151 = arith.addi %mul3A_8, %mul3A_150 : i32
      %dma_wait3A_152 = tpu.memref_slice %arg3[%add3A_151] : memref<327680xi32, #tpu.memory_space<hbm>> -> memref<128xi32, #tpu.memory_space<hbm>>
      %dma_wait3A_153 = tpu.memref_slice %arg3[%add3A_151] : memref<327680xi32, #tpu.memory_space<hbm>> -> memref<128xi32, #tpu.memory_space<hbm>>
      tpu.wait_dma2 semaphore(%arg21 : memref<!tpu.dma_semaphore, #tpu.memory_space<semaphore_mem>>) src(%dma_wait3A_153 : memref<128xi32, #tpu.memory_space<hbm>>) dst(%arg10 : memref<128xi32, #tpu.memory_space<vmem>>)
      %mul3A_154 = arith.constant 128 : i32
      %mul3A_155 = arith.muli %add3A_148, %mul3A_154 : i32
      %add3A_156 = arith.addi %mul3A_8, %mul3A_155 : i32
      %dma_wait3A_157 = tpu.memref_slice %arg4[%add3A_156] : memref<327680xi32, #tpu.memory_space<hbm>> -> memref<128xi32, #tpu.memory_space<hbm>>
      %dma_wait3A_158 = tpu.memref_slice %arg4[%add3A_156] : memref<327680xi32, #tpu.memory_space<hbm>> -> memref<128xi32, #tpu.memory_space<hbm>>
      tpu.wait_dma2 semaphore(%arg21 : memref<!tpu.dma_semaphore, #tpu.memory_space<semaphore_mem>>) src(%dma_wait3A_158 : memref<128xi32, #tpu.memory_space<hbm>>) dst(%arg14 : memref<128xi32, #tpu.memory_space<vmem>>)
      "tpu.region"() ({
        %run_scoped3A = tpu.sem_alloc : memref<!tpu.dma_semaphore, #tpu.memory_space<semaphore_mem>>
        %dma_start3A_179 = arith.constant 0 : i32
        %dma_start3A_180 = arith.constant 0 : i32
        %dma_start3A_181 = tpu.memref_slice %arg2[%dma_start3A_179, %dma_start3A_180] : memref<10000x128xf32, #tpu.memory_space<hbm>> -> memref<10000x128xf32, #tpu.memory_space<hbm>>
        tpu.enqueue_indirect_dma source(%dma_start3A_181 : memref<10000x128xf32, #tpu.memory_space<hbm>>) target(%arg16 : memref<128x128xf32, #tpu.memory_space<vmem>>) offsets(%arg10 : memref<128xi32, #tpu.memory_space<vmem>>) semaphore(%run_scoped3A : memref<!tpu.dma_semaphore, #tpu.memory_space<semaphore_mem>>)
        %dma_wait3A_182 = arith.constant 0 : i32
        %dma_wait3A_183 = arith.constant 0 : i32
        %dma_wait3A_184 = tpu.memref_slice %arg2[%dma_wait3A_182, %dma_wait3A_183] : memref<10000x128xf32, #tpu.memory_space<hbm>> -> memref<10000x128xf32, #tpu.memory_space<hbm>>
        tpu.wait_indirect_dma semaphore(%run_scoped3A : memref<!tpu.dma_semaphore, #tpu.memory_space<semaphore_mem>>) src(%dma_wait3A_184 : memref<10000x128xf32, #tpu.memory_space<hbm>>) dst(%arg16 : memref<128x128xf32, #tpu.memory_space<vmem>>)
        tpu.yield
      }) : () -> ()
      %gt3A_159 = arith.constant 0 : i32
      %gt3A_160 = arith.cmpi sgt, %scan3A_51, %gt3A_159 : i32
      %or3A_161 = arith.constant true
      %or3A_162 = arith.ori %gt3A_160, %or3A_161 : i1
      %convert_element_type3A_163 = arith.extui %or3A_162 : i1 to i32
      %cond3A_164 = arith.constant 0 : i32
      %cond3A_165 = arith.cmpi ne, %convert_element_type3A_163, %cond3A_164 : i32
      scf.if %cond3A_165 {
        "tpu.region"() ({
          %run_scoped3A = tpu.sem_alloc : memref<!tpu.dma_semaphore, #tpu.memory_space<semaphore_mem>>
          %dma_start3A_180 = arith.constant 0 : i32
          %dma_start3A_181 = arith.constant 0 : i32
          %dma_start3A_182 = tpu.memref_slice %arg17[%dma_start3A_180, %dma_start3A_181] : memref<10240x128xf32, #tpu.memory_space<vmem_shared>> -> memref<10240x128xf32, #tpu.memory_space<vmem_shared>>
          tpu.enqueue_indirect_dma source(%arg15 : memref<128x128xf32, #tpu.memory_space<vmem>>) target(%dma_start3A_182 : memref<10240x128xf32, #tpu.memory_space<vmem_shared>>) offsets(%arg13 : memref<128xi32, #tpu.memory_space<vmem>>) semaphore(%run_scoped3A : memref<!tpu.dma_semaphore, #tpu.memory_space<semaphore_mem>>) {add = true}
          %dma_wait3A_183 = arith.constant 0 : i32
          %dma_wait3A_184 = arith.constant 0 : i32
          %dma_wait3A_185 = tpu.memref_slice %arg17[%dma_wait3A_183, %dma_wait3A_184] : memref<10240x128xf32, #tpu.memory_space<vmem_shared>> -> memref<10240x128xf32, #tpu.memory_space<vmem_shared>>
          tpu.wait_indirect_dma semaphore(%run_scoped3A : memref<!tpu.dma_semaphore, #tpu.memory_space<semaphore_mem>>) src(%arg15 : memref<128x128xf32, #tpu.memory_space<vmem>>) dst(%dma_wait3A_185 : memref<10240x128xf32, #tpu.memory_space<vmem_shared>>)
          tpu.yield
        }) : () -> ()
        %delay3A_179 = arith.constant 3000 : i32
        tpu.delay %delay3A_179
      } else {
      }
      %gt3A_166 = arith.constant 0 : i32
      %gt3A_167 = arith.cmpi sgt, %scan3A_51, %gt3A_166 : i32
      %or3A_168 = arith.constant true
      %or3A_169 = arith.ori %gt3A_167, %or3A_168 : i1
      %add3A_170 = arith.constant 3 : i32
      %add3A_171 = arith.addi %add3A_148, %add3A_170 : i32
      %lt3A_172 = arith.constant 80 : i32
      %lt3A_173 = arith.cmpi slt, %add3A_171, %lt3A_172 : i32
      %and3A_174 = arith.andi %or3A_169, %lt3A_173 : i1
      %convert_element_type3A_175 = arith.extui %and3A_174 : i1 to i32
      %cond3A_176 = arith.constant 0 : i32
      %cond3A_177 = arith.cmpi ne, %convert_element_type3A_175, %cond3A_176 : i32
      scf.if %cond3A_177 {
        %add3A_179 = arith.constant 3 : i32
        %add3A_180 = arith.addi %add3A_148, %add3A_179 : i32
        %mul3A_181 = arith.constant 128 : i32
        %mul3A_182 = arith.muli %add3A_180, %mul3A_181 : i32
        %add3A_183 = arith.addi %mul3A_8, %mul3A_182 : i32
        %dma_start3A_184 = tpu.memref_slice %arg3[%add3A_183] : memref<327680xi32, #tpu.memory_space<hbm>> -> memref<128xi32, #tpu.memory_space<hbm>>
        %dma_start3A_185 = tpu.memref_slice %arg3[%add3A_183] : memref<327680xi32, #tpu.memory_space<hbm>> -> memref<128xi32, #tpu.memory_space<hbm>>
        tpu.enqueue_dma source(%dma_start3A_185 : memref<128xi32, #tpu.memory_space<hbm>>) target(%arg9 : memref<128xi32, #tpu.memory_space<vmem>>) target_semaphore(%arg20 : memref<!tpu.dma_semaphore, #tpu.memory_space<semaphore_mem>>)
        %mul3A_186 = arith.constant 128 : i32
        %mul3A_187 = arith.muli %add3A_180, %mul3A_186 : i32
        %add3A_188 = arith.addi %mul3A_8, %mul3A_187 : i32
        %dma_start3A_189 = tpu.memref_slice %arg4[%add3A_188] : memref<327680xi32, #tpu.memory_space<hbm>> -> memref<128xi32, #tpu.memory_space<hbm>>
        %dma_start3A_190 = tpu.memref_slice %arg4[%add3A_188] : memref<327680xi32, #tpu.memory_space<hbm>> -> memref<128xi32, #tpu.memory_space<hbm>>
        tpu.enqueue_dma source(%dma_start3A_190 : memref<128xi32, #tpu.memory_space<hbm>>) target(%arg13 : memref<128xi32, #tpu.memory_space<vmem>>) target_semaphore(%arg20 : memref<!tpu.dma_semaphore, #tpu.memory_space<semaphore_mem>>)
      } else {
      }
      %scan3A_178 = arith.constant 0 : i32
      scf.yield %scan3A_178 : i32
    }
    %scan3A_45 = arith.constant 20 : i32
    "tpu.region"() ({
      %run_scoped3A = tpu.sem_alloc : memref<!tpu.dma_semaphore, #tpu.memory_space<semaphore_mem>>
      %dma_start3A_51 = arith.constant 0 : i32
      %dma_start3A_52 = arith.constant 0 : i32
      %dma_start3A_53 = tpu.memref_slice %arg17[%dma_start3A_51, %dma_start3A_52] : memref<10240x128xf32, #tpu.memory_space<vmem_shared>> -> memref<10240x128xf32, #tpu.memory_space<vmem_shared>>
      tpu.enqueue_indirect_dma source(%arg16 : memref<128x128xf32, #tpu.memory_space<vmem>>) target(%dma_start3A_53 : memref<10240x128xf32, #tpu.memory_space<vmem_shared>>) offsets(%arg14 : memref<128xi32, #tpu.memory_space<vmem>>) semaphore(%run_scoped3A : memref<!tpu.dma_semaphore, #tpu.memory_space<semaphore_mem>>) {add = true}
      %dma_wait3A = arith.constant 0 : i32
      %dma_wait3A_54 = arith.constant 0 : i32
      %dma_wait3A_55 = tpu.memref_slice %arg17[%dma_wait3A, %dma_wait3A_54] : memref<10240x128xf32, #tpu.memory_space<vmem_shared>> -> memref<10240x128xf32, #tpu.memory_space<vmem_shared>>
      tpu.wait_indirect_dma semaphore(%run_scoped3A : memref<!tpu.dma_semaphore, #tpu.memory_space<semaphore_mem>>) src(%arg16 : memref<128x128xf32, #tpu.memory_space<vmem>>) dst(%dma_wait3A_55 : memref<10240x128xf32, #tpu.memory_space<vmem_shared>>)
      tpu.yield
    }) : () -> ()
    %delay3A = arith.constant 20000 : i32
    tpu.delay %delay3A
    %barrier3A_46 = arith.constant 0 : index
    tpu.barrier barrier_id(%barrier3A_46)
    %mul3A_47 = arith.constant 640 : i32
    %mul3A_48 = arith.muli %arg1, %mul3A_47 : i32
    %mul3A_49 = arith.constant 640 : i32
    %mul3A_50 = arith.muli %arg1, %mul3A_49 : i32
    "tpu.region"() ({
      %run_scoped3A = tpu.sem_alloc : memref<!tpu.dma_semaphore, #tpu.memory_space<semaphore_mem>>
      %dma_start3A_51 = arith.constant 0 : i32
      %dma_start3A_52 = tpu.memref_slice %arg6[%arg0, %mul3A_50, %dma_start3A_51] : memref<2x10240x128xf32, #tpu.memory_space<hbm>> -> memref<1x640x128xf32, #tpu.memory_space<hbm>>
      %dma_start3A_53 = tpu.memref_squeeze %dma_start3A_52 : memref<1x640x128xf32, #tpu.memory_space<hbm>> -> memref<640x128xf32, #tpu.memory_space<hbm>>
      %dma_start3A_54 = arith.constant 0 : i32
      %dma_start3A_55 = tpu.memref_slice %arg17[%mul3A_48, %dma_start3A_54] : memref<10240x128xf32, #tpu.memory_space<vmem_shared>> -> memref<640x128xf32, #tpu.memory_space<vmem_shared>>
      tpu.enqueue_dma source(%dma_start3A_55 : memref<640x128xf32, #tpu.memory_space<vmem_shared>>) target(%dma_start3A_53 : memref<640x128xf32, #tpu.memory_space<hbm>>) target_semaphore(%run_scoped3A : memref<!tpu.dma_semaphore, #tpu.memory_space<semaphore_mem>>)
      %dma_wait3A = arith.constant 0 : i32
      %dma_wait3A_56 = tpu.memref_slice %arg6[%arg0, %mul3A_50, %dma_wait3A] : memref<2x10240x128xf32, #tpu.memory_space<hbm>> -> memref<1x640x128xf32, #tpu.memory_space<hbm>>
      %dma_wait3A_57 = tpu.memref_squeeze %dma_wait3A_56 : memref<1x640x128xf32, #tpu.memory_space<hbm>> -> memref<640x128xf32, #tpu.memory_space<hbm>>
      %dma_wait3A_58 = arith.constant 0 : i32
      %dma_wait3A_59 = tpu.memref_slice %arg17[%mul3A_48, %dma_wait3A_58] : memref<10240x128xf32, #tpu.memory_space<vmem_shared>> -> memref<640x128xf32, #tpu.memory_space<vmem_shared>>
      tpu.wait_dma2 semaphore(%run_scoped3A : memref<!tpu.dma_semaphore, #tpu.memory_space<semaphore_mem>>) src(%dma_wait3A_59 : memref<640x128xf32, #tpu.memory_space<vmem_shared>>) dst(%dma_wait3A_57 : memref<640x128xf32, #tpu.memory_space<hbm>>)
      tpu.yield
    }) : () -> ()
    return
  }
}

module attributes {stable_mosaic.version = 14 : i64} {
  func.func @_tc_matmul_scale_body(%arg0: i32, %arg1: memref<400x128xf32, #tpu.memory_space<vmem>>, %arg2: memref<128x128xf32, #tpu.memory_space<vmem>>, %arg3: memref<400x1xf32, #tpu.memory_space<vmem>>, %arg4: memref<400x128xf32, #tpu.memory_space<vmem>>) attributes {dimension_semantics = [#tpu.dimension_semantics<arbitrary>], iteration_bounds = array<i64: 25>, scalar_prefetch = 0 : i64, scratch_operands = 0 : i64, tpu.core_type = #tpu.core_type<tc>, window_params = [{transform_indices = @transform_0, window_bounds = array<i64: 400, 128>}, {pipeline_mode = #tpu.pipeline_mode<synchronous>, transform_indices = @transform_1, window_bounds = array<i64: 128, 128>}, {transform_indices = @transform_2, window_bounds = array<i64: 400, 1>}, {transform_indices = @transform_3, window_bounds = array<i64: 400, 128>}]} {
    %get3A = arith.constant 0 : index
    %get3A_0 = arith.constant 0 : index
    %get3A_1 = vector.load %arg3[%get3A, %get3A_0] : memref<400x1xf32, #tpu.memory_space<vmem>>, vector<400x1xf32>
    %get3A_2 = arith.constant 0 : index
    %get3A_3 = arith.constant 0 : index
    %get3A_4 = vector.load %arg1[%get3A_2, %get3A_3] : memref<400x128xf32, #tpu.memory_space<vmem>>, vector<400x128xf32>
    %get3A_5 = arith.constant 0 : index
    %get3A_6 = arith.constant 0 : index
    %get3A_7 = vector.load %arg2[%get3A_5, %get3A_6] : memref<128x128xf32, #tpu.memory_space<vmem>>, vector<128x128xf32>
    %dot_general3A = arith.constant dense<0.000000e+00> : vector<400x128xf32>
    %dot_general3A_8 = tpu.matmul %get3A_4, %get3A_7, %dot_general3A {dimension_numbers = #tpu.dot_dimension_numbers<[1], [0], [0], [1], [0, 0, 1, 1], [], []>, precision = #tpu.contract_precision<fp32>, transpose_lhs_hint = false} : vector<400x128xf32>, vector<128x128xf32>, vector<400x128xf32> -> vector<400x128xf32>
    %mul3A = vector.broadcast %get3A_1 : vector<400x1xf32> to vector<400x128xf32>
    %mul3A_9 = arith.mulf %mul3A, %dot_general3A_8 : vector<400x128xf32>
    %swap3A = arith.constant 0 : index
    %swap3A_10 = arith.constant 0 : index
    %swap3A_11 = vector.load %arg4[%swap3A, %swap3A_10] : memref<400x128xf32, #tpu.memory_space<vmem>>, vector<400x128xf32>
    tpu.vector_store %arg4[%swap3A, %swap3A_10], %mul3A_9 {strides = array<i32>} : memref<400x128xf32, #tpu.memory_space<vmem>>, vector<400x128xf32>,
    return
  }
  func.func @transform_0(%arg0: i32) -> (i32, i32) {
    %c0_i32 = arith.constant 0 : i32
    %c0_i32_0 = arith.constant 0 : i32
    return %arg0, %c0_i32 : i32, i32
  }
  func.func @transform_1(%arg0: i32) -> (i32, i32) {
    %c0_i32 = arith.constant 0 : i32
    %c0_i32_0 = arith.constant 0 : i32
    %c0_i32_1 = arith.constant 0 : i32
    return %c0_i32, %c0_i32_0 : i32, i32
  }
  func.func @transform_2(%arg0: i32) -> (i32, i32) {
    %c0_i32 = arith.constant 0 : i32
    %c0_i32_0 = arith.constant 0 : i32
    return %arg0, %c0_i32 : i32, i32
  }
  func.func @transform_3(%arg0: i32) -> (i32, i32) {
    %c0_i32 = arith.constant 0 : i32
    %c0_i32_0 = arith.constant 0 : i32
    return %arg0, %c0_i32 : i32, i32
  }
}

module attributes {stable_mosaic.version = 14 : i64} {
  func.func @_tc_norm_matmul_scale_body(%arg0: i32, %arg1: memref<400x128xf32, #tpu.memory_space<vmem>>, %arg2: memref<8x128xf32, #tpu.memory_space<vmem>>, %arg3: memref<1x128xf32, #tpu.memory_space<vmem>>, %arg4: memref<1x128xf32, #tpu.memory_space<vmem>>, %arg5: memref<128x128xf32, #tpu.memory_space<vmem>>, %arg6: memref<400x1xf32, #tpu.memory_space<vmem>>, %arg7: memref<400x128xf32, #tpu.memory_space<vmem>>) attributes {dimension_semantics = [#tpu.dimension_semantics<arbitrary>], iteration_bounds = array<i64: 25>, scalar_prefetch = 0 : i64, scratch_operands = 0 : i64, tpu.core_type = #tpu.core_type<tc>, window_params = [{transform_indices = @transform_0, window_bounds = array<i64: 400, 128>}, {pipeline_mode = #tpu.pipeline_mode<synchronous>, transform_indices = @transform_1, window_bounds = array<i64: 8, 128>}, {pipeline_mode = #tpu.pipeline_mode<synchronous>, transform_indices = @transform_2, window_bounds = array<i64: 1, 128>}, {pipeline_mode = #tpu.pipeline_mode<synchronous>, transform_indices = @transform_3, window_bounds = array<i64: 1, 128>}, {pipeline_mode = #tpu.pipeline_mode<synchronous>, transform_indices = @transform_4, window_bounds = array<i64: 128, 128>}, {transform_indices = @transform_5, window_bounds = array<i64: 400, 1>}, {transform_indices = @transform_6, window_bounds = array<i64: 400, 128>}]} {
    %get3A = arith.constant 0 : index
    %get3A_0 = arith.constant 0 : index
    %get3A_1 = vector.load %arg2[%get3A, %get3A_0] : memref<8x128xf32, #tpu.memory_space<vmem>>, vector<1x128xf32>
    %div3A = arith.constant 1.000000e+04 : f32
    %div3A_2 = vector.broadcast %div3A : f32 to vector<1x128xf32>
    %div3A_3 = arith.divf %get3A_1, %div3A_2 : vector<1x128xf32>
    %get3A_4 = arith.constant 1 : index
    %get3A_5 = arith.constant 0 : index
    %get3A_6 = vector.load %arg2[%get3A_4, %get3A_5] : memref<8x128xf32, #tpu.memory_space<vmem>>, vector<1x128xf32>
    %div3A_7 = arith.constant 1.000000e+04 : f32
    %div3A_8 = vector.broadcast %div3A_7 : f32 to vector<1x128xf32>
    %div3A_9 = arith.divf %get3A_6, %div3A_8 : vector<1x128xf32>
    %mul3A = arith.mulf %div3A_3, %div3A_3 : vector<1x128xf32>
    %sub3A = arith.subf %div3A_9, %mul3A : vector<1x128xf32>
    %add3A = arith.constant 9.99999974E-6 : f32
    %add3A_10 = vector.broadcast %add3A : f32 to vector<1x128xf32>
    %add3A_11 = arith.addf %sub3A, %add3A_10 : vector<1x128xf32>
    %rsqrt3A = math.rsqrt %add3A_11 : vector<1x128xf32>
    %get3A_12 = arith.constant 0 : index
    %get3A_13 = arith.constant 0 : index
    %get3A_14 = vector.load %arg1[%get3A_12, %get3A_13] : memref<400x128xf32, #tpu.memory_space<vmem>>, vector<400x128xf32>
    %sub3A_15 = vector.broadcast %div3A_3 : vector<1x128xf32> to vector<400x128xf32>
    %sub3A_16 = arith.subf %get3A_14, %sub3A_15 : vector<400x128xf32>
    %get3A_17 = arith.constant 0 : index
    %get3A_18 = arith.constant 0 : index
    %get3A_19 = vector.load %arg3[%get3A_17, %get3A_18] : memref<1x128xf32, #tpu.memory_space<vmem>>, vector<1x128xf32>
    %mul3A_20 = arith.mulf %rsqrt3A, %get3A_19 : vector<1x128xf32>
    %mul3A_21 = vector.broadcast %mul3A_20 : vector<1x128xf32> to vector<400x128xf32>
    %mul3A_22 = arith.mulf %sub3A_16, %mul3A_21 : vector<400x128xf32>
    %get3A_23 = arith.constant 0 : index
    %get3A_24 = arith.constant 0 : index
    %get3A_25 = vector.load %arg4[%get3A_23, %get3A_24] : memref<1x128xf32, #tpu.memory_space<vmem>>, vector<1x128xf32>
    %add3A_26 = vector.broadcast %get3A_25 : vector<1x128xf32> to vector<400x128xf32>
    %add3A_27 = arith.addf %mul3A_22, %add3A_26 : vector<400x128xf32>
    %get3A_28 = arith.constant 0 : index
    %get3A_29 = arith.constant 0 : index
    %get3A_30 = vector.load %arg6[%get3A_28, %get3A_29] : memref<400x1xf32, #tpu.memory_space<vmem>>, vector<400x1xf32>
    %get3A_31 = arith.constant 0 : index
    %get3A_32 = arith.constant 0 : index
    %get3A_33 = vector.load %arg5[%get3A_31, %get3A_32] : memref<128x128xf32, #tpu.memory_space<vmem>>, vector<128x128xf32>
    %dot_general3A = arith.constant dense<0.000000e+00> : vector<400x128xf32>
    %dot_general3A_34 = tpu.matmul %add3A_27, %get3A_33, %dot_general3A {dimension_numbers = #tpu.dot_dimension_numbers<[1], [0], [0], [1], [0, 0, 1, 1], [], []>, precision = #tpu.contract_precision<fp32>, transpose_lhs_hint = false} : vector<400x128xf32>, vector<128x128xf32>, vector<400x128xf32> -> vector<400x128xf32>
    %mul3A_35 = vector.broadcast %get3A_30 : vector<400x1xf32> to vector<400x128xf32>
    %mul3A_36 = arith.mulf %mul3A_35, %dot_general3A_34 : vector<400x128xf32>
    %swap3A = arith.constant 0 : index
    %swap3A_37 = arith.constant 0 : index
    %swap3A_38 = vector.load %arg7[%swap3A, %swap3A_37] : memref<400x128xf32, #tpu.memory_space<vmem>>, vector<400x128xf32>
    tpu.vector_store %arg7[%swap3A, %swap3A_37], %mul3A_36 {strides = array<i32>} : memref<400x128xf32, #tpu.memory_space<vmem>>, vector<400x128xf32>,
    return
  }
  func.func @transform_0(%arg0: i32) -> (i32, i32) {
    %c0_i32 = arith.constant 0 : i32
    %c0_i32_0 = arith.constant 0 : i32
    return %arg0, %c0_i32 : i32, i32
  }
  func.func @transform_1(%arg0: i32) -> (i32, i32) {
    %c0_i32 = arith.constant 0 : i32
    %c0_i32_0 = arith.constant 0 : i32
    %c0_i32_1 = arith.constant 0 : i32
    return %c0_i32, %c0_i32_0 : i32, i32
  }
  func.func @transform_2(%arg0: i32) -> (i32, i32) {
    %c0_i32 = arith.constant 0 : i32
    %c0_i32_0 = arith.constant 0 : i32
    %c0_i32_1 = arith.constant 0 : i32
    return %c0_i32, %c0_i32_0 : i32, i32
  }
  func.func @transform_3(%arg0: i32) -> (i32, i32) {
    %c0_i32 = arith.constant 0 : i32
    %c0_i32_0 = arith.constant 0 : i32
    %c0_i32_1 = arith.constant 0 : i32
    return %c0_i32, %c0_i32_0 : i32, i32
  }
  func.func @transform_4(%arg0: i32) -> (i32, i32) {
    %c0_i32 = arith.constant 0 : i32
    %c0_i32_0 = arith.constant 0 : i32
    %c0_i32_1 = arith.constant 0 : i32
    return %c0_i32, %c0_i32_0 : i32, i32
  }
  func.func @transform_5(%arg0: i32) -> (i32, i32) {
    %c0_i32 = arith.constant 0 : i32
    %c0_i32_0 = arith.constant 0 : i32
    return %arg0, %c0_i32 : i32, i32
  }
  func.func @transform_6(%arg0: i32) -> (i32, i32) {
    %c0_i32 = arith.constant 0 : i32
    %c0_i32_0 = arith.constant 0 : i32
    return %arg0, %c0_i32 : i32, i32
  }
}

module attributes {stable_mosaic.version = 14 : i64} {
  func.func @_tc_post_body(%arg0: i32, %arg1: memref<1x400x128xf32, #tpu.memory_space<vmem>>, %arg2: memref<1x400x128xf32, #tpu.memory_space<vmem>>, %arg3: memref<400x128xf32, #tpu.memory_space<vmem>>, %arg4: memref<400x1xf32, #tpu.memory_space<vmem>>, %arg5: memref<1x128xf32, #tpu.memory_space<vmem>>, %arg6: memref<400x128xf32, #tpu.memory_space<vmem>>, %arg7: memref<8x128xf32, #tpu.memory_space<vmem>>) attributes {dimension_semantics = [#tpu.dimension_semantics<arbitrary>], iteration_bounds = array<i64: 25>, scalar_prefetch = 0 : i64, scratch_operands = 0 : i64, tpu.core_type = #tpu.core_type<tc>, window_params = [{transform_indices = @transform_0, window_bounds = array<i64: 1, 400, 128>}, {transform_indices = @transform_1, window_bounds = array<i64: 1, 400, 128>}, {transform_indices = @transform_2, window_bounds = array<i64: 400, 128>}, {transform_indices = @transform_3, window_bounds = array<i64: 400, 1>}, {pipeline_mode = #tpu.pipeline_mode<synchronous>, transform_indices = @transform_4, window_bounds = array<i64: 1, 128>}, {transform_indices = @transform_5, window_bounds = array<i64: 400, 128>}, {pipeline_mode = #tpu.pipeline_mode<synchronous>, transform_indices = @transform_6, window_bounds = array<i64: 8, 128>}]} {
    %get3A = arith.constant 0 : index
    %get3A_0 = arith.constant 0 : index
    %get3A_1 = vector.load %arg4[%get3A, %get3A_0] : memref<400x1xf32, #tpu.memory_space<vmem>>, vector<400x1xf32>
    %get3A_2 = arith.constant 0 : index
    %get3A_3 = arith.constant 0 : index
    %get3A_4 = arith.constant 0 : index
    %get3A_5 = vector.load %arg1[%get3A_2, %get3A_3, %get3A_4] : memref<1x400x128xf32, #tpu.memory_space<vmem>>, vector<1x400x128xf32>
    %get3A_6 = vector.shape_cast %get3A_5 : vector<1x400x128xf32> to vector<400x128xf32>
    %get3A_7 = arith.constant 0 : index
    %get3A_8 = arith.constant 0 : index
    %get3A_9 = arith.constant 0 : index
    %get3A_10 = vector.load %arg2[%get3A_7, %get3A_8, %get3A_9] : memref<1x400x128xf32, #tpu.memory_space<vmem>>, vector<1x400x128xf32>
    %get3A_11 = vector.shape_cast %get3A_10 : vector<1x400x128xf32> to vector<400x128xf32>
    %add3A = arith.addf %get3A_6, %get3A_11 : vector<400x128xf32>
    %get3A_12 = arith.constant 0 : index
    %get3A_13 = arith.constant 0 : index
    %get3A_14 = vector.load %arg3[%get3A_12, %get3A_13] : memref<400x128xf32, #tpu.memory_space<vmem>>, vector<400x128xf32>
    %add3A_15 = arith.addf %add3A, %get3A_14 : vector<400x128xf32>
    %mul3A = vector.broadcast %get3A_1 : vector<400x1xf32> to vector<400x128xf32>
    %mul3A_16 = arith.mulf %mul3A, %add3A_15 : vector<400x128xf32>
    %get3A_17 = arith.constant 0 : index
    %get3A_18 = arith.constant 0 : index
    %get3A_19 = vector.load %arg5[%get3A_17, %get3A_18] : memref<1x128xf32, #tpu.memory_space<vmem>>, vector<1x128xf32>
    %add3A_20 = vector.broadcast %get3A_19 : vector<1x128xf32> to vector<400x128xf32>
    %add3A_21 = arith.addf %mul3A_16, %add3A_20 : vector<400x128xf32>
    %max3A = arith.constant 0.000000e+00 : f32
    %max3A_22 = vector.broadcast %max3A : f32 to vector<400x128xf32>
    %max3A_23 = arith.maximumf %add3A_21, %max3A_22 : vector<400x128xf32>
    %swap3A = arith.constant 0 : index
    %swap3A_24 = arith.constant 0 : index
    %swap3A_25 = vector.load %arg6[%swap3A, %swap3A_24] : memref<400x128xf32, #tpu.memory_space<vmem>>, vector<400x128xf32>
    tpu.vector_store %arg6[%swap3A, %swap3A_24], %max3A_23 {strides = array<i32>} : memref<400x128xf32, #tpu.memory_space<vmem>>, vector<400x128xf32>,
    %eq3A = arith.constant 0 : i32
    %eq3A_26 = arith.cmpi eq, %arg0, %eq3A : i32
    %convert_element_type3A = arith.extui %eq3A_26 : i1 to i32
    %cond3A = arith.constant 0 : i32
    %cond3A_27 = arith.cmpi ne, %convert_element_type3A, %cond3A : i32
    scf.if %cond3A_27 {
      %broadcast_in_dim3A_47 = arith.constant 0.000000e+00 : f32
      %broadcast_in_dim3A_48 = vector.broadcast %broadcast_in_dim3A_47 : f32 to vector<8x128xf32>
      %swap3A_49 = arith.constant 0 : index
      %swap3A_50 = arith.constant 0 : index
      %swap3A_51 = vector.load %arg7[%swap3A_49, %swap3A_50] : memref<8x128xf32, #tpu.memory_space<vmem>>, vector<8x128xf32>
      tpu.vector_store %arg7[%swap3A_49, %swap3A_50], %broadcast_in_dim3A_48 {strides = array<i32>} : memref<8x128xf32, #tpu.memory_space<vmem>>, vector<8x128xf32>,
    } else {
    }
    %get3A_28 = arith.constant 0 : index
    %get3A_29 = arith.constant 0 : index
    %get3A_30 = vector.load %arg7[%get3A_28, %get3A_29] : memref<8x128xf32, #tpu.memory_space<vmem>>, vector<1x128xf32>
    %reduce_sum3A = arith.constant dense<0.000000e+00> : vector<128xf32>
    %reduce_sum3A_31 = vector.multi_reduction <add>, %max3A_23, %reduce_sum3A [0] : vector<400x128xf32> to vector<128xf32>
    %broadcast_in_dim3A = vector.shape_cast %reduce_sum3A_31 : vector<128xf32> to vector<1x128xf32>
    %add3A_32 = arith.addf %get3A_30, %broadcast_in_dim3A : vector<1x128xf32>
    %swap3A_33 = arith.constant 0 : index
    %swap3A_34 = arith.constant 0 : index
    %swap3A_35 = vector.load %arg7[%swap3A_33, %swap3A_34] : memref<8x128xf32, #tpu.memory_space<vmem>>, vector<1x128xf32>
    tpu.vector_store %arg7[%swap3A_33, %swap3A_34], %add3A_32 {strides = array<i32>} : memref<8x128xf32, #tpu.memory_space<vmem>>, vector<1x128xf32>,
    %get3A_36 = arith.constant 1 : index
    %get3A_37 = arith.constant 0 : index
    %get3A_38 = vector.load %arg7[%get3A_36, %get3A_37] : memref<8x128xf32, #tpu.memory_space<vmem>>, vector<1x128xf32>
    %mul3A_39 = arith.mulf %max3A_23, %max3A_23 : vector<400x128xf32>
    %reduce_sum3A_40 = arith.constant dense<0.000000e+00> : vector<128xf32>
    %reduce_sum3A_41 = vector.multi_reduction <add>, %mul3A_39, %reduce_sum3A_40 [0] : vector<400x128xf32> to vector<128xf32>
    %broadcast_in_dim3A_42 = vector.shape_cast %reduce_sum3A_41 : vector<128xf32> to vector<1x128xf32>
    %add3A_43 = arith.addf %get3A_38, %broadcast_in_dim3A_42 : vector<1x128xf32>
    %swap3A_44 = arith.constant 1 : index
    %swap3A_45 = arith.constant 0 : index
    %swap3A_46 = vector.load %arg7[%swap3A_44, %swap3A_45] : memref<8x128xf32, #tpu.memory_space<vmem>>, vector<1x128xf32>
    tpu.vector_store %arg7[%swap3A_44, %swap3A_45], %add3A_43 {strides = array<i32>} : memref<8x128xf32, #tpu.memory_space<vmem>>, vector<1x128xf32>,
    return
  }
  func.func @transform_0(%arg0: i32) -> (i32, i32, i32) {
    %c0_i32 = arith.constant 0 : i32
    %c0_i32_0 = arith.constant 0 : i32
    %c0_i32_1 = arith.constant 0 : i32
    return %c0_i32, %arg0, %c0_i32_0 : i32, i32, i32
  }
  func.func @transform_1(%arg0: i32) -> (i32, i32, i32) {
    %c1_i32 = arith.constant 1 : i32
    %c0_i32 = arith.constant 0 : i32
    %c0_i32_0 = arith.constant 0 : i32
    return %c1_i32, %arg0, %c0_i32 : i32, i32, i32
  }
  func.func @transform_2(%arg0: i32) -> (i32, i32) {
    %c0_i32 = arith.constant 0 : i32
    %c0_i32_0 = arith.constant 0 : i32
    return %arg0, %c0_i32 : i32, i32
  }
  func.func @transform_3(%arg0: i32) -> (i32, i32) {
    %c0_i32 = arith.constant 0 : i32
    %c0_i32_0 = arith.constant 0 : i32
    return %arg0, %c0_i32 : i32, i32
  }
  func.func @transform_4(%arg0: i32) -> (i32, i32) {
    %c0_i32 = arith.constant 0 : i32
    %c0_i32_0 = arith.constant 0 : i32
    %c0_i32_1 = arith.constant 0 : i32
    return %c0_i32, %c0_i32_0 : i32, i32
  }
  func.func @transform_5(%arg0: i32) -> (i32, i32) {
    %c0_i32 = arith.constant 0 : i32
    %c0_i32_0 = arith.constant 0 : i32
    return %arg0, %c0_i32 : i32, i32
  }
  func.func @transform_6(%arg0: i32) -> (i32, i32) {
    %c0_i32 = arith.constant 0 : i32
    %c0_i32_0 = arith.constant 0 : i32
    %c0_i32_1 = arith.constant 0 : i32
    return %c0_i32, %c0_i32_0 : i32, i32
  }
}

module attributes {stable_mosaic.version = 14 : i64} {
  func.func @_tc_pool_body(%arg0: i32, %arg1: memref<400x128xf32, #tpu.memory_space<vmem>>, %arg2: memref<8x128xf32, #tpu.memory_space<vmem>>, %arg3: memref<1x128xf32, #tpu.memory_space<vmem>>, %arg4: memref<1x128xf32, #tpu.memory_space<vmem>>, %arg5: memref<400x1xi32, #tpu.memory_space<vmem>>, %arg6: memref<64x128xf32, #tpu.memory_space<vmem>>, %arg7: memref<64x128xf32, #tpu.memory_space<vmem>>) attributes {dimension_semantics = [#tpu.dimension_semantics<arbitrary>], iteration_bounds = array<i64: 25>, scalar_prefetch = 0 : i64, scratch_operands = 0 : i64, tpu.core_type = #tpu.core_type<tc>, window_params = [{transform_indices = @transform_0, window_bounds = array<i64: 400, 128>}, {pipeline_mode = #tpu.pipeline_mode<synchronous>, transform_indices = @transform_1, window_bounds = array<i64: 8, 128>}, {pipeline_mode = #tpu.pipeline_mode<synchronous>, transform_indices = @transform_2, window_bounds = array<i64: 1, 128>}, {pipeline_mode = #tpu.pipeline_mode<synchronous>, transform_indices = @transform_3, window_bounds = array<i64: 1, 128>}, {transform_indices = @transform_4, window_bounds = array<i64: 400, 1>}, {pipeline_mode = #tpu.pipeline_mode<synchronous>, transform_indices = @transform_5, window_bounds = array<i64: 64, 128>}, {pipeline_mode = #tpu.pipeline_mode<synchronous>, transform_indices = @transform_6, window_bounds = array<i64: 64, 128>}]} {
    %get3A = arith.constant 0 : index
    %get3A_0 = arith.constant 0 : index
    %get3A_1 = vector.load %arg2[%get3A, %get3A_0] : memref<8x128xf32, #tpu.memory_space<vmem>>, vector<1x128xf32>
    %div3A = arith.constant 1.000000e+04 : f32
    %div3A_2 = vector.broadcast %div3A : f32 to vector<1x128xf32>
    %div3A_3 = arith.divf %get3A_1, %div3A_2 : vector<1x128xf32>
    %get3A_4 = arith.constant 1 : index
    %get3A_5 = arith.constant 0 : index
    %get3A_6 = vector.load %arg2[%get3A_4, %get3A_5] : memref<8x128xf32, #tpu.memory_space<vmem>>, vector<1x128xf32>
    %div3A_7 = arith.constant 1.000000e+04 : f32
    %div3A_8 = vector.broadcast %div3A_7 : f32 to vector<1x128xf32>
    %div3A_9 = arith.divf %get3A_6, %div3A_8 : vector<1x128xf32>
    %mul3A = arith.mulf %div3A_3, %div3A_3 : vector<1x128xf32>
    %sub3A = arith.subf %div3A_9, %mul3A : vector<1x128xf32>
    %add3A = arith.constant 9.99999974E-6 : f32
    %add3A_10 = vector.broadcast %add3A : f32 to vector<1x128xf32>
    %add3A_11 = arith.addf %sub3A, %add3A_10 : vector<1x128xf32>
    %rsqrt3A = math.rsqrt %add3A_11 : vector<1x128xf32>
    %get3A_12 = arith.constant 0 : index
    %get3A_13 = arith.constant 0 : index
    %get3A_14 = vector.load %arg1[%get3A_12, %get3A_13] : memref<400x128xf32, #tpu.memory_space<vmem>>, vector<400x128xf32>
    %sub3A_15 = vector.broadcast %div3A_3 : vector<1x128xf32> to vector<400x128xf32>
    %sub3A_16 = arith.subf %get3A_14, %sub3A_15 : vector<400x128xf32>
    %get3A_17 = arith.constant 0 : index
    %get3A_18 = arith.constant 0 : index
    %get3A_19 = vector.load %arg3[%get3A_17, %get3A_18] : memref<1x128xf32, #tpu.memory_space<vmem>>, vector<1x128xf32>
    %mul3A_20 = arith.mulf %rsqrt3A, %get3A_19 : vector<1x128xf32>
    %mul3A_21 = vector.broadcast %mul3A_20 : vector<1x128xf32> to vector<400x128xf32>
    %mul3A_22 = arith.mulf %sub3A_16, %mul3A_21 : vector<400x128xf32>
    %get3A_23 = arith.constant 0 : index
    %get3A_24 = arith.constant 0 : index
    %get3A_25 = vector.load %arg4[%get3A_23, %get3A_24] : memref<1x128xf32, #tpu.memory_space<vmem>>, vector<1x128xf32>
    %add3A_26 = vector.broadcast %get3A_25 : vector<1x128xf32> to vector<400x128xf32>
    %add3A_27 = arith.addf %mul3A_22, %add3A_26 : vector<400x128xf32>
    %iota3A = tpu.iota {dimensions = array<i32: 1>} : vector<400x64xi32>
    %get3A_28 = arith.constant 0 : index
    %get3A_29 = arith.constant 0 : index
    %get3A_30 = vector.load %arg5[%get3A_28, %get3A_29] : memref<400x1xi32, #tpu.memory_space<vmem>>, vector<400x1xi32>
    %eq3A = vector.broadcast %get3A_30 : vector<400x1xi32> to vector<400x64xi32>
    %eq3A_31 = arith.cmpi eq, %eq3A, %iota3A : vector<400x64xi32>
    %convert_element_type3A = arith.extui %eq3A_31 : vector<400x64xi1> to vector<400x64xi32>
    %convert_element_type3A_32 = arith.sitofp %convert_element_type3A : vector<400x64xi32> to vector<400x64xf32>
    %eq3A_33 = arith.constant 0 : i32
    %eq3A_34 = arith.cmpi eq, %arg0, %eq3A_33 : i32
    %convert_element_type3A_35 = arith.extui %eq3A_34 : i1 to i32
    %cond3A = arith.constant 0 : i32
    %cond3A_36 = arith.cmpi ne, %convert_element_type3A_35, %cond3A : i32
    scf.if %cond3A_36 {
      %broadcast_in_dim3A_54 = arith.constant 0.000000e+00 : f32
      %broadcast_in_dim3A_55 = vector.broadcast %broadcast_in_dim3A_54 : f32 to vector<64x128xf32>
      %swap3A_56 = arith.constant 0 : index
      %swap3A_57 = arith.constant 0 : index
      %swap3A_58 = vector.load %arg6[%swap3A_56, %swap3A_57] : memref<64x128xf32, #tpu.memory_space<vmem>>, vector<64x128xf32>
      tpu.vector_store %arg6[%swap3A_56, %swap3A_57], %broadcast_in_dim3A_55 {strides = array<i32>} : memref<64x128xf32, #tpu.memory_space<vmem>>, vector<64x128xf32>,
      %broadcast_in_dim3A_59 = arith.constant 0.000000e+00 : f32
      %broadcast_in_dim3A_60 = vector.broadcast %broadcast_in_dim3A_59 : f32 to vector<64x128xf32>
      %swap3A_61 = arith.constant 0 : index
      %swap3A_62 = arith.constant 0 : index
      %swap3A_63 = vector.load %arg7[%swap3A_61, %swap3A_62] : memref<64x128xf32, #tpu.memory_space<vmem>>, vector<64x128xf32>
      tpu.vector_store %arg7[%swap3A_61, %swap3A_62], %broadcast_in_dim3A_60 {strides = array<i32>} : memref<64x128xf32, #tpu.memory_space<vmem>>, vector<64x128xf32>,
    } else {
    }
    %get3A_37 = arith.constant 0 : index
    %get3A_38 = arith.constant 0 : index
    %get3A_39 = vector.load %arg6[%get3A_37, %get3A_38] : memref<64x128xf32, #tpu.memory_space<vmem>>, vector<64x128xf32>
    %dot_general3A = arith.constant dense<0.000000e+00> : vector<64x128xf32>
    %dot_general3A_40 = tpu.matmul %convert_element_type3A_32, %add3A_27, %dot_general3A {dimension_numbers = #tpu.dot_dimension_numbers<[0], [0], [1], [1], [0, 1, 1, 1], [], []>, precision = #tpu.contract_precision<fp32>, transpose_lhs_hint = false} : vector<400x64xf32>, vector<400x128xf32>, vector<64x128xf32> -> vector<64x128xf32>
    %add3A_41 = arith.addf %get3A_39, %dot_general3A_40 : vector<64x128xf32>
    %swap3A = arith.constant 0 : index
    %swap3A_42 = arith.constant 0 : index
    %swap3A_43 = vector.load %arg6[%swap3A, %swap3A_42] : memref<64x128xf32, #tpu.memory_space<vmem>>, vector<64x128xf32>
    tpu.vector_store %arg6[%swap3A, %swap3A_42], %add3A_41 {strides = array<i32>} : memref<64x128xf32, #tpu.memory_space<vmem>>, vector<64x128xf32>,
    %get3A_44 = arith.constant 0 : index
    %get3A_45 = arith.constant 0 : index
    %get3A_46 = vector.load %arg7[%get3A_44, %get3A_45] : memref<64x128xf32, #tpu.memory_space<vmem>>, vector<64x128xf32>
    %reduce_sum3A = arith.constant dense<0.000000e+00> : vector<64xf32>
    %reduce_sum3A_47 = vector.multi_reduction <add>, %convert_element_type3A_32, %reduce_sum3A [0] : vector<400x64xf32> to vector<64xf32>
    %broadcast_in_dim3A = vector.shape_cast %reduce_sum3A_47 : vector<64xf32> to vector<64x1xf32>
    %broadcast_in_dim3A_48 = vector.shape_cast %broadcast_in_dim3A : vector<64x1xf32> to vector<64x1xf32>
    %broadcast_in_dim3A_49 = vector.broadcast %broadcast_in_dim3A_48 : vector<64x1xf32> to vector<64x128xf32>
    %add3A_50 = arith.addf %get3A_46, %broadcast_in_dim3A_49 : vector<64x128xf32>
    %swap3A_51 = arith.constant 0 : index
    %swap3A_52 = arith.constant 0 : index
    %swap3A_53 = vector.load %arg7[%swap3A_51, %swap3A_52] : memref<64x128xf32, #tpu.memory_space<vmem>>, vector<64x128xf32>
    tpu.vector_store %arg7[%swap3A_51, %swap3A_52], %add3A_50 {strides = array<i32>} : memref<64x128xf32, #tpu.memory_space<vmem>>, vector<64x128xf32>,
    return
  }
  func.func @transform_0(%arg0: i32) -> (i32, i32) {
    %c0_i32 = arith.constant 0 : i32
    %c0_i32_0 = arith.constant 0 : i32
    return %arg0, %c0_i32 : i32, i32
  }
  func.func @transform_1(%arg0: i32) -> (i32, i32) {
    %c0_i32 = arith.constant 0 : i32
    %c0_i32_0 = arith.constant 0 : i32
    %c0_i32_1 = arith.constant 0 : i32
    return %c0_i32, %c0_i32_0 : i32, i32
  }
  func.func @transform_2(%arg0: i32) -> (i32, i32) {
    %c0_i32 = arith.constant 0 : i32
    %c0_i32_0 = arith.constant 0 : i32
    %c0_i32_1 = arith.constant 0 : i32
    return %c0_i32, %c0_i32_0 : i32, i32
  }
  func.func @transform_3(%arg0: i32) -> (i32, i32) {
    %c0_i32 = arith.constant 0 : i32
    %c0_i32_0 = arith.constant 0 : i32
    %c0_i32_1 = arith.constant 0 : i32
    return %c0_i32, %c0_i32_0 : i32, i32
  }
  func.func @transform_4(%arg0: i32) -> (i32, i32) {
    %c0_i32 = arith.constant 0 : i32
    %c0_i32_0 = arith.constant 0 : i32
    return %arg0, %c0_i32 : i32, i32
  }
  func.func @transform_5(%arg0: i32) -> (i32, i32) {
    %c0_i32 = arith.constant 0 : i32
    %c0_i32_0 = arith.constant 0 : i32
    %c0_i32_1 = arith.constant 0 : i32
    return %c0_i32, %c0_i32_0 : i32, i32
  }
  func.func @transform_6(%arg0: i32) -> (i32, i32) {
    %c0_i32 = arith.constant 0 : i32
    %c0_i32_0 = arith.constant 0 : i32
    %c0_i32_1 = arith.constant 0 : i32
    return %c0_i32, %c0_i32_0 : i32, i32
  }
}

module attributes {stable_mosaic.version = 14 : i64} {
  func.func @_tc_final_body(%arg0: memref<64x128xf32, #tpu.memory_space<vmem>>, %arg1: memref<64x128xf32, #tpu.memory_space<vmem>>, %arg2: memref<128x40xf32, #tpu.memory_space<vmem>>, %arg3: memref<1x40xf32, #tpu.memory_space<vmem>>, %arg4: memref<64x40xf32, #tpu.memory_space<vmem>>) attributes {dimension_semantics = [], scalar_prefetch = 0 : i64, scratch_operands = 0 : i64, tpu.core_type = #tpu.core_type<tc>} {
    %get3A = arith.constant 0 : index
    %get3A_0 = arith.constant 0 : index
    %get3A_1 = vector.load %arg0[%get3A, %get3A_0] : memref<64x128xf32, #tpu.memory_space<vmem>>, vector<64x128xf32>
    %get3A_2 = arith.constant 0 : index
    %get3A_3 = arith.constant 0 : index
    %get3A_4 = vector.load %arg1[%get3A_2, %get3A_3] : memref<64x128xf32, #tpu.memory_space<vmem>>, vector<64x128xf32>
    %max3A = arith.constant 1.000000e+00 : f32
    %max3A_5 = vector.broadcast %max3A : f32 to vector<64x128xf32>
    %max3A_6 = arith.maximumf %get3A_4, %max3A_5 : vector<64x128xf32>
    %div3A = arith.divf %get3A_1, %max3A_6 : vector<64x128xf32>
    %get3A_7 = arith.constant 0 : index
    %get3A_8 = arith.constant 0 : index
    %get3A_9 = vector.load %arg2[%get3A_7, %get3A_8] : memref<128x40xf32, #tpu.memory_space<vmem>>, vector<128x40xf32>
    %dot_general3A = arith.constant dense<0.000000e+00> : vector<64x40xf32>
    %dot_general3A_10 = tpu.matmul %div3A, %get3A_9, %dot_general3A {dimension_numbers = #tpu.dot_dimension_numbers<[1], [0], [0], [1], [0, 0, 1, 1], [], []>, precision = #tpu.contract_precision<fp32>, transpose_lhs_hint = false} : vector<64x128xf32>, vector<128x40xf32>, vector<64x40xf32> -> vector<64x40xf32>
    %get3A_11 = arith.constant 0 : index
    %get3A_12 = arith.constant 0 : index
    %get3A_13 = vector.load %arg3[%get3A_11, %get3A_12] : memref<1x40xf32, #tpu.memory_space<vmem>>, vector<1x40xf32>
    %add3A = vector.broadcast %get3A_13 : vector<1x40xf32> to vector<64x40xf32>
    %add3A_14 = arith.addf %dot_general3A_10, %add3A : vector<64x40xf32>
    %swap3A = arith.constant 0 : index
    %swap3A_15 = arith.constant 0 : index
    %swap3A_16 = vector.load %arg4[%swap3A, %swap3A_15] : memref<64x40xf32, #tpu.memory_space<vmem>>, vector<64x40xf32>
    tpu.vector_store %arg4[%swap3A, %swap3A_15], %add3A_14 {strides = array<i32>} : memref<64x40xf32, #tpu.memory_space<vmem>>, vector<64x40xf32>,
    return
  }
}

</mosaic_0001>

<sc_bundles>
// kernel: kernel.11.cloned.1.call-start
scs
__scs_entry_jumppad:
0x0: {  	(pc) =	sbr.rel $0x88, $3  }
0x1: {  	(tag) =	ssettag $0x0;
	lr =	simm.s32 $0x1  }
0x2: {  	[smem:$0x3F94] =	sst lr;
	_ =	strace $0xD0000000  }
0x3: {  	_ = 	snop  }
0x4: {  	_ = 	snop  }
0x5: {  	_ = 	snop  }
0x6: {  	_ = 	snop  }
0x7: {  	_ = 	snop  }
__scs_overlays_trampoline_lowered:
0x8: {  	[smem:$0x3FA3] =	sst s0  }
0x9: {  	[smem:$0x3FA4] =	sst s1  }
0xa: {  	[smem:$0x3FA5] =	sst s2  }
0xb: {  	[smem:$0x3FA6] =	sst s3  }
0xc: {  	[smem:$0x3FA7] =	sst s4  }
0xd: {  	[smem:$0x3FA8] =	sst s5  }
0xe: {  	[smem:$0x3FA9] =	sst s6  }
0xf: {  	[smem:$0x3FAA] =	sst s7  }
0x10: {  	[smem:$0x3FAB] =	sst s8  }
0x11: {  	[smem:$0x3FAC] =	sst s9;
	s0 =	simm.s32 @!p0 $0x0  }
0x12: {  	s1 =	sld [smem:$0x3F92];
	s0 =	simm.s32 @p0 $0x1  }
0x13: {  	[smem:$0x3FAD] =	sst s0;
	s0 =	simm.s32 @!p1 $0x0  }
0x14: {  	s2 =	sld [smem:$0x3F91];
	s0 =	simm.s32 @p1 $0x1  }
0x15: {  	[smem:$0x3FAE] =	sst s0;
	s0 =	simm.s32 @!p2 $0x0  }
0x16: {  	s3 =	sld [smem:$0x3FDB];
	s0 =	simm.s32 @p2 $0x1  }
0x17: {  	s4 =	simm.s32 $0x1BF5;
	[smem:$0x3FB0] =	sst s0  }
0x18: {  	s0 =	sld [smem:$0x3F93];
	_ =	swait.ge [sflag:s4], $0x0  }
0x19: {  	s7 =	sld [smem:$0x3F94]  }
0x1a: {  	s8 =	sadd.s32 $0xFFFFE003, lr  }
0x1b: {  	s9 =	sadd.s32 $0xFFFFFEF7, lr;
	s5 =	simm.s32 $0xFFFFFFFF;
	p2 =	slt.u32 s8, $0xFFFFF086  }
0x1c: {  	p1 =	slt.u32 s9, $0xF7A;
	s5 =	simm.s32 @!p2 $0x0  }
0x1d: {  	s5 =	simm.s32 @p1 $0x1;
	p0 =	seq.s32 s7, s2  }
0x1e: {  	s7 =	smul.u32 @!p0 $0xF7A, s2;
	p2 =	seq.s32 @!p0 s5, $0x0  }
0x1f: {  	s9 =	smul.u32 $0xF7A, s1;
	s8 =	simm.s32 @!p0 $0x1BF5;
	p2 =	por !p2, p0  }
0x20: {  	[sflag:s8] =	ssyncset.s32 @!p0 $0xFFFFF086;
	s6 =	sadd.s32 @!p0 s3, s7;
	s7 =	simm.s32 @!p0 $0x108  }
0x21: {  	s3 =	sadd.s32 s3, s9;
	s6 =	sadd.s32 @!p0 $0x88, s6;
	s7 =	simm.s32 @p2 $0x1082  }
0x22: {  	[simem:s7], [sflag:s8] =	dma.local @!p0 [hbm:s6], $0xF7A  }
0x23: {  	s9 =	sor.u32 $0xD0000000, s2;
	s6 =	simm.s32 $0x108;
	_ =	swait.ge @!p0 [sflag:s8], $0x0  }
0x24: {  	s3 =	sadd.s32 $0x88, s3;
	s6 =	simm.s32 @!p1 $0x1082;
	[sflag:s4] =	ssyncset.s32 $0xFFFFF086  }
0x25: {  	[simem:s6], [sflag:s4] =	dma.local [hbm:s3], $0xF7A  }
0x26: {  	[smem:$0x3F94] =	sst s1;
	(tag) =	ssettag s2;
	_ =	strace s9  }
0x27: {  	s1 =	sld [smem:$0x3FA4]  }
0x28: {  	s2 =	sld [smem:$0x3FA5]  }
0x29: {  	s4 =	sld [smem:$0x3FA7]  }
0x2a: {  	p0 =	seq.s32 s5, $0x0;
	s5 =	sld [smem:$0x3FA8]  }
0x2b: {  	s6 =	sld [smem:$0x3FA9]  }
0x2c: {  	s7 =	sld [smem:$0x3FAA]  }
0x2d: {  	s3 =	simm.s32 $0x108;
	s8 =	sld [smem:$0x3FAB]  }
0x2e: {  	s3 =	simm.s32 @!p0 $0x1082;
	s9 =	sld [smem:$0x3FAC]  }
0x2f: {  	lr =	sadd.s32 s0, s3;
	s0 =	sld [smem:$0x3FA3]  }
0x30: {  	s3 =	sld [smem:$0x3FA6]  }
0x31: {  	[smem:$0x3FAF] =	sst s10  }
0x32: {  	s10 =	sld [smem:$0x3FAD];
	_ =	sdelay $0x3  }
0x33: {  	p0 =	seq.s32 s10, $0x1;
	s10 =	sld [smem:$0x3FAF];
	_ =	sdelay $0x3  }
0x34: {  	[smem:$0x3FAF] =	sst s10  }
0x35: {  	s10 =	sld [smem:$0x3FAE];
	_ =	sdelay $0x3  }
0x36: {  	p1 =	seq.s32 s10, $0x1;
	s10 =	sld [smem:$0x3FAF];
	_ =	sdelay $0x3  }
0x37: {  	[smem:$0x3FAF] =	sst s10  }
0x38: {  	s10 =	sld [smem:$0x3FB0]  }
0x39: {  	_ = 	snop;
	(pc) =	sbr.ind lr, $3  }
0x3a: {  	_ = 	snop  }
0x3b: {  	_ = 	snop  }
0x3c: {  	p2 =	seq.s32 s10, $0x1;
	s10 =	sld [smem:$0x3FAF]  }
0x3d: {  	_ =	shalt  }
0x3e: {  	_ =	shalt  }
0x3f: {  	_ =	shalt  }
0x40: {  	_ =	shalt  }
0x41: {  	_ =	shalt  }
0x42: {  	_ =	shalt  }
0x43: {  	_ =	shalt  }
0x44: {  	_ =	shalt  }
0x45: {  	_ =	shalt  }
0x46: {  	_ =	shalt  }
0x47: {  	_ =	shalt  }
0x48: {  	_ =	shalt  }
0x49: {  	_ =	shalt  }
0x4a: {  	_ =	shalt  }
0x4b: {  	_ =	shalt  }
0x4c: {  	_ =	shalt  }
0x4d: {  	_ =	shalt  }
0x4e: {  	_ =	shalt  }
0x4f: {  	_ =	shalt  }
0x50: {  	_ =	shalt  }
0x51: {  	_ =	shalt  }
0x52: {  	_ =	shalt  }
0x53: {  	_ =	shalt  }
0x54: {  	_ =	shalt  }
0x55: {  	_ =	shalt  }
0x56: {  	_ =	shalt  }
0x57: {  	_ =	shalt  }
0x58: {  	_ =	shalt  }
0x59: {  	_ =	shalt  }
0x5a: {  	_ =	shalt  }
0x5b: {  	_ =	shalt  }
0x5c: {  	_ =	shalt  }
0x5d: {  	_ =	shalt  }
0x5e: {  	_ =	shalt  }
0x5f: {  	_ =	shalt  }
0x60: {  	_ =	shalt  }
0x61: {  	_ =	shalt  }
0x62: {  	_ =	shalt  }
0x63: {  	_ =	shalt  }
0x64: {  	_ =	shalt  }
0x65: {  	_ =	shalt  }
0x66: {  	_ =	shalt  }
0x67: {  	_ =	shalt  }
0x68: {  	_ =	shalt  }
0x69: {  	_ =	shalt  }
0x6a: {  	_ =	shalt  }
0x6b: {  	_ =	shalt  }
0x6c: {  	_ =	shalt  }
0x6d: {  	_ =	shalt  }
0x6e: {  	_ =	shalt  }
0x6f: {  	_ =	shalt  }
0x70: {  	_ =	shalt  }
0x71: {  	_ =	shalt  }
0x72: {  	_ =	shalt  }
0x73: {  	_ =	shalt  }
0x74: {  	_ =	shalt  }
0x75: {  	_ =	shalt  }
0x76: {  	_ =	shalt  }
0x77: {  	_ =	shalt  }
0x78: {  	_ =	shalt  }
0x79: {  	_ =	shalt  }
0x7a: {  	_ =	shalt  }
0x7b: {  	_ =	shalt  }
0x7c: {  	_ =	shalt  }
0x7d: {  	_ =	shalt  }
0x7e: {  	_ =	shalt  }
0x7f: {  	_ =	shalt  }
0x80: {  	_ =	shalt  }
0x81: {  	_ =	shalt  }
0x82: {  	_ =	shalt  }
0x83: {  	_ =	shalt  }
0x84: {  	_ =	shalt  }
0x85: {  	_ =	shalt  }
0x86: {  	_ =	shalt  }
0x87: {  	_ =	shalt  }
.Lfunc_end0:
.L_simem_size_0:
called_computation_lowered:
.L_overlay_start_0:
0x88: {  	s2 =	sld [smem:$0x3FD9]  }
0x89: {  	s3 =	sld [smem:$0x3FFE];
	_ =	sdelay $0x1  }
0x8a: {  	s1 =	srdreg.scid  }
0x8b: {  	s0 =	sand.u32 $0x1, s1  }
0x8c: {  	s16 =	sshll.u32 s0, $0xA;
	s2 =	sadd.s32 s3, s2  }
0x8d: {  	s2 =	sadd.s32 s2, s16  }
0x8e: {  	[smem:$0x3FBB] =	sst s2  }
0x8f: {  	_ = 	snop  }
0x90: {  	(tm) =	ssettm $0x1  }
0x91: {  	s17 =	sld [smem:$0x3FFB];
	_ =	sdelay $0x3  }
0x92: {  	_ =	strace s17  }
0x93: {  	s2 =	sld [smem:$0x3FFC];
	_ =	sdelay $0x3  }
0x94: {  	_ =	strace s2  }
0x95: {  	s2 =	sld [smem:$0x3FFD];
	_ =	sdelay $0x3  }
0x96: {  	_ =	strace s2  }
0x97: {  	_ =	strace $0x8FFFFFFF  }
0x98: {  	s18 =	sld [smem:$0x3FDB];
	_ =	sdelay $0x1  }
0x99: {  	s19 =	simm.s32 $_scs_section_size  }
0x9a: {  	s4 =	simm.s32 $_size__tile_overlayer_lowered;
	s5 =	simm.s32 $_tile_overlayer_lowered  }
0x9b: {  	s22 =	simm.s32 $0x1BFF;
	s21 =	sshll.u32 s5, $0x1;
	s2 =	sadd.s32 s19, s18  }
0x9c: {  	s6 =	simm.s32 $0x0;
	s20 =	sshll.u32 s4, $0x1;
	s4 =	sadd.s32 s21, s2  }
0x9d: {  	[timem:s6], [sflag:s22] =	dma.local [hbm:s4], s20  }
0x9e: {  	_ =	swait.ge [sflag:s22], s20  }
0x9f: {  	s3 =	ssub.s32 $0x0, s20;
	[sflag:s22] =	ssyncset.done $0x0  }
0xa0: {  	[sflag:s22] =	ssyncadd.s32 s3;
	_ =	sdelay $0x1  }
0xa1: {  	s23 =	simm.s32 $0x1B8B  }
0xa2: {  	_ =	swait.ge [sflag:s23], $0x1  }
0xa3: {  	[sflag:s23] =	ssyncset.done $0x0  }
0xa4: {  	s25 =	simm.s32 $0x1B8E;
	s24 =	sld [smem:$0x3FFE];
	[sflag:s23] =	ssyncadd.s32 $0xFFFFFFFF  }
0xa5: {  	s26 =	simm.s32 $execute0_lowered;
	[smem:$0x3FD2] =	sst s25  }
0xa6: {  	s4 =	sshll.u32 s26, $0x1;
	_ =	strace $0x80000046;
	[dreg:$0x1] =	wrdreg $0xFFFFFFFF  }
0xa7: {  	s28 =	simm.s32 $_size_execute0_lowered;
	s2 =	sadd.s32 s2, s4;
	[dreg:$0x0] =	wrdreg $0x0  }
0xa8: {  	s4 =	sshll.u32 s28, $0x1;
	[dreg:$0x2] =	wrdreg s2  }
0xa9: {  	[dreg:$0x3] =	wrdreg s4  }
0xaa: {  	[dreg:$0x4] =	wrdreg $0xC0  }
0xab: {  	_ =	task [dreg:s6], $0x5FFFF  }
0xac: {  	[dreg:$0x1] =	wrdreg $0xFFFFFFFF  }
0xad: {  	[dreg:$0x0] =	wrdreg $0x60  }
0xae: {  	[dreg:$0x2] =	wrdreg s24  }
0xaf: {  	[dreg:$0x3] =	wrdreg $0x42000  }
0xb0: {  	[dreg:$0x4] =	wrdreg $0x9  }
0xb1: {  	_ =	task.clear_ibuf [dreg:s6], $0x5FFFF;
	_ =	strace $0x90000046  }
0xb2: {  	s29 =	simm.s32 $0x9;
	_ =	strace $0x80000048  }
0xb3: {  	_ =	swait.ge [sflag:s29], $0x1  }
0xb4: {  	[sflag:s29] =	ssyncadd.s32 $0xFFFFFFFF  }
0xb5: {  	_ =	strace $0x90000048  }
0xb6: {  	_ =	sfence  }
0xb7: {  	s30 =	sld [smem:$0x0];
	_ =	sdelay $0x2  }
0xb8: {  	s31 =	sshll.u32 s1, $0xD;
	s1 =	sshrl.u32 s1, $0x2  }
0xb9: {  	s3 =	sand.u32 $0x4000, s31;
	s1 =	sadd.s32 s1, s30  }
0xba: {  	s0 =	sor.u32 s3, s0;
	s1 =	sshll.u32 s1, $0x11  }
0xbb: {  	s0 =	sor.u32 s1, s0  }
0xbc: {  	s0 =	sadd.s32 $0x8F2B, s0  }
0xbd: {  	[sflag:s0] =	ssyncadd.remote.s32 $0x1  }
0xbe: {  	_ =	sfence.sel $0xFFFF  }
0xbf: {  	[dreg:$0x0] =	wrdreg $0xFFFFFFFF;
	(pc) =	sbr.abs _section_cstart, $3  }
0xc0: {  	[dreg:$0x1] =	wrdreg $0xFFFFFFFF  }
0xc1: {  	_ =	task.clear_ibuf [dreg:s6], $0x2FFFF;
	_ =	strace $0x9FFFFFFF  }
0xc2: {  	(tm) =	ssettm $0x7FFFFFFF  }
0xc3: {  	_ =	shalt  }
tec
execute0_lowered:
.L_overlay_start_1:
0x0: {  	(tag) =	ssettag $0x1  }
0x1: {  	s5 =	rddreg [dreg:$0x0]  }
0x2: {  	s2 =	rddreg [dreg:$0x1];
	s3 =	simm.s32 $0x0;
	s0 =	stileid.u32  }
0x3: {  	s4 =	srdreg.scid;
	s18 =	simm.s32 $0x5;
	s6 =	smul.u32 $0x14000, s0  }
0x4: {  	s19 =	simm.s32 $0x80;
	s21 =	simm.s32 $0x180;
	s10 =	smul.u32 $0x50000, s0  }
0x5: {  	s22 =	simm.s32 $0x1;
	s23 =	simm.s32 $0x200;
	s12 =	smul.u32 $0x50, s0  }
0x6: {  	[smem:$0x7FF] =	sst s3;
	s7 =	sand.u32 $0x1, s4;
	s31 =	smul.u32 $0x2800, s0  }
0x7: {  	s4 =	sadd.s32 $0x3200, s5;
	s30 =	sshll.u32 s0, $0x6;
	s8 =	smul.u32 $0x140000, s7  }
0x8: {  	_ =	strace $0x80000047;
	s24 =	smul.u32 $0x500, s7;
	s11 =	ssub.s32 $0x2, s7  }
0x9: {  	s29 =	smul.u32 $0x28000, s7;
	s7 =	sor.u32 $0x1C05, s30;
	s9 =	sshrl.u32 s6, $0x3  }
0xa: {  	s25 =	sshrl.u32 s11, $0x1;
	s26 =	sshrl.u32 s10, $0x2;
	s9 =	sadd.s32 s9, s5  }
0xb: {  	s6 =	sadd.s32 s6, s8;
	s15 =	ssub.s32 s11, s25;
	s17 =	sadd.s32 s26, s2  }
0xc: {  	s8 =	sadd.s32 s12, s24;
	s16 =	sadd.s32 s31, s29;
	s24 =	simm.s32 $0x2  }
0xd: {  	s25 =	simm.s32 $0x4;
	s26 =	simm.s32 $0x0;
	s6 =	sshrl.u32 s6, $0x3  }
0xe: {  	s28 =	sshll.u32 s8, $0x4;
	s13 =	sshll.u32 s8, $0x7;
	s16 =	sor.u32 $0x200, s16  }
.Ltmp0:
0xf: {  	s15 =	smax.u32 s15, $0x1;
	s17 =	sshrl.u32 s17, $0x3;
	(pc) =	sbr.rel .LBB2_1-.Ltmp0, $4  }
0x10: {  	s14 =	sadd.s32 s6, s5;
	s5 =	sadd.s32 $0x17200, s9;
	s6 =	sadd.s32 s4, s28  }
0x11: {  	s11 =	sor.u32 $0x280, s13;
	s12 =	sor.u32 $0x300, s13;
	s13 =	sor.u32 $0x380, s13  }
0x12: {  	s16 =	sshrl.u32 s16, $0x3;
	s8 =	sadd.s32 $0x10, s6;
	s9 =	sadd.s32 $0x20, s6  }
0x13: {  	v0 =	vimm.f32 $1.000000000e+00;
	s10 =	sadd.s32 $0x30, s6;
	s14 =	sadd.s32 $0x3F200, s14;
	s16 =	sadd.s32 s16, s4  }
.LBB2_6:
0x14: {  	s26 =	sadd.s32 $0x1, s26  }
0x15: {  	p0 =	sne.s32 s26, s15  }
.Ltmp1:
0x16: {  	[bflag:$0x0] =	sbarrier.arrive $0xFFFF;
	(pc) =	sbr.rel @!p0 .LBB2_7-.Ltmp1, $4  }
0x17: {  	[hbm:s14], [sflag:s7] =	dma.local [spmem:s17], $0x2800  }
0x18: {  	_ =	swait.ge [sflag:s18], $0x2800  }
0x19: {  	[sflag:s18] =	ssyncset.done $0x0  }
0x1a: {  	[sflag:s18] =	ssyncadd.s32 $0xFFFFD800  }
.LBB2_1:
0x1b: {  	s28 =	simm.s32 $0x200;
	s29 =	simm.s32 $0x0  }
.LBB2_2:
0x1c: {  	p0 =	sne.s32 s28, $0xFE00;
	[tilespmem:s29+$0x200] =	vst v0;
	s29 =	smov.u32 s28;
	s28 =	sadd.s32 $0x200, s28  }
.Ltmp2:
0x1d: {  	(pc) =	sbr.rel @p0 .LBB2_2-.Ltmp2, $2  }
0x1e: {  	_ =	sdelay $0x2  }
0x1f: {  	s29 =	sshra.s32 s29, $0x2  }
0x20: {  	[tilespmem:s29+$0x200] =	vst v0  }
0x21: {  	[spmem:s17], [sflag:s7] =	dma.local [hbm:s5], $0x2800  }
0x22: {  	_ =	swait.ge [sflag:s18], $0x2800  }
0x23: {  	[sflag:s18] =	ssyncset.done $0x0  }
0x24: {  	[sflag:s18] =	ssyncadd.s32 $0xFFFFD800  }
0x25: {  	s28 =	simm.s32 $0x0;
	[bflag:$0x0] =	sbarrier.arrive $0xFFFF  }
0x26: {  	[tilespmem:s28], [sflag:$0x1] =	stream.linear.gather [hbm4b:s6+s28], $0x80, $0x38;
	[tilespmem:$0x6A00] =	vst v63  }
0x27: {  	_ = 	snop  }
0x28: {  	[tilespmem:s19], [sflag:$0x2] =	stream.linear.gather [hbm4b:s8+s28], $0x80, $0x38;
	[tilespmem:$0x6A00] =	vst v63  }
0x29: {  	s0 =	simm.s32 $0x100  }
0x2a: {  	[tilespmem:s0], [sflag:$0x3] =	stream.linear.gather [hbm4b:s9+s28], $0x80, $0x38;
	[tilespmem:$0x6A00] =	vst v63  }
0x2b: {  	s29 =	smov.u32 s16  }
0x2c: {  	[tilespmem:s21], [sflag:$0x4] =	stream.linear.gather [hbm4b:s10+s28], $0x80, $0x38;
	[tilespmem:$0x6A00] =	vst v63  }
.LBB2_4:
0x2d: {  	_ =	swait.ge [sflag:s22], $0x80  }
0x2e: {  	[sflag:s22] =	ssyncset.done $0x0  }
0x2f: {  	[sflag:s22] =	ssyncadd.s32 $0xFFFFFF80  }
0x30: {  	[spmem:s2] =	stream.indirect.scatter.add.f32 [tilespmem:s23], [sflag:$0x5], $0x10, s3, s19, $0xb8;
	[tilespmem:$0x6A00] =	vst v63  }
0x31: {  	_ =	swait.ge [sflag:s18], $0x800  }
0x32: {  	p0 =	seq.s32 s28, $0x2600;
	[sflag:s18] =	ssyncset.done $0x0  }
0x33: {  	s31 =	simm.s32 @!p0 $0x0;
	[sflag:s18] =	ssyncadd.s32 $0xFFFFF800  }
0x34: {  	[tilespmem:s31], [sflag:$0x1] =	stream.linear.gather @!p0 [hbm4b:s29+s31], $0x80, $0x38;
	[tilespmem:$0x6A00] =	vst v63  }
0x35: {  	_ =	swait.ge [sflag:s24], $0x80  }
0x36: {  	[sflag:s24] =	ssyncset.done $0x0  }
0x37: {  	[sflag:s24] =	ssyncadd.s32 $0xFFFFFF80  }
0x38: {  	[spmem:s2] =	stream.indirect.scatter.add.f32 [tilespmem:s23], [sflag:$0x5], $0x10, s19, s19, $0xb8;
	[tilespmem:$0x6A00] =	vst v63  }
0x39: {  	_ =	swait.ge [sflag:s18], $0x800  }
0x3a: {  	[sflag:s18] =	ssyncset.done $0x0  }
0x3b: {  	s30 =	simm.s32 @p0 $0x3;
	[sflag:s18] =	ssyncadd.s32 $0xFFFFF800  }
0x3c: {  	_ =	swait.ge @p0 [sflag:s30], $0x80  }
0x3d: {  	s0 =	simm.s32 @p0 $0x80;
	s1 =	simm.s32 @p0 $0x100;
	[sflag:s30] =	ssyncset.done @p0 $0x0  }
0x3e: {  	s20 =	simm.s32 @p0 $0x200;
	[sflag:s30] =	ssyncadd.s32 @p0 $0xFFFFFF80;
	s30 =	smov.u32 s28  }
0x3f: {  	[spmem:s2] =	stream.indirect.scatter.add.f32 @p0 [tilespmem:s20], [sflag:$0x5], $0x10, s1, s0, $0xb8;
	[tilespmem:$0x6A00] =	vst v63  }
0x40: {  	s30 =	simm.s32 @p0 $0x2600;
	s0 =	simm.s32 @p0 $0x5  }
0x41: {  	_ =	swait.ge @p0 [sflag:s0], $0x800;
	s1 =	sadd.s32 @!p0 s30, s11  }
0x42: {  	[sflag:s0] =	ssyncset.done @p0 $0x0;
	s1 =	sshrl.u32 @!p0 s1, $0x3  }
0x43: {  	[sflag:s0] =	ssyncadd.s32 @p0 $0xFFFFF800;
	s0 =	sadd.s32 @!p0 s4, s1;
	s1 =	simm.s32 @!p0 $0x80  }
0x44: {  	[tilespmem:s1], [sflag:$0x2] =	stream.linear.gather @!p0 [hbm4b:s0+s31], $0x80, $0x38;
	[tilespmem:$0x6A00] =	vst v63  }
0x45: {  	s0 =	simm.s32 @!p0 $0x3  }
0x46: {  	_ =	swait.ge @!p0 [sflag:s0], $0x80  }
0x47: {  	[sflag:s0] =	ssyncset.done @!p0 $0x0  }
0x48: {  	s20 =	simm.s32 @!p0 $0x200;
	[sflag:s0] =	ssyncadd.s32 @!p0 $0xFFFFFF80;
	s0 =	simm.s32 @!p0 $0x100  }
0x49: {  	[spmem:s2] =	stream.indirect.scatter.add.f32 @!p0 [tilespmem:s20], [sflag:$0x5], $0x10, s0, s1, $0xb8;
	[tilespmem:$0x6A00] =	vst v63  }
0x4a: {  	s1 =	simm.s32 @!p0 $0x5  }
0x4b: {  	s20 =	sadd.s32 @!p0 s30, s12;
	_ =	swait.ge @!p0 [sflag:s1], $0x800  }
0x4c: {  	s20 =	sshrl.u32 @!p0 s20, $0x3;
	[sflag:s1] =	ssyncset.done @!p0 $0x0  }
0x4d: {  	[sflag:s1] =	ssyncadd.s32 @!p0 $0xFFFFF800;
	s1 =	sadd.s32 @!p0 s4, s20  }
0x4e: {  	[tilespmem:s0], [sflag:$0x3] =	stream.linear.gather @!p0 [hbm4b:s1+s31], $0x80, $0x38;
	[tilespmem:$0x6A00] =	vst v63  }
0x4f: {  	_ =	swait.ge [sflag:s25], $0x80  }
0x50: {  	[sflag:s25] =	ssyncset.done $0x0  }
.Ltmp3:
0x51: {  	[sflag:s25] =	ssyncadd.s32 $0xFFFFFF80;
	(pc) =	sbr.rel @p0 .LBB2_6-.Ltmp3, $4  }
0x52: {  	[spmem:s2] =	stream.indirect.scatter.add.f32 [tilespmem:s23], [sflag:$0x5], $0x10, s21, s19, $0xb8;
	[tilespmem:$0x6A00] =	vst v63  }
0x53: {  	_ =	swait.ge [sflag:s18], $0x800  }
0x54: {  	[sflag:s18] =	ssyncset.done $0x0  }
0x55: {  	[sflag:s18] =	ssyncadd.s32 $0xFFFFF800  }
.Ltmp4:
0x56: {  	(pc) =	sbr.rel .LBB2_4-.Ltmp4, $4  }
0x57: {  	s0 =	sadd.s32 s30, s13  }
0x58: {  	s0 =	sshrl.u32 s0, $0x3  }
0x59: {  	s28 =	sadd.s32 $0x200, s28;
	s29 =	sadd.s32 $0x40, s29;
	s0 =	sadd.s32 s4, s0  }
0x5a: {  	[tilespmem:s21], [sflag:$0x4] =	stream.linear.gather [hbm4b:s0+s3], $0x80, $0x38;
	[tilespmem:$0x6A00] =	vst v63  }
.LBB2_7:
0x5b: {  	_ =	sfence.sel $0x180000  }
0x5c: {  	[bflag:$0x0] =	sbarrier.arrive $0xFFFF  }
0x5d: {  	_ =	strace $0x90000047  }
0x5e: {  	s0 =	stileid.u32;
	[bflag:$0x2] =	sbarrier.arrive $0xFFFF  }
0x5f: {  	p0 =	sne.s32 s0, $0x0;
	s0 =	rddreg [dreg:$0x2]  }
0x60: {  	s0 =	sadd.s32 @!p0 $0x100000, s0  }
0x61: {  	[sflag:s0] =	ssyncadd.tile.s32 @!p0 $0x1;
	_ =	shalt  }
.Lfunc_end2:
_tile_overlayer_lowered:
.L_overlay_start_2:
0x62: {  	(tag) =	ssettag $0x2  }
0x63: {  	s0 =	rddreg [dreg:$0x0];
	s2 =	stileid.u32  }
0x64: {  	s1 =	rddreg [dreg:$0x1];
	p0 =	sne.s32 s2, $0x0  }
0x65: {  	s3 =	rddreg [dreg:$0x2];
	[bflag:$0x3] =	sbarrier.arrive $0xFFFF;
	s2 =	simm.s32 @!p0 $0x1C05  }
0x66: {  	[timem:s3], [sflag:s2] =	dma.local @!p0 [hbm:s0], s1  }
0x67: {  	s0 =	simm.s32 @!p0 $0x5  }
0x68: {  	_ =	swait.ge @!p0 [sflag:s0], s1  }
0x69: {  	s1 =	ssub.s32 @!p0 $0x0, s1;
	[sflag:s0] =	ssyncset.done @!p0 $0x0  }
0x6a: {  	[sflag:s0] =	ssyncadd.s32 @!p0 s1  }
0x6b: {  	[bflag:$0x3] =	sbarrier.arrive $0xFFFF  }
0x6c: {  	_ =	shalt  }

// kernel: kernel.14.cloned.1.call-start
scs
__scs_entry_jumppad:
0x0: {  	(pc) =	sbr.rel $0x88, $3  }
0x1: {  	(tag) =	ssettag $0x0;
	lr =	simm.s32 $0x1  }
0x2: {  	[smem:$0x3F94] =	sst lr;
	_ =	strace $0xD0000000  }
0x3: {  	_ = 	snop  }
0x4: {  	_ = 	snop  }
0x5: {  	_ = 	snop  }
0x6: {  	_ = 	snop  }
0x7: {  	_ = 	snop  }
__scs_overlays_trampoline_lowered:
0x8: {  	[smem:$0x3FA3] =	sst s0  }
0x9: {  	[smem:$0x3FA4] =	sst s1  }
0xa: {  	[smem:$0x3FA5] =	sst s2  }
0xb: {  	[smem:$0x3FA6] =	sst s3  }
0xc: {  	[smem:$0x3FA7] =	sst s4  }
0xd: {  	[smem:$0x3FA8] =	sst s5  }
0xe: {  	[smem:$0x3FA9] =	sst s6  }
0xf: {  	[smem:$0x3FAA] =	sst s7  }
0x10: {  	[smem:$0x3FAB] =	sst s8  }
0x11: {  	[smem:$0x3FAC] =	sst s9;
	s0 =	simm.s32 @!p0 $0x0  }
0x12: {  	s1 =	sld [smem:$0x3F92];
	s0 =	simm.s32 @p0 $0x1  }
0x13: {  	[smem:$0x3FAD] =	sst s0;
	s0 =	simm.s32 @!p1 $0x0  }
0x14: {  	s2 =	sld [smem:$0x3F91];
	s0 =	simm.s32 @p1 $0x1  }
0x15: {  	[smem:$0x3FAE] =	sst s0;
	s0 =	simm.s32 @!p2 $0x0  }
0x16: {  	s3 =	sld [smem:$0x3FDB];
	s0 =	simm.s32 @p2 $0x1  }
0x17: {  	s4 =	simm.s32 $0x1BF5;
	[smem:$0x3FB0] =	sst s0  }
0x18: {  	s0 =	sld [smem:$0x3F93];
	_ =	swait.ge [sflag:s4], $0x0  }
0x19: {  	s7 =	sld [smem:$0x3F94]  }
0x1a: {  	s8 =	sadd.s32 $0xFFFFE003, lr  }
0x1b: {  	s9 =	sadd.s32 $0xFFFFFEF7, lr;
	s5 =	simm.s32 $0xFFFFFFFF;
	p2 =	slt.u32 s8, $0xFFFFF086  }
0x1c: {  	p1 =	slt.u32 s9, $0xF7A;
	s5 =	simm.s32 @!p2 $0x0  }
0x1d: {  	s5 =	simm.s32 @p1 $0x1;
	p0 =	seq.s32 s7, s2  }
0x1e: {  	s7 =	smul.u32 @!p0 $0xF7A, s2;
	p2 =	seq.s32 @!p0 s5, $0x0  }
0x1f: {  	s9 =	smul.u32 $0xF7A, s1;
	s8 =	simm.s32 @!p0 $0x1BF5;
	p2 =	por !p2, p0  }
0x20: {  	[sflag:s8] =	ssyncset.s32 @!p0 $0xFFFFF086;
	s6 =	sadd.s32 @!p0 s3, s7;
	s7 =	simm.s32 @!p0 $0x108  }
0x21: {  	s3 =	sadd.s32 s3, s9;
	s6 =	sadd.s32 @!p0 $0x88, s6;
	s7 =	simm.s32 @p2 $0x1082  }
0x22: {  	[simem:s7], [sflag:s8] =	dma.local @!p0 [hbm:s6], $0xF7A  }
0x23: {  	s9 =	sor.u32 $0xD0000000, s2;
	s6 =	simm.s32 $0x108;
	_ =	swait.ge @!p0 [sflag:s8], $0x0  }
0x24: {  	s3 =	sadd.s32 $0x88, s3;
	s6 =	simm.s32 @!p1 $0x1082;
	[sflag:s4] =	ssyncset.s32 $0xFFFFF086  }
0x25: {  	[simem:s6], [sflag:s4] =	dma.local [hbm:s3], $0xF7A  }
0x26: {  	[smem:$0x3F94] =	sst s1;
	(tag) =	ssettag s2;
	_ =	strace s9  }
0x27: {  	s1 =	sld [smem:$0x3FA4]  }
0x28: {  	s2 =	sld [smem:$0x3FA5]  }
0x29: {  	s4 =	sld [smem:$0x3FA7]  }
0x2a: {  	p0 =	seq.s32 s5, $0x0;
	s5 =	sld [smem:$0x3FA8]  }
0x2b: {  	s6 =	sld [smem:$0x3FA9]  }
0x2c: {  	s7 =	sld [smem:$0x3FAA]  }
0x2d: {  	s3 =	simm.s32 $0x108;
	s8 =	sld [smem:$0x3FAB]  }
0x2e: {  	s3 =	simm.s32 @!p0 $0x1082;
	s9 =	sld [smem:$0x3FAC]  }
0x2f: {  	lr =	sadd.s32 s0, s3;
	s0 =	sld [smem:$0x3FA3]  }
0x30: {  	s3 =	sld [smem:$0x3FA6]  }
0x31: {  	[smem:$0x3FAF] =	sst s10  }
0x32: {  	s10 =	sld [smem:$0x3FAD];
	_ =	sdelay $0x3  }
0x33: {  	p0 =	seq.s32 s10, $0x1;
	s10 =	sld [smem:$0x3FAF];
	_ =	sdelay $0x3  }
0x34: {  	[smem:$0x3FAF] =	sst s10  }
0x35: {  	s10 =	sld [smem:$0x3FAE];
	_ =	sdelay $0x3  }
0x36: {  	p1 =	seq.s32 s10, $0x1;
	s10 =	sld [smem:$0x3FAF];
	_ =	sdelay $0x3  }
0x37: {  	[smem:$0x3FAF] =	sst s10  }
0x38: {  	s10 =	sld [smem:$0x3FB0]  }
0x39: {  	_ = 	snop;
	(pc) =	sbr.ind lr, $3  }
0x3a: {  	_ = 	snop  }
0x3b: {  	_ = 	snop  }
0x3c: {  	p2 =	seq.s32 s10, $0x1;
	s10 =	sld [smem:$0x3FAF]  }
0x3d: {  	_ =	shalt  }
0x3e: {  	_ =	shalt  }
0x3f: {  	_ =	shalt  }
0x40: {  	_ =	shalt  }
0x41: {  	_ =	shalt  }
0x42: {  	_ =	shalt  }
0x43: {  	_ =	shalt  }
0x44: {  	_ =	shalt  }
0x45: {  	_ =	shalt  }
0x46: {  	_ =	shalt  }
0x47: {  	_ =	shalt  }
0x48: {  	_ =	shalt  }
0x49: {  	_ =	shalt  }
0x4a: {  	_ =	shalt  }
0x4b: {  	_ =	shalt  }
0x4c: {  	_ =	shalt  }
0x4d: {  	_ =	shalt  }
0x4e: {  	_ =	shalt  }
0x4f: {  	_ =	shalt  }
0x50: {  	_ =	shalt  }
0x51: {  	_ =	shalt  }
0x52: {  	_ =	shalt  }
0x53: {  	_ =	shalt  }
0x54: {  	_ =	shalt  }
0x55: {  	_ =	shalt  }
0x56: {  	_ =	shalt  }
0x57: {  	_ =	shalt  }
0x58: {  	_ =	shalt  }
0x59: {  	_ =	shalt  }
0x5a: {  	_ =	shalt  }
0x5b: {  	_ =	shalt  }
0x5c: {  	_ =	shalt  }
0x5d: {  	_ =	shalt  }
0x5e: {  	_ =	shalt  }
0x5f: {  	_ =	shalt  }
0x60: {  	_ =	shalt  }
0x61: {  	_ =	shalt  }
0x62: {  	_ =	shalt  }
0x63: {  	_ =	shalt  }
0x64: {  	_ =	shalt  }
0x65: {  	_ =	shalt  }
0x66: {  	_ =	shalt  }
0x67: {  	_ =	shalt  }
0x68: {  	_ =	shalt  }
0x69: {  	_ =	shalt  }
0x6a: {  	_ =	shalt  }
0x6b: {  	_ =	shalt  }
0x6c: {  	_ =	shalt  }
0x6d: {  	_ =	shalt  }
0x6e: {  	_ =	shalt  }
0x6f: {  	_ =	shalt  }
0x70: {  	_ =	shalt  }
0x71: {  	_ =	shalt  }
0x72: {  	_ =	shalt  }
0x73: {  	_ =	shalt  }
0x74: {  	_ =	shalt  }
0x75: {  	_ =	shalt  }
0x76: {  	_ =	shalt  }
0x77: {  	_ =	shalt  }
0x78: {  	_ =	shalt  }
0x79: {  	_ =	shalt  }
0x7a: {  	_ =	shalt  }
0x7b: {  	_ =	shalt  }
0x7c: {  	_ =	shalt  }
0x7d: {  	_ =	shalt  }
0x7e: {  	_ =	shalt  }
0x7f: {  	_ =	shalt  }
0x80: {  	_ =	shalt  }
0x81: {  	_ =	shalt  }
0x82: {  	_ =	shalt  }
0x83: {  	_ =	shalt  }
0x84: {  	_ =	shalt  }
0x85: {  	_ =	shalt  }
0x86: {  	_ =	shalt  }
0x87: {  	_ =	shalt  }
.Lfunc_end0:
.L_simem_size_0:
called_computation.1_lowered:
.L_overlay_start_0:
0x88: {  	s2 =	sld [smem:$0x3FD9]  }
0x89: {  	s3 =	sld [smem:$0x3FFE];
	_ =	sdelay $0x1  }
0x8a: {  	s1 =	srdreg.scid  }
0x8b: {  	s0 =	sand.u32 $0x1, s1  }
0x8c: {  	s16 =	sshll.u32 s0, $0xA;
	s2 =	sadd.s32 s3, s2  }
0x8d: {  	s2 =	sadd.s32 s2, s16  }
0x8e: {  	[smem:$0x3FBB] =	sst s2  }
0x8f: {  	_ = 	snop  }
0x90: {  	(tm) =	ssettm $0x1  }
0x91: {  	s17 =	sld [smem:$0x3FFB];
	_ =	sdelay $0x3  }
0x92: {  	_ =	strace s17  }
0x93: {  	s2 =	sld [smem:$0x3FFC];
	_ =	sdelay $0x3  }
0x94: {  	_ =	strace s2  }
0x95: {  	s2 =	sld [smem:$0x3FFD];
	_ =	sdelay $0x3  }
0x96: {  	_ =	strace s2  }
0x97: {  	_ =	strace $0x8FFFFFFF  }
0x98: {  	s18 =	sld [smem:$0x3FDB];
	_ =	sdelay $0x1  }
0x99: {  	s19 =	simm.s32 $_scs_section_size  }
0x9a: {  	s4 =	simm.s32 $_size__tile_overlayer_lowered;
	s5 =	simm.s32 $_tile_overlayer_lowered  }
0x9b: {  	s22 =	simm.s32 $0x1BFF;
	s21 =	sshll.u32 s5, $0x1;
	s2 =	sadd.s32 s19, s18  }
0x9c: {  	s6 =	simm.s32 $0x0;
	s20 =	sshll.u32 s4, $0x1;
	s4 =	sadd.s32 s21, s2  }
0x9d: {  	[timem:s6], [sflag:s22] =	dma.local [hbm:s4], s20  }
0x9e: {  	_ =	swait.ge [sflag:s22], s20  }
0x9f: {  	s3 =	ssub.s32 $0x0, s20;
	[sflag:s22] =	ssyncset.done $0x0  }
0xa0: {  	[sflag:s22] =	ssyncadd.s32 s3;
	_ =	sdelay $0x1  }
0xa1: {  	s23 =	simm.s32 $0x1B8B  }
0xa2: {  	_ =	swait.ge [sflag:s23], $0x1  }
0xa3: {  	[sflag:s23] =	ssyncset.done $0x0  }
0xa4: {  	s25 =	simm.s32 $0x1B8E;
	s24 =	sld [smem:$0x3FFE];
	[sflag:s23] =	ssyncadd.s32 $0xFFFFFFFF  }
0xa5: {  	s26 =	simm.s32 $execute0_lowered;
	[smem:$0x3FD2] =	sst s25  }
0xa6: {  	s4 =	sshll.u32 s26, $0x1;
	_ =	strace $0x80000049;
	[dreg:$0x1] =	wrdreg $0xFFFFFFFF  }
0xa7: {  	s28 =	simm.s32 $_size_execute0_lowered;
	s2 =	sadd.s32 s2, s4;
	[dreg:$0x0] =	wrdreg $0x0  }
0xa8: {  	s4 =	sshll.u32 s28, $0x1;
	[dreg:$0x2] =	wrdreg s2  }
0xa9: {  	[dreg:$0x3] =	wrdreg s4  }
0xaa: {  	[dreg:$0x4] =	wrdreg $0xC0  }
0xab: {  	_ =	task [dreg:s6], $0x5FFFF  }
0xac: {  	[dreg:$0x1] =	wrdreg $0xFFFFFFFF  }
0xad: {  	[dreg:$0x0] =	wrdreg $0x60  }
0xae: {  	[dreg:$0x2] =	wrdreg s24  }
0xaf: {  	[dreg:$0x3] =	wrdreg $0x84000  }
0xb0: {  	[dreg:$0x4] =	wrdreg $0x9  }
0xb1: {  	_ =	task.clear_ibuf [dreg:s6], $0x5FFFF;
	_ =	strace $0x90000049  }
0xb2: {  	s29 =	simm.s32 $0x9;
	_ =	strace $0x8000004B  }
0xb3: {  	_ =	swait.ge [sflag:s29], $0x1  }
0xb4: {  	[sflag:s29] =	ssyncadd.s32 $0xFFFFFFFF  }
0xb5: {  	_ =	strace $0x9000004B  }
0xb6: {  	_ =	sfence  }
0xb7: {  	s30 =	sld [smem:$0x0];
	_ =	sdelay $0x2  }
0xb8: {  	s31 =	sshll.u32 s1, $0xD;
	s1 =	sshrl.u32 s1, $0x2  }
0xb9: {  	s3 =	sand.u32 $0x4000, s31;
	s1 =	sadd.s32 s1, s30  }
0xba: {  	s0 =	sor.u32 s3, s0;
	s1 =	sshll.u32 s1, $0x11  }
0xbb: {  	s0 =	sor.u32 s1, s0  }
0xbc: {  	s0 =	sadd.s32 $0x8F2B, s0  }
0xbd: {  	[sflag:s0] =	ssyncadd.remote.s32 $0x1  }
0xbe: {  	_ =	sfence.sel $0xFFFF  }
0xbf: {  	[dreg:$0x0] =	wrdreg $0xFFFFFFFF;
	(pc) =	sbr.abs _section_cstart, $3  }
0xc0: {  	[dreg:$0x1] =	wrdreg $0xFFFFFFFF  }
0xc1: {  	_ =	task.clear_ibuf [dreg:s6], $0x2FFFF;
	_ =	strace $0x9FFFFFFF  }
0xc2: {  	(tm) =	ssettm $0x7FFFFFFF  }
0xc3: {  	_ =	shalt  }
tec
execute0_lowered:
.L_overlay_start_1:
0x0: {  	(tag) =	ssettag $0x1  }
0x1: {  	s0 =	rddreg [dreg:$0x0]  }
0x2: {  	s2 =	rddreg [dreg:$0x1];
	s14 =	stileid.u32  }
0x3: {  	s3 =	simm.s32 $0x0;
	s1 =	srdreg.scid;
	s5 =	smul.u32 $0x14000, s14  }
0x4: {  	s28 =	simm.s32 $0x380;
	s29 =	simm.s32 $0x1;
	s7 =	smul.u32 $0x50000, s14  }
0x5: {  	s30 =	simm.s32 $0x400;
	s31 =	simm.s32 $0x2;
	s12 =	smul.u32 $0x50, s14  }
0x6: {  	[smem:$0x7FF] =	sst s3;
	s1 =	sand.u32 $0x1, s1;
	s25 =	smul.u32 $0x500, s14  }
0x7: {  	s4 =	sadd.s32 $0x17200, s0;
	s8 =	sadd.s32 $0xD200, s0;
	s6 =	smul.u32 $0x140000, s1  }
0x8: {  	s9 =	sadd.s32 $0x3200, s0;
	s16 =	sshll.u32 s14, $0x6;
	s13 =	smul.u32 $0x500, s1  }
0x9: {  	_ =	strace $0x8000004A;
	s11 =	ssub.s32 $0x2, s1;
	s1 =	smul.u32 $0x5000, s1  }
0xa: {  	s10 =	sshrl.u32 s5, $0x3;
	s15 =	sshrl.u32 s11, $0x1;
	s7 =	sshrl.u32 s7, $0x2  }
0xb: {  	s5 =	sadd.s32 s5, s6;
	s10 =	sadd.s32 s10, s0;
	s6 =	sadd.s32 s12, s13  }
0xc: {  	s7 =	sadd.s32 s7, s2;
	s26 =	sadd.s32 s1, s9;
	s1 =	sadd.s32 s1, s8  }
0xd: {  	s5 =	sshrl.u32 s5, $0x3;
	[dreg:$0x3] =	wrdreg s7;
	s6 =	sshll.u32 s6, $0x4  }
0xe: {  	s10 =	sadd.s32 $0x3E400, s10;
	s7 =	sor.u32 $0x1C05, s16;
	s0 =	sadd.s32 s5, s0  }
0xf: {  	s5 =	ssub.s32 s11, s15;
	[dreg:$0x4] =	wrdreg s10;
	s17 =	sadd.s32 s8, s6  }
0x10: {  	s18 =	sadd.s32 s9, s6;
	s19 =	sor.u32 $0x10, s6;
	[dreg:$0x5] =	wrdreg s17  }
0x11: {  	s13 =	sor.u32 $0x20, s6;
	s6 =	sor.u32 $0x30, s6;
	[dreg:$0x6] =	wrdreg s18  }
0x12: {  	s20 =	sadd.s32 s8, s19;
	s21 =	sadd.s32 s9, s19;
	s22 =	sadd.s32 s8, s13  }
0x13: {  	s23 =	sadd.s32 s9, s13;
	s24 =	sadd.s32 s8, s6;
	s15 =	sadd.s32 s9, s6  }
0x14: {  	s16 =	sadd.s32 $0x66400, s0;
	s17 =	smax.u32 s5, $0x1;
	s18 =	sadd.s32 s25, s26  }
0x15: {  	s19 =	sadd.s32 s25, s1;
	s25 =	simm.s32 $0x300;
	[dreg:$0x7] =	wrdreg s20  }
.Ltmp0:
0x16: {  	s26 =	simm.s32 $0x180;
	[dreg:$0x8] =	wrdreg s21;
	(pc) =	sbr.rel .LBB2_1-.Ltmp0, $4  }
0x17: {  	s0 =	simm.s32 $0x4400;
	s1 =	simm.s32 $0x3;
	[dreg:$0x9] =	wrdreg s22  }
0x18: {  	s5 =	simm.s32 $0x4;
	s6 =	simm.s32 $0x0;
	[dreg:$0xa] =	wrdreg s23  }
0x19: {  	[dreg:$0xb] =	wrdreg s24;
	s20 =	simm.s32 $0x5;
	s21 =	simm.s32 $0x200  }
0x1a: {  	s22 =	simm.s32 $0x80;
	s23 =	simm.s32 $0x280;
	s24 =	simm.s32 $0x100  }
.LBB2_4:
0x1b: {  	[spmem:s2] =	stream.indirect.scatter.add.f32 [tilespmem:s0], [sflag:$0x5], $0x80, s28, s22, $0xb8;
	[tilespmem:$0x1C400] =	vst v63  }
0x1c: {  	_ =	swait.ge [sflag:s20], $0x4000  }
0x1d: {  	[sflag:s20] =	ssyncset.done $0x0  }
0x1e: {  	[sflag:s20] =	ssyncadd.s32 $0xFFFFC000  }
0x1f: {  	_ =	sdelay $0x7ff  }
0x20: {  	_ =	sdelay $0x7ff  }
0x21: {  	_ =	sdelay $0x7ff  }
0x22: {  	_ =	sdelay $0x7ff  }
0x23: {  	_ =	sdelay $0x7ff  }
0x24: {  	_ =	sdelay $0x7ff  }
0x25: {  	_ =	sdelay $0x7ff  }
0x26: {  	_ =	sdelay $0x7ff  }
0x27: {  	_ =	sdelay $0x7ff  }
0x28: {  	_ =	sdelay $0x7ff  }
0x29: {  	_ =	sdelay $0x7ff  }
0x2a: {  	_ =	sdelay $0x7ff  }
0x2b: {  	_ =	sdelay $0x7ff  }
0x2c: {  	_ =	sdelay $0x7ff  }
0x2d: {  	_ =	sdelay $0x7ff  }
0x2e: {  	_ =	sdelay $0x7ff  }
0x2f: {  	_ =	sdelay $0x7ff  }
0x30: {  	s6 =	sadd.s32 $0x1, s6;
	_ =	sdelay $0x7ff  }
0x31: {  	p0 =	sne.s32 s6, s17;
	_ =	sdelay $0xc9  }
.Ltmp1:
0x32: {  	[bflag:$0x0] =	sbarrier.arrive $0xFFFF;
	(pc) =	sbr.rel @!p0 .LBB2_5-.Ltmp1, $4  }
0x33: {  	[hbm:s16], [sflag:s7] =	dma.local [spmem:s8], $0x2800  }
0x34: {  	_ =	swait.ge [sflag:s20], $0x2800  }
0x35: {  	[sflag:s20] =	ssyncset.done $0x0  }
0x36: {  	[sflag:s20] =	ssyncadd.s32 $0xFFFFD800  }
.LBB2_1:
0x37: {  	s8 =	rddreg [dreg:$0x3]  }
0x38: {  	s9 =	rddreg [dreg:$0x4];
	s8 =	sshrl.u32 s8, $0x3  }
0x39: {  	[spmem:s8], [sflag:s7] =	dma.local [hbm:s9], $0x2800  }
0x3a: {  	_ =	swait.ge [sflag:s20], $0x2800  }
0x3b: {  	[sflag:s20] =	ssyncset.done $0x0  }
0x3c: {  	[sflag:s20] =	ssyncadd.s32 $0xFFFFD800  }
0x3d: {  	[bflag:$0x0] =	sbarrier.arrive $0xFFFF  }
0x3e: {  	s13 =	rddreg [dreg:$0x5]  }
0x3f: {  	[tilespmem:s3], [sflag:$0x1] =	stream.linear.gather [hbm4b:s13+s3], $0x80, $0x38;
	[tilespmem:$0x1C400] =	vst v63  }
0x40: {  	s14 =	rddreg [dreg:$0x6]  }
0x41: {  	[tilespmem:s21], [sflag:$0x1] =	stream.linear.gather [hbm4b:s14+s3], $0x80, $0x38;
	[tilespmem:$0x1C400] =	vst v63  }
0x42: {  	s10 =	rddreg [dreg:$0x7]  }
0x43: {  	[tilespmem:s22], [sflag:$0x2] =	stream.linear.gather [hbm4b:s10+s3], $0x80, $0x38;
	[tilespmem:$0x1C400] =	vst v63  }
0x44: {  	s11 =	rddreg [dreg:$0x8]  }
0x45: {  	[tilespmem:s23], [sflag:$0x2] =	stream.linear.gather [hbm4b:s11+s3], $0x80, $0x38;
	[tilespmem:$0x1C400] =	vst v63  }
0x46: {  	s12 =	rddreg [dreg:$0x9]  }
0x47: {  	[tilespmem:s24], [sflag:$0x3] =	stream.linear.gather [hbm4b:s12+s3], $0x80, $0x38;
	[tilespmem:$0x1C400] =	vst v63  }
0x48: {  	s13 =	rddreg [dreg:$0xa]  }
0x49: {  	[tilespmem:s25], [sflag:$0x3] =	stream.linear.gather [hbm4b:s13+s3], $0x80, $0x38;
	[tilespmem:$0x1C400] =	vst v63  }
0x4a: {  	s14 =	rddreg [dreg:$0xb]  }
0x4b: {  	[tilespmem:s26], [sflag:$0x4] =	stream.linear.gather [hbm4b:s14+s3], $0x80, $0x38;
	[tilespmem:$0x1C400] =	vst v63  }
0x4c: {  	s9 =	simm.s32 $0x0  }
0x4d: {  	[tilespmem:s28], [sflag:$0x4] =	stream.linear.gather [hbm4b:s15+s3], $0x80, $0x38;
	[tilespmem:$0x1C400] =	vst v63  }
.LBB2_2:
0x4e: {  	_ =	swait.ge [sflag:s29], $0x80  }
0x4f: {  	[sflag:s29] =	ssyncset.done $0x0  }
0x50: {  	[sflag:s29] =	ssyncadd.s32 $0xFFFFFF80  }
0x51: {  	_ =	swait.ge [sflag:s29], $0x80  }
0x52: {  	[sflag:s29] =	ssyncset.done $0x0  }
0x53: {  	[sflag:s29] =	ssyncadd.s32 $0xFFFFFF80  }
0x54: {  	[tilespmem:s30], [sflag:$0x5] =	stream.indirect.gather [hbm4b:s4+s22], $0x80, s3, s22, $0xb8;
	[tilespmem:$0x1C400] =	vst v63  }
0x55: {  	p0 =	seq.s32 s9, $0x0;
	_ =	swait.ge [sflag:s20], $0x4000  }
0x56: {  	s10 =	simm.s32 @!p0 $0x80;
	[sflag:s20] =	ssyncset.done $0x0  }
0x57: {  	s11 =	simm.s32 @!p0 $0x380;
	s12 =	simm.s32 @!p0 $0x4400;
	[sflag:s20] =	ssyncadd.s32 $0xFFFFC000  }
0x58: {  	[spmem:s2] =	stream.indirect.scatter.add.f32 @!p0 [tilespmem:s12], [sflag:$0x5], $0x80, s11, s10, $0xb8;
	[tilespmem:$0x1C400] =	vst v63  }
0x59: {  	s10 =	simm.s32 @!p0 $0x5  }
0x5a: {  	_ =	swait.ge @!p0 [sflag:s10], $0x4000  }
0x5b: {  	[sflag:s10] =	ssyncset.done @!p0 $0x0  }
0x5c: {  	[sflag:s10] =	ssyncadd.s32 @!p0 $0xFFFFC000  }
0x5d: {  	_ =	sdelay @!p0 $0x7ff  }
0x5e: {  	_ =	sdelay @!p0 $0x7ff  }
0x5f: {  	s13 =	simm.s32 @!p0 $0x180;
	s10 =	sadd.s32 @!p0 s9, s19;
	_ =	sdelay @!p0 $0x7ff  }
0x60: {  	s12 =	simm.s32 @!p0 $0x0;
	s10 =	sadd.s32 @!p0 $0x30, s10;
	_ =	sdelay @!p0 $0x484  }
0x61: {  	[tilespmem:s13], [sflag:$0x4] =	stream.linear.gather @!p0 [hbm4b:s10+s12], $0x80, $0x38;
	[tilespmem:$0x1C400] =	vst v63  }
0x62: {  	s10 =	sadd.s32 @!p0 s9, s18  }
0x63: {  	s10 =	sadd.s32 @!p0 $0x30, s10  }
0x64: {  	[tilespmem:s11], [sflag:$0x4] =	stream.linear.gather @!p0 [hbm4b:s10+s12], $0x80, $0x38;
	[tilespmem:$0x1C400] =	vst v63  }
0x65: {  	_ =	swait.ge [sflag:s31], $0x80  }
0x66: {  	[sflag:s31] =	ssyncset.done $0x0  }
0x67: {  	[sflag:s31] =	ssyncadd.s32 $0xFFFFFF80  }
0x68: {  	_ =	swait.ge [sflag:s31], $0x80  }
0x69: {  	[sflag:s31] =	ssyncset.done $0x0  }
0x6a: {  	[sflag:s31] =	ssyncadd.s32 $0xFFFFFF80  }
0x6b: {  	[tilespmem:s0], [sflag:$0x5] =	stream.indirect.gather [hbm4b:s4+s22], $0x80, s22, s22, $0xb8;
	[tilespmem:$0x1C400] =	vst v63  }
0x6c: {  	_ =	swait.ge [sflag:s20], $0x4000  }
0x6d: {  	[sflag:s20] =	ssyncset.done $0x0  }
0x6e: {  	[sflag:s20] =	ssyncadd.s32 $0xFFFFC000  }
0x6f: {  	[spmem:s2] =	stream.indirect.scatter.add.f32 [tilespmem:s30], [sflag:$0x5], $0x80, s21, s22, $0xb8;
	[tilespmem:$0x1C400] =	vst v63  }
0x70: {  	_ =	swait.ge [sflag:s20], $0x4000  }
0x71: {  	[sflag:s20] =	ssyncset.done $0x0  }
0x72: {  	[sflag:s20] =	ssyncadd.s32 $0xFFFFC000  }
0x73: {  	_ =	sdelay $0x7ff  }
0x74: {  	p0 =	seq.s32 s9, $0x4C0;
	_ =	sdelay $0x7ff  }
0x75: {  	s10 =	sadd.s32 @!p0 s9, s19;
	_ =	sdelay $0x7ff  }
0x76: {  	s12 =	simm.s32 @!p0 $0x0;
	s11 =	sadd.s32 @!p0 $0x40, s10;
	_ =	sdelay $0x484  }
0x77: {  	[tilespmem:s12], [sflag:$0x1] =	stream.linear.gather @!p0 [hbm4b:s11+s12], $0x80, $0x38;
	[tilespmem:$0x1C400] =	vst v63  }
0x78: {  	s11 =	sadd.s32 @!p0 s9, s18  }
0x79: {  	s14 =	simm.s32 @!p0 $0x200;
	s13 =	sadd.s32 @!p0 $0x40, s11  }
0x7a: {  	[tilespmem:s14], [sflag:$0x1] =	stream.linear.gather @!p0 [hbm4b:s13+s12], $0x80, $0x38;
	[tilespmem:$0x1C400] =	vst v63  }
0x7b: {  	_ =	swait.ge [sflag:s1], $0x80  }
0x7c: {  	[sflag:s1] =	ssyncset.done $0x0  }
0x7d: {  	[sflag:s1] =	ssyncadd.s32 $0xFFFFFF80  }
0x7e: {  	_ =	swait.ge [sflag:s1], $0x80  }
0x7f: {  	[sflag:s1] =	ssyncset.done $0x0  }
0x80: {  	[sflag:s1] =	ssyncadd.s32 $0xFFFFFF80  }
0x81: {  	[tilespmem:s30], [sflag:$0x5] =	stream.indirect.gather [hbm4b:s4+s22], $0x80, s24, s22, $0xb8;
	[tilespmem:$0x1C400] =	vst v63  }
0x82: {  	_ =	swait.ge [sflag:s20], $0x4000  }
0x83: {  	[sflag:s20] =	ssyncset.done $0x0  }
0x84: {  	[sflag:s20] =	ssyncadd.s32 $0xFFFFC000  }
0x85: {  	[spmem:s2] =	stream.indirect.scatter.add.f32 [tilespmem:s0], [sflag:$0x5], $0x80, s23, s22, $0xb8;
	[tilespmem:$0x1C400] =	vst v63  }
0x86: {  	_ =	swait.ge [sflag:s20], $0x4000  }
0x87: {  	[sflag:s20] =	ssyncset.done $0x0  }
0x88: {  	[sflag:s20] =	ssyncadd.s32 $0xFFFFC000  }
0x89: {  	_ =	sdelay $0x7ff  }
0x8a: {  	_ =	sdelay $0x7ff  }
0x8b: {  	_ =	sdelay $0x7ff  }
0x8c: {  	s10 =	sadd.s32 @!p0 $0x50, s10;
	s13 =	simm.s32 @!p0 $0x80;
	_ =	sdelay $0x484  }
0x8d: {  	[tilespmem:s13], [sflag:$0x2] =	stream.linear.gather @!p0 [hbm4b:s10+s12], $0x80, $0x38;
	[tilespmem:$0x1C400] =	vst v63  }
0x8e: {  	s10 =	sadd.s32 @!p0 $0x50, s11;
	s11 =	simm.s32 @!p0 $0x280  }
0x8f: {  	[tilespmem:s11], [sflag:$0x2] =	stream.linear.gather @!p0 [hbm4b:s10+s12], $0x80, $0x38;
	[tilespmem:$0x1C400] =	vst v63  }
0x90: {  	_ =	swait.ge [sflag:s5], $0x80  }
0x91: {  	[sflag:s5] =	ssyncset.done $0x0  }
0x92: {  	[sflag:s5] =	ssyncadd.s32 $0xFFFFFF80  }
0x93: {  	_ =	swait.ge [sflag:s5], $0x80  }
0x94: {  	[sflag:s5] =	ssyncset.done $0x0  }
0x95: {  	[sflag:s5] =	ssyncadd.s32 $0xFFFFFF80  }
0x96: {  	[tilespmem:s0], [sflag:$0x5] =	stream.indirect.gather [hbm4b:s4+s22], $0x80, s26, s22, $0xb8;
	[tilespmem:$0x1C400] =	vst v63  }
0x97: {  	_ =	swait.ge [sflag:s20], $0x4000  }
0x98: {  	[sflag:s20] =	ssyncset.done $0x0  }
0x99: {  	[sflag:s20] =	ssyncadd.s32 $0xFFFFC000  }
0x9a: {  	[spmem:s2] =	stream.indirect.scatter.add.f32 [tilespmem:s30], [sflag:$0x5], $0x80, s25, s22, $0xb8;
	[tilespmem:$0x1C400] =	vst v63  }
0x9b: {  	_ =	swait.ge [sflag:s20], $0x4000  }
0x9c: {  	[sflag:s20] =	ssyncset.done $0x0  }
.Ltmp2:
0x9d: {  	[sflag:s20] =	ssyncadd.s32 $0xFFFFC000;
	(pc) =	sbr.rel @p0 .LBB2_4-.Ltmp2, $4  }
0x9e: {  	_ =	sdelay $0x7ff  }
0x9f: {  	_ =	sdelay $0x7ff  }
0xa0: {  	_ =	sdelay $0x7ff  }
0xa1: {  	_ =	sdelay $0x484  }
.Ltmp3:
0xa2: {  	s10 =	sadd.s32 s9, s19;
	(pc) =	sbr.rel .LBB2_2-.Ltmp3, $4  }
0xa3: {  	s14 =	sadd.s32 s9, s18;
	s10 =	sadd.s32 $0x60, s10  }
0xa4: {  	[tilespmem:s24], [sflag:$0x3] =	stream.linear.gather [hbm4b:s10+s3], $0x80, $0x38;
	[tilespmem:$0x1C400] =	vst v63  }
0xa5: {  	s9 =	sadd.s32 $0x40, s9;
	s10 =	sadd.s32 $0x60, s14  }
0xa6: {  	[tilespmem:s25], [sflag:$0x3] =	stream.linear.gather [hbm4b:s10+s3], $0x80, $0x38;
	[tilespmem:$0x1C400] =	vst v63  }
.LBB2_5:
0xa7: {  	_ =	sfence.sel $0x180000  }
0xa8: {  	[bflag:$0x0] =	sbarrier.arrive $0xFFFF  }
0xa9: {  	_ =	strace $0x9000004A  }
0xaa: {  	s0 =	stileid.u32;
	[bflag:$0x2] =	sbarrier.arrive $0xFFFF  }
0xab: {  	p0 =	sne.s32 s0, $0x0;
	s0 =	rddreg [dreg:$0x2]  }
0xac: {  	s0 =	sadd.s32 @!p0 $0x100000, s0  }
0xad: {  	[sflag:s0] =	ssyncadd.tile.s32 @!p0 $0x1;
	_ =	shalt  }
.Lfunc_end2:
_tile_overlayer_lowered:
.L_overlay_start_2:
0xae: {  	(tag) =	ssettag $0x2  }
0xaf: {  	s0 =	rddreg [dreg:$0x0];
	s2 =	stileid.u32  }
0xb0: {  	s1 =	rddreg [dreg:$0x1];
	p0 =	sne.s32 s2, $0x0  }
0xb1: {  	s3 =	rddreg [dreg:$0x2];
	[bflag:$0x3] =	sbarrier.arrive $0xFFFF;
	s2 =	simm.s32 @!p0 $0x1C05  }
0xb2: {  	[timem:s3], [sflag:s2] =	dma.local @!p0 [hbm:s0], s1  }
0xb3: {  	s0 =	simm.s32 @!p0 $0x5  }
0xb4: {  	_ =	swait.ge @!p0 [sflag:s0], s1  }
0xb5: {  	s1 =	ssub.s32 @!p0 $0x0, s1;
	[sflag:s0] =	ssyncset.done @!p0 $0x0  }
0xb6: {  	[sflag:s0] =	ssyncadd.s32 @!p0 s1  }
0xb7: {  	[bflag:$0x3] =	sbarrier.arrive $0xFFFF  }
0xb8: {  	_ =	shalt  }

// kernel: kernel.17.cloned.1.call-start
scs
__scs_entry_jumppad:
0x0: {  	(pc) =	sbr.rel $0x88, $3  }
0x1: {  	(tag) =	ssettag $0x0;
	lr =	simm.s32 $0x1  }
0x2: {  	[smem:$0x3F94] =	sst lr;
	_ =	strace $0xD0000000  }
0x3: {  	_ = 	snop  }
0x4: {  	_ = 	snop  }
0x5: {  	_ = 	snop  }
0x6: {  	_ = 	snop  }
0x7: {  	_ = 	snop  }
__scs_overlays_trampoline_lowered:
0x8: {  	[smem:$0x3FA3] =	sst s0  }
0x9: {  	[smem:$0x3FA4] =	sst s1  }
0xa: {  	[smem:$0x3FA5] =	sst s2  }
0xb: {  	[smem:$0x3FA6] =	sst s3  }
0xc: {  	[smem:$0x3FA7] =	sst s4  }
0xd: {  	[smem:$0x3FA8] =	sst s5  }
0xe: {  	[smem:$0x3FA9] =	sst s6  }
0xf: {  	[smem:$0x3FAA] =	sst s7  }
0x10: {  	[smem:$0x3FAB] =	sst s8  }
0x11: {  	[smem:$0x3FAC] =	sst s9;
	s0 =	simm.s32 @!p0 $0x0  }
0x12: {  	s1 =	sld [smem:$0x3F92];
	s0 =	simm.s32 @p0 $0x1  }
0x13: {  	[smem:$0x3FAD] =	sst s0;
	s0 =	simm.s32 @!p1 $0x0  }
0x14: {  	s2 =	sld [smem:$0x3F91];
	s0 =	simm.s32 @p1 $0x1  }
0x15: {  	[smem:$0x3FAE] =	sst s0;
	s0 =	simm.s32 @!p2 $0x0  }
0x16: {  	s3 =	sld [smem:$0x3FDB];
	s0 =	simm.s32 @p2 $0x1  }
0x17: {  	s4 =	simm.s32 $0x1BF5;
	[smem:$0x3FB0] =	sst s0  }
0x18: {  	s0 =	sld [smem:$0x3F93];
	_ =	swait.ge [sflag:s4], $0x0  }
0x19: {  	s7 =	sld [smem:$0x3F94]  }
0x1a: {  	s8 =	sadd.s32 $0xFFFFE003, lr  }
0x1b: {  	s9 =	sadd.s32 $0xFFFFFEF7, lr;
	s5 =	simm.s32 $0xFFFFFFFF;
	p2 =	slt.u32 s8, $0xFFFFF086  }
0x1c: {  	p1 =	slt.u32 s9, $0xF7A;
	s5 =	simm.s32 @!p2 $0x0  }
0x1d: {  	s5 =	simm.s32 @p1 $0x1;
	p0 =	seq.s32 s7, s2  }
0x1e: {  	s7 =	smul.u32 @!p0 $0xF7A, s2;
	p2 =	seq.s32 @!p0 s5, $0x0  }
0x1f: {  	s9 =	smul.u32 $0xF7A, s1;
	s8 =	simm.s32 @!p0 $0x1BF5;
	p2 =	por !p2, p0  }
0x20: {  	[sflag:s8] =	ssyncset.s32 @!p0 $0xFFFFF086;
	s6 =	sadd.s32 @!p0 s3, s7;
	s7 =	simm.s32 @!p0 $0x108  }
0x21: {  	s3 =	sadd.s32 s3, s9;
	s6 =	sadd.s32 @!p0 $0x88, s6;
	s7 =	simm.s32 @p2 $0x1082  }
0x22: {  	[simem:s7], [sflag:s8] =	dma.local @!p0 [hbm:s6], $0xF7A  }
0x23: {  	s9 =	sor.u32 $0xD0000000, s2;
	s6 =	simm.s32 $0x108;
	_ =	swait.ge @!p0 [sflag:s8], $0x0  }
0x24: {  	s3 =	sadd.s32 $0x88, s3;
	s6 =	simm.s32 @!p1 $0x1082;
	[sflag:s4] =	ssyncset.s32 $0xFFFFF086  }
0x25: {  	[simem:s6], [sflag:s4] =	dma.local [hbm:s3], $0xF7A  }
0x26: {  	[smem:$0x3F94] =	sst s1;
	(tag) =	ssettag s2;
	_ =	strace s9  }
0x27: {  	s1 =	sld [smem:$0x3FA4]  }
0x28: {  	s2 =	sld [smem:$0x3FA5]  }
0x29: {  	s4 =	sld [smem:$0x3FA7]  }
0x2a: {  	p0 =	seq.s32 s5, $0x0;
	s5 =	sld [smem:$0x3FA8]  }
0x2b: {  	s6 =	sld [smem:$0x3FA9]  }
0x2c: {  	s7 =	sld [smem:$0x3FAA]  }
0x2d: {  	s3 =	simm.s32 $0x108;
	s8 =	sld [smem:$0x3FAB]  }
0x2e: {  	s3 =	simm.s32 @!p0 $0x1082;
	s9 =	sld [smem:$0x3FAC]  }
0x2f: {  	lr =	sadd.s32 s0, s3;
	s0 =	sld [smem:$0x3FA3]  }
0x30: {  	s3 =	sld [smem:$0x3FA6]  }
0x31: {  	[smem:$0x3FAF] =	sst s10  }
0x32: {  	s10 =	sld [smem:$0x3FAD];
	_ =	sdelay $0x3  }
0x33: {  	p0 =	seq.s32 s10, $0x1;
	s10 =	sld [smem:$0x3FAF];
	_ =	sdelay $0x3  }
0x34: {  	[smem:$0x3FAF] =	sst s10  }
0x35: {  	s10 =	sld [smem:$0x3FAE];
	_ =	sdelay $0x3  }
0x36: {  	p1 =	seq.s32 s10, $0x1;
	s10 =	sld [smem:$0x3FAF];
	_ =	sdelay $0x3  }
0x37: {  	[smem:$0x3FAF] =	sst s10  }
0x38: {  	s10 =	sld [smem:$0x3FB0]  }
0x39: {  	_ = 	snop;
	(pc) =	sbr.ind lr, $3  }
0x3a: {  	_ = 	snop  }
0x3b: {  	_ = 	snop  }
0x3c: {  	p2 =	seq.s32 s10, $0x1;
	s10 =	sld [smem:$0x3FAF]  }
0x3d: {  	_ =	shalt  }
0x3e: {  	_ =	shalt  }
0x3f: {  	_ =	shalt  }
0x40: {  	_ =	shalt  }
0x41: {  	_ =	shalt  }
0x42: {  	_ =	shalt  }
0x43: {  	_ =	shalt  }
0x44: {  	_ =	shalt  }
0x45: {  	_ =	shalt  }
0x46: {  	_ =	shalt  }
0x47: {  	_ =	shalt  }
0x48: {  	_ =	shalt  }
0x49: {  	_ =	shalt  }
0x4a: {  	_ =	shalt  }
0x4b: {  	_ =	shalt  }
0x4c: {  	_ =	shalt  }
0x4d: {  	_ =	shalt  }
0x4e: {  	_ =	shalt  }
0x4f: {  	_ =	shalt  }
0x50: {  	_ =	shalt  }
0x51: {  	_ =	shalt  }
0x52: {  	_ =	shalt  }
0x53: {  	_ =	shalt  }
0x54: {  	_ =	shalt  }
0x55: {  	_ =	shalt  }
0x56: {  	_ =	shalt  }
0x57: {  	_ =	shalt  }
0x58: {  	_ =	shalt  }
0x59: {  	_ =	shalt  }
0x5a: {  	_ =	shalt  }
0x5b: {  	_ =	shalt  }
0x5c: {  	_ =	shalt  }
0x5d: {  	_ =	shalt  }
0x5e: {  	_ =	shalt  }
0x5f: {  	_ =	shalt  }
0x60: {  	_ =	shalt  }
0x61: {  	_ =	shalt  }
0x62: {  	_ =	shalt  }
0x63: {  	_ =	shalt  }
0x64: {  	_ =	shalt  }
0x65: {  	_ =	shalt  }
0x66: {  	_ =	shalt  }
0x67: {  	_ =	shalt  }
0x68: {  	_ =	shalt  }
0x69: {  	_ =	shalt  }
0x6a: {  	_ =	shalt  }
0x6b: {  	_ =	shalt  }
0x6c: {  	_ =	shalt  }
0x6d: {  	_ =	shalt  }
0x6e: {  	_ =	shalt  }
0x6f: {  	_ =	shalt  }
0x70: {  	_ =	shalt  }
0x71: {  	_ =	shalt  }
0x72: {  	_ =	shalt  }
0x73: {  	_ =	shalt  }
0x74: {  	_ =	shalt  }
0x75: {  	_ =	shalt  }
0x76: {  	_ =	shalt  }
0x77: {  	_ =	shalt  }
0x78: {  	_ =	shalt  }
0x79: {  	_ =	shalt  }
0x7a: {  	_ =	shalt  }
0x7b: {  	_ =	shalt  }
0x7c: {  	_ =	shalt  }
0x7d: {  	_ =	shalt  }
0x7e: {  	_ =	shalt  }
0x7f: {  	_ =	shalt  }
0x80: {  	_ =	shalt  }
0x81: {  	_ =	shalt  }
0x82: {  	_ =	shalt  }
0x83: {  	_ =	shalt  }
0x84: {  	_ =	shalt  }
0x85: {  	_ =	shalt  }
0x86: {  	_ =	shalt  }
0x87: {  	_ =	shalt  }
.Lfunc_end0:
.L_simem_size_0:
called_computation.2_lowered:
.L_overlay_start_0:
0x88: {  	s2 =	sld [smem:$0x3FD9]  }
0x89: {  	s3 =	sld [smem:$0x3FFE];
	_ =	sdelay $0x1  }
0x8a: {  	s1 =	srdreg.scid  }
0x8b: {  	s0 =	sand.u32 $0x1, s1  }
0x8c: {  	s16 =	sshll.u32 s0, $0xA;
	s2 =	sadd.s32 s3, s2  }
0x8d: {  	s2 =	sadd.s32 s2, s16  }
0x8e: {  	[smem:$0x3FBB] =	sst s2  }
0x8f: {  	_ = 	snop  }
0x90: {  	(tm) =	ssettm $0x1  }
0x91: {  	s17 =	sld [smem:$0x3FFB];
	_ =	sdelay $0x3  }
0x92: {  	_ =	strace s17  }
0x93: {  	s2 =	sld [smem:$0x3FFC];
	_ =	sdelay $0x3  }
0x94: {  	_ =	strace s2  }
0x95: {  	s2 =	sld [smem:$0x3FFD];
	_ =	sdelay $0x3  }
0x96: {  	_ =	strace s2  }
0x97: {  	_ =	strace $0x8FFFFFFF  }
0x98: {  	s18 =	sld [smem:$0x3FDB];
	_ =	sdelay $0x1  }
0x99: {  	s19 =	simm.s32 $_scs_section_size  }
0x9a: {  	s4 =	simm.s32 $_size__tile_overlayer_lowered;
	s5 =	simm.s32 $_tile_overlayer_lowered  }
0x9b: {  	s22 =	simm.s32 $0x1BFF;
	s21 =	sshll.u32 s5, $0x1;
	s2 =	sadd.s32 s19, s18  }
0x9c: {  	s6 =	simm.s32 $0x0;
	s20 =	sshll.u32 s4, $0x1;
	s4 =	sadd.s32 s21, s2  }
0x9d: {  	[timem:s6], [sflag:s22] =	dma.local [hbm:s4], s20  }
0x9e: {  	_ =	swait.ge [sflag:s22], s20  }
0x9f: {  	s3 =	ssub.s32 $0x0, s20;
	[sflag:s22] =	ssyncset.done $0x0  }
0xa0: {  	[sflag:s22] =	ssyncadd.s32 s3;
	_ =	sdelay $0x1  }
0xa1: {  	s23 =	simm.s32 $0x1B8B  }
0xa2: {  	_ =	swait.ge [sflag:s23], $0x1  }
0xa3: {  	[sflag:s23] =	ssyncset.done $0x0  }
0xa4: {  	s25 =	simm.s32 $0x1B8E;
	s24 =	sld [smem:$0x3FFE];
	[sflag:s23] =	ssyncadd.s32 $0xFFFFFFFF  }
0xa5: {  	s26 =	simm.s32 $execute0_lowered;
	[smem:$0x3FD2] =	sst s25  }
0xa6: {  	s4 =	sshll.u32 s26, $0x1;
	_ =	strace $0x8000004C;
	[dreg:$0x1] =	wrdreg $0xFFFFFFFF  }
0xa7: {  	s28 =	simm.s32 $_size_execute0_lowered;
	s2 =	sadd.s32 s2, s4;
	[dreg:$0x0] =	wrdreg $0x0  }
0xa8: {  	s4 =	sshll.u32 s28, $0x1;
	[dreg:$0x2] =	wrdreg s2  }
0xa9: {  	[dreg:$0x3] =	wrdreg s4  }
0xaa: {  	[dreg:$0x4] =	wrdreg $0xC0  }
0xab: {  	_ =	task [dreg:s6], $0x5FFFF  }
0xac: {  	[dreg:$0x1] =	wrdreg $0xFFFFFFFF  }
0xad: {  	[dreg:$0x0] =	wrdreg $0x60  }
0xae: {  	[dreg:$0x2] =	wrdreg s24  }
0xaf: {  	[dreg:$0x3] =	wrdreg $0x84000  }
0xb0: {  	[dreg:$0x4] =	wrdreg $0x9  }
0xb1: {  	_ =	task.clear_ibuf [dreg:s6], $0x5FFFF;
	_ =	strace $0x9000004C  }
0xb2: {  	s29 =	simm.s32 $0x9;
	_ =	strace $0x8000004E  }
0xb3: {  	_ =	swait.ge [sflag:s29], $0x1  }
0xb4: {  	[sflag:s29] =	ssyncadd.s32 $0xFFFFFFFF  }
0xb5: {  	_ =	strace $0x9000004E  }
0xb6: {  	_ =	sfence  }
0xb7: {  	s30 =	sld [smem:$0x0];
	_ =	sdelay $0x2  }
0xb8: {  	s31 =	sshll.u32 s1, $0xD;
	s1 =	sshrl.u32 s1, $0x2  }
0xb9: {  	s3 =	sand.u32 $0x4000, s31;
	s1 =	sadd.s32 s1, s30  }
0xba: {  	s0 =	sor.u32 s3, s0;
	s1 =	sshll.u32 s1, $0x11  }
0xbb: {  	s0 =	sor.u32 s1, s0  }
0xbc: {  	s0 =	sadd.s32 $0x8F2B, s0  }
0xbd: {  	[sflag:s0] =	ssyncadd.remote.s32 $0x1  }
0xbe: {  	_ =	sfence.sel $0xFFFF  }
0xbf: {  	[dreg:$0x0] =	wrdreg $0xFFFFFFFF;
	(pc) =	sbr.abs _section_cstart, $3  }
0xc0: {  	[dreg:$0x1] =	wrdreg $0xFFFFFFFF  }
0xc1: {  	_ =	task.clear_ibuf [dreg:s6], $0x2FFFF;
	_ =	strace $0x9FFFFFFF  }
0xc2: {  	(tm) =	ssettm $0x7FFFFFFF  }
0xc3: {  	_ =	shalt  }
tec
execute0_lowered:
.L_overlay_start_1:
0x0: {  	(tag) =	ssettag $0x1  }
0x1: {  	s0 =	rddreg [dreg:$0x0]  }
0x2: {  	s2 =	rddreg [dreg:$0x1];
	s14 =	stileid.u32  }
0x3: {  	s3 =	simm.s32 $0x0;
	s1 =	srdreg.scid;
	s5 =	smul.u32 $0x14000, s14  }
0x4: {  	s28 =	simm.s32 $0x380;
	s29 =	simm.s32 $0x1;
	s7 =	smul.u32 $0x50000, s14  }
0x5: {  	s30 =	simm.s32 $0x400;
	s31 =	simm.s32 $0x2;
	s12 =	smul.u32 $0x50, s14  }
0x6: {  	[smem:$0x7FF] =	sst s3;
	s1 =	sand.u32 $0x1, s1;
	s25 =	smul.u32 $0x500, s14  }
0x7: {  	s4 =	sadd.s32 $0x17200, s0;
	s8 =	sadd.s32 $0xD200, s0;
	s6 =	smul.u32 $0x140000, s1  }
0x8: {  	s9 =	sadd.s32 $0x3200, s0;
	s16 =	sshll.u32 s14, $0x6;
	s13 =	smul.u32 $0x500, s1  }
0x9: {  	_ =	strace $0x8000004D;
	s11 =	ssub.s32 $0x2, s1;
	s1 =	smul.u32 $0x5000, s1  }
0xa: {  	s10 =	sshrl.u32 s5, $0x3;
	s15 =	sshrl.u32 s11, $0x1;
	s7 =	sshrl.u32 s7, $0x2  }
0xb: {  	s5 =	sadd.s32 s5, s6;
	s10 =	sadd.s32 s10, s0;
	s6 =	sadd.s32 s12, s13  }
0xc: {  	s7 =	sadd.s32 s7, s2;
	s26 =	sadd.s32 s1, s9;
	s1 =	sadd.s32 s1, s8  }
0xd: {  	s5 =	sshrl.u32 s5, $0x3;
	[dreg:$0x3] =	wrdreg s7;
	s6 =	sshll.u32 s6, $0x4  }
0xe: {  	s10 =	sadd.s32 $0x3E400, s10;
	s7 =	sor.u32 $0x1C05, s16;
	s0 =	sadd.s32 s5, s0  }
0xf: {  	s5 =	ssub.s32 s11, s15;
	[dreg:$0x4] =	wrdreg s10;
	s17 =	sadd.s32 s8, s6  }
0x10: {  	s18 =	sadd.s32 s9, s6;
	s19 =	sor.u32 $0x10, s6;
	[dreg:$0x5] =	wrdreg s17  }
0x11: {  	s13 =	sor.u32 $0x20, s6;
	s6 =	sor.u32 $0x30, s6;
	[dreg:$0x6] =	wrdreg s18  }
0x12: {  	s20 =	sadd.s32 s8, s19;
	s21 =	sadd.s32 s9, s19;
	s22 =	sadd.s32 s8, s13  }
0x13: {  	s23 =	sadd.s32 s9, s13;
	s24 =	sadd.s32 s8, s6;
	s15 =	sadd.s32 s9, s6  }
0x14: {  	s16 =	sadd.s32 $0x66400, s0;
	s17 =	smax.u32 s5, $0x1;
	s18 =	sadd.s32 s25, s26  }
0x15: {  	s19 =	sadd.s32 s25, s1;
	s25 =	simm.s32 $0x300;
	[dreg:$0x7] =	wrdreg s20  }
.Ltmp0:
0x16: {  	s26 =	simm.s32 $0x180;
	[dreg:$0x8] =	wrdreg s21;
	(pc) =	sbr.rel .LBB2_1-.Ltmp0, $4  }
0x17: {  	s0 =	simm.s32 $0x4400;
	s1 =	simm.s32 $0x3;
	[dreg:$0x9] =	wrdreg s22  }
0x18: {  	s5 =	simm.s32 $0x4;
	s6 =	simm.s32 $0x0;
	[dreg:$0xa] =	wrdreg s23  }
0x19: {  	[dreg:$0xb] =	wrdreg s24;
	s20 =	simm.s32 $0x5;
	s21 =	simm.s32 $0x200  }
0x1a: {  	s22 =	simm.s32 $0x80;
	s23 =	simm.s32 $0x280;
	s24 =	simm.s32 $0x100  }
.LBB2_4:
0x1b: {  	[spmem:s2] =	stream.indirect.scatter.add.f32 [tilespmem:s0], [sflag:$0x5], $0x80, s28, s22, $0xb8;
	[tilespmem:$0x1C400] =	vst v63  }
0x1c: {  	_ =	swait.ge [sflag:s20], $0x4000  }
0x1d: {  	[sflag:s20] =	ssyncset.done $0x0  }
0x1e: {  	[sflag:s20] =	ssyncadd.s32 $0xFFFFC000  }
0x1f: {  	_ =	sdelay $0x7ff  }
0x20: {  	_ =	sdelay $0x7ff  }
0x21: {  	_ =	sdelay $0x7ff  }
0x22: {  	_ =	sdelay $0x7ff  }
0x23: {  	_ =	sdelay $0x7ff  }
0x24: {  	_ =	sdelay $0x7ff  }
0x25: {  	_ =	sdelay $0x7ff  }
0x26: {  	_ =	sdelay $0x7ff  }
0x27: {  	_ =	sdelay $0x7ff  }
0x28: {  	_ =	sdelay $0x7ff  }
0x29: {  	_ =	sdelay $0x7ff  }
0x2a: {  	_ =	sdelay $0x7ff  }
0x2b: {  	_ =	sdelay $0x7ff  }
0x2c: {  	_ =	sdelay $0x7ff  }
0x2d: {  	_ =	sdelay $0x7ff  }
0x2e: {  	_ =	sdelay $0x7ff  }
0x2f: {  	_ =	sdelay $0x7ff  }
0x30: {  	s6 =	sadd.s32 $0x1, s6;
	_ =	sdelay $0x7ff  }
0x31: {  	p0 =	sne.s32 s6, s17;
	_ =	sdelay $0xc9  }
.Ltmp1:
0x32: {  	[bflag:$0x0] =	sbarrier.arrive $0xFFFF;
	(pc) =	sbr.rel @!p0 .LBB2_5-.Ltmp1, $4  }
0x33: {  	[hbm:s16], [sflag:s7] =	dma.local [spmem:s8], $0x2800  }
0x34: {  	_ =	swait.ge [sflag:s20], $0x2800  }
0x35: {  	[sflag:s20] =	ssyncset.done $0x0  }
0x36: {  	[sflag:s20] =	ssyncadd.s32 $0xFFFFD800  }
.LBB2_1:
0x37: {  	s8 =	rddreg [dreg:$0x3]  }
0x38: {  	s9 =	rddreg [dreg:$0x4];
	s8 =	sshrl.u32 s8, $0x3  }
0x39: {  	[spmem:s8], [sflag:s7] =	dma.local [hbm:s9], $0x2800  }
0x3a: {  	_ =	swait.ge [sflag:s20], $0x2800  }
0x3b: {  	[sflag:s20] =	ssyncset.done $0x0  }
0x3c: {  	[sflag:s20] =	ssyncadd.s32 $0xFFFFD800  }
0x3d: {  	[bflag:$0x0] =	sbarrier.arrive $0xFFFF  }
0x3e: {  	s13 =	rddreg [dreg:$0x5]  }
0x3f: {  	[tilespmem:s3], [sflag:$0x1] =	stream.linear.gather [hbm4b:s13+s3], $0x80, $0x38;
	[tilespmem:$0x1C400] =	vst v63  }
0x40: {  	s14 =	rddreg [dreg:$0x6]  }
0x41: {  	[tilespmem:s21], [sflag:$0x1] =	stream.linear.gather [hbm4b:s14+s3], $0x80, $0x38;
	[tilespmem:$0x1C400] =	vst v63  }
0x42: {  	s10 =	rddreg [dreg:$0x7]  }
0x43: {  	[tilespmem:s22], [sflag:$0x2] =	stream.linear.gather [hbm4b:s10+s3], $0x80, $0x38;
	[tilespmem:$0x1C400] =	vst v63  }
0x44: {  	s11 =	rddreg [dreg:$0x8]  }
0x45: {  	[tilespmem:s23], [sflag:$0x2] =	stream.linear.gather [hbm4b:s11+s3], $0x80, $0x38;
	[tilespmem:$0x1C400] =	vst v63  }
0x46: {  	s12 =	rddreg [dreg:$0x9]  }
0x47: {  	[tilespmem:s24], [sflag:$0x3] =	stream.linear.gather [hbm4b:s12+s3], $0x80, $0x38;
	[tilespmem:$0x1C400] =	vst v63  }
0x48: {  	s13 =	rddreg [dreg:$0xa]  }
0x49: {  	[tilespmem:s25], [sflag:$0x3] =	stream.linear.gather [hbm4b:s13+s3], $0x80, $0x38;
	[tilespmem:$0x1C400] =	vst v63  }
0x4a: {  	s14 =	rddreg [dreg:$0xb]  }
0x4b: {  	[tilespmem:s26], [sflag:$0x4] =	stream.linear.gather [hbm4b:s14+s3], $0x80, $0x38;
	[tilespmem:$0x1C400] =	vst v63  }
0x4c: {  	s9 =	simm.s32 $0x0  }
0x4d: {  	[tilespmem:s28], [sflag:$0x4] =	stream.linear.gather [hbm4b:s15+s3], $0x80, $0x38;
	[tilespmem:$0x1C400] =	vst v63  }
.LBB2_2:
0x4e: {  	_ =	swait.ge [sflag:s29], $0x80  }
0x4f: {  	[sflag:s29] =	ssyncset.done $0x0  }
0x50: {  	[sflag:s29] =	ssyncadd.s32 $0xFFFFFF80  }
0x51: {  	_ =	swait.ge [sflag:s29], $0x80  }
0x52: {  	[sflag:s29] =	ssyncset.done $0x0  }
0x53: {  	[sflag:s29] =	ssyncadd.s32 $0xFFFFFF80  }
0x54: {  	[tilespmem:s30], [sflag:$0x5] =	stream.indirect.gather [hbm4b:s4+s22], $0x80, s3, s22, $0xb8;
	[tilespmem:$0x1C400] =	vst v63  }
0x55: {  	p0 =	seq.s32 s9, $0x0;
	_ =	swait.ge [sflag:s20], $0x4000  }
0x56: {  	s10 =	simm.s32 @!p0 $0x80;
	[sflag:s20] =	ssyncset.done $0x0  }
0x57: {  	s11 =	simm.s32 @!p0 $0x380;
	s12 =	simm.s32 @!p0 $0x4400;
	[sflag:s20] =	ssyncadd.s32 $0xFFFFC000  }
0x58: {  	[spmem:s2] =	stream.indirect.scatter.add.f32 @!p0 [tilespmem:s12], [sflag:$0x5], $0x80, s11, s10, $0xb8;
	[tilespmem:$0x1C400] =	vst v63  }
0x59: {  	s10 =	simm.s32 @!p0 $0x5  }
0x5a: {  	_ =	swait.ge @!p0 [sflag:s10], $0x4000  }
0x5b: {  	[sflag:s10] =	ssyncset.done @!p0 $0x0  }
0x5c: {  	[sflag:s10] =	ssyncadd.s32 @!p0 $0xFFFFC000  }
0x5d: {  	_ =	sdelay @!p0 $0x7ff  }
0x5e: {  	_ =	sdelay @!p0 $0x7ff  }
0x5f: {  	s13 =	simm.s32 @!p0 $0x180;
	s10 =	sadd.s32 @!p0 s9, s19;
	_ =	sdelay @!p0 $0x7ff  }
0x60: {  	s12 =	simm.s32 @!p0 $0x0;
	s10 =	sadd.s32 @!p0 $0x30, s10;
	_ =	sdelay @!p0 $0x484  }
0x61: {  	[tilespmem:s13], [sflag:$0x4] =	stream.linear.gather @!p0 [hbm4b:s10+s12], $0x80, $0x38;
	[tilespmem:$0x1C400] =	vst v63  }
0x62: {  	s10 =	sadd.s32 @!p0 s9, s18  }
0x63: {  	s10 =	sadd.s32 @!p0 $0x30, s10  }
0x64: {  	[tilespmem:s11], [sflag:$0x4] =	stream.linear.gather @!p0 [hbm4b:s10+s12], $0x80, $0x38;
	[tilespmem:$0x1C400] =	vst v63  }
0x65: {  	_ =	swait.ge [sflag:s31], $0x80  }
0x66: {  	[sflag:s31] =	ssyncset.done $0x0  }
0x67: {  	[sflag:s31] =	ssyncadd.s32 $0xFFFFFF80  }
0x68: {  	_ =	swait.ge [sflag:s31], $0x80  }
0x69: {  	[sflag:s31] =	ssyncset.done $0x0  }
0x6a: {  	[sflag:s31] =	ssyncadd.s32 $0xFFFFFF80  }
0x6b: {  	[tilespmem:s0], [sflag:$0x5] =	stream.indirect.gather [hbm4b:s4+s22], $0x80, s22, s22, $0xb8;
	[tilespmem:$0x1C400] =	vst v63  }
0x6c: {  	_ =	swait.ge [sflag:s20], $0x4000  }
0x6d: {  	[sflag:s20] =	ssyncset.done $0x0  }
0x6e: {  	[sflag:s20] =	ssyncadd.s32 $0xFFFFC000  }
0x6f: {  	[spmem:s2] =	stream.indirect.scatter.add.f32 [tilespmem:s30], [sflag:$0x5], $0x80, s21, s22, $0xb8;
	[tilespmem:$0x1C400] =	vst v63  }
0x70: {  	_ =	swait.ge [sflag:s20], $0x4000  }
0x71: {  	[sflag:s20] =	ssyncset.done $0x0  }
0x72: {  	[sflag:s20] =	ssyncadd.s32 $0xFFFFC000  }
0x73: {  	_ =	sdelay $0x7ff  }
0x74: {  	p0 =	seq.s32 s9, $0x4C0;
	_ =	sdelay $0x7ff  }
0x75: {  	s10 =	sadd.s32 @!p0 s9, s19;
	_ =	sdelay $0x7ff  }
0x76: {  	s12 =	simm.s32 @!p0 $0x0;
	s11 =	sadd.s32 @!p0 $0x40, s10;
	_ =	sdelay $0x484  }
0x77: {  	[tilespmem:s12], [sflag:$0x1] =	stream.linear.gather @!p0 [hbm4b:s11+s12], $0x80, $0x38;
	[tilespmem:$0x1C400] =	vst v63  }
0x78: {  	s11 =	sadd.s32 @!p0 s9, s18  }
0x79: {  	s14 =	simm.s32 @!p0 $0x200;
	s13 =	sadd.s32 @!p0 $0x40, s11  }
0x7a: {  	[tilespmem:s14], [sflag:$0x1] =	stream.linear.gather @!p0 [hbm4b:s13+s12], $0x80, $0x38;
	[tilespmem:$0x1C400] =	vst v63  }
0x7b: {  	_ =	swait.ge [sflag:s1], $0x80  }
0x7c: {  	[sflag:s1] =	ssyncset.done $0x0  }
0x7d: {  	[sflag:s1] =	ssyncadd.s32 $0xFFFFFF80  }
0x7e: {  	_ =	swait.ge [sflag:s1], $0x80  }
0x7f: {  	[sflag:s1] =	ssyncset.done $0x0  }
0x80: {  	[sflag:s1] =	ssyncadd.s32 $0xFFFFFF80  }
0x81: {  	[tilespmem:s30], [sflag:$0x5] =	stream.indirect.gather [hbm4b:s4+s22], $0x80, s24, s22, $0xb8;
	[tilespmem:$0x1C400] =	vst v63  }
0x82: {  	_ =	swait.ge [sflag:s20], $0x4000  }
0x83: {  	[sflag:s20] =	ssyncset.done $0x0  }
0x84: {  	[sflag:s20] =	ssyncadd.s32 $0xFFFFC000  }
0x85: {  	[spmem:s2] =	stream.indirect.scatter.add.f32 [tilespmem:s0], [sflag:$0x5], $0x80, s23, s22, $0xb8;
	[tilespmem:$0x1C400] =	vst v63  }
0x86: {  	_ =	swait.ge [sflag:s20], $0x4000  }
0x87: {  	[sflag:s20] =	ssyncset.done $0x0  }
0x88: {  	[sflag:s20] =	ssyncadd.s32 $0xFFFFC000  }
0x89: {  	_ =	sdelay $0x7ff  }
0x8a: {  	_ =	sdelay $0x7ff  }
0x8b: {  	_ =	sdelay $0x7ff  }
0x8c: {  	s10 =	sadd.s32 @!p0 $0x50, s10;
	s13 =	simm.s32 @!p0 $0x80;
	_ =	sdelay $0x484  }
0x8d: {  	[tilespmem:s13], [sflag:$0x2] =	stream.linear.gather @!p0 [hbm4b:s10+s12], $0x80, $0x38;
	[tilespmem:$0x1C400] =	vst v63  }
0x8e: {  	s10 =	sadd.s32 @!p0 $0x50, s11;
	s11 =	simm.s32 @!p0 $0x280  }
0x8f: {  	[tilespmem:s11], [sflag:$0x2] =	stream.linear.gather @!p0 [hbm4b:s10+s12], $0x80, $0x38;
	[tilespmem:$0x1C400] =	vst v63  }
0x90: {  	_ =	swait.ge [sflag:s5], $0x80  }
0x91: {  	[sflag:s5] =	ssyncset.done $0x0  }
0x92: {  	[sflag:s5] =	ssyncadd.s32 $0xFFFFFF80  }
0x93: {  	_ =	swait.ge [sflag:s5], $0x80  }
0x94: {  	[sflag:s5] =	ssyncset.done $0x0  }
0x95: {  	[sflag:s5] =	ssyncadd.s32 $0xFFFFFF80  }
0x96: {  	[tilespmem:s0], [sflag:$0x5] =	stream.indirect.gather [hbm4b:s4+s22], $0x80, s26, s22, $0xb8;
	[tilespmem:$0x1C400] =	vst v63  }
0x97: {  	_ =	swait.ge [sflag:s20], $0x4000  }
0x98: {  	[sflag:s20] =	ssyncset.done $0x0  }
0x99: {  	[sflag:s20] =	ssyncadd.s32 $0xFFFFC000  }
0x9a: {  	[spmem:s2] =	stream.indirect.scatter.add.f32 [tilespmem:s30], [sflag:$0x5], $0x80, s25, s22, $0xb8;
	[tilespmem:$0x1C400] =	vst v63  }
0x9b: {  	_ =	swait.ge [sflag:s20], $0x4000  }
0x9c: {  	[sflag:s20] =	ssyncset.done $0x0  }
.Ltmp2:
0x9d: {  	[sflag:s20] =	ssyncadd.s32 $0xFFFFC000;
	(pc) =	sbr.rel @p0 .LBB2_4-.Ltmp2, $4  }
0x9e: {  	_ =	sdelay $0x7ff  }
0x9f: {  	_ =	sdelay $0x7ff  }
0xa0: {  	_ =	sdelay $0x7ff  }
0xa1: {  	_ =	sdelay $0x484  }
.Ltmp3:
0xa2: {  	s10 =	sadd.s32 s9, s19;
	(pc) =	sbr.rel .LBB2_2-.Ltmp3, $4  }
0xa3: {  	s14 =	sadd.s32 s9, s18;
	s10 =	sadd.s32 $0x60, s10  }
0xa4: {  	[tilespmem:s24], [sflag:$0x3] =	stream.linear.gather [hbm4b:s10+s3], $0x80, $0x38;
	[tilespmem:$0x1C400] =	vst v63  }
0xa5: {  	s9 =	sadd.s32 $0x40, s9;
	s10 =	sadd.s32 $0x60, s14  }
0xa6: {  	[tilespmem:s25], [sflag:$0x3] =	stream.linear.gather [hbm4b:s10+s3], $0x80, $0x38;
	[tilespmem:$0x1C400] =	vst v63  }
.LBB2_5:
0xa7: {  	_ =	sfence.sel $0x180000  }
0xa8: {  	[bflag:$0x0] =	sbarrier.arrive $0xFFFF  }
0xa9: {  	_ =	strace $0x9000004D  }
0xaa: {  	s0 =	stileid.u32;
	[bflag:$0x2] =	sbarrier.arrive $0xFFFF  }
0xab: {  	p0 =	sne.s32 s0, $0x0;
	s0 =	rddreg [dreg:$0x2]  }
0xac: {  	s0 =	sadd.s32 @!p0 $0x100000, s0  }
0xad: {  	[sflag:s0] =	ssyncadd.tile.s32 @!p0 $0x1;
	_ =	shalt  }
.Lfunc_end2:
_tile_overlayer_lowered:
.L_overlay_start_2:
0xae: {  	(tag) =	ssettag $0x2  }
0xaf: {  	s0 =	rddreg [dreg:$0x0];
	s2 =	stileid.u32  }
0xb0: {  	s1 =	rddreg [dreg:$0x1];
	p0 =	sne.s32 s2, $0x0  }
0xb1: {  	s3 =	rddreg [dreg:$0x2];
	[bflag:$0x3] =	sbarrier.arrive $0xFFFF;
	s2 =	simm.s32 @!p0 $0x1C05  }
0xb2: {  	[timem:s3], [sflag:s2] =	dma.local @!p0 [hbm:s0], s1  }
0xb3: {  	s0 =	simm.s32 @!p0 $0x5  }
0xb4: {  	_ =	swait.ge @!p0 [sflag:s0], s1  }
0xb5: {  	s1 =	ssub.s32 @!p0 $0x0, s1;
	[sflag:s0] =	ssyncset.done @!p0 $0x0  }
0xb6: {  	[sflag:s0] =	ssyncadd.s32 @!p0 s1  }
0xb7: {  	[bflag:$0x3] =	sbarrier.arrive $0xFFFF  }
0xb8: {  	_ =	shalt  }

</sc_bundles>
